<compile_context>
chip_gen: v7x
topology: tpu7x:2x2x1
jax: 0.10.2.dev20260603
libtpu: 0.0.44.dev20260713+nightly
codegen_flags: <defaults>
</compile_context>

<pallas_src>
import functools

import jax
import jax.numpy as jnp
from jax import lax
from jax.experimental import pallas as pl
from jax.experimental.pallas import tpu as pltpu
from jax.experimental.pallas import tpu_sc as plsc

_DIM = 32
_BLK = 128
_WAVE = 4


def _make_sc_kernel(batch):
    info = plsc.get_sparse_core_info()
    nc, ns, lanes = info.num_cores, info.num_subcores, info.num_lanes
    nw = nc * ns
    bpw = batch // nw
    nchunk = bpw // lanes

    mesh = plsc.VectorSubcoreMesh(core_axis_name="c", subcore_axis_name="s")

    @functools.partial(
        pl.kernel,
        mesh=mesh,
        compiler_params=pltpu.CompilerParams(
            needs_layout_passes=False, use_tc_tiling_on_sc=True),
        out_type=jax.ShapeDtypeStruct((batch,), jnp.float32),
        scratch_types=[
            pltpu.VMEM((bpw,), jnp.int32),
            pltpu.VMEM((bpw,), jnp.int32),
            pltpu.VMEM((_DIM, _WAVE * _BLK), jnp.float32),
            pltpu.VMEM((_DIM, _WAVE * _BLK), jnp.float32),
            pltpu.VMEM((_DIM, _WAVE * _BLK), jnp.float32),
            pltpu.VMEM((_DIM, _WAVE * _BLK), jnp.float32),
            pltpu.VMEM((bpw,), jnp.float32),
            pltpu.VMEM((lanes,), jnp.float32),
            pltpu.SemaphoreType.DMA,
            pltpu.SemaphoreType.DMA,
        ],
    )
    def k(user_hbm, item_hbm, ut_hbm, it_hbm, bias_hbm, out_hbm,
          uidx_v, iidx_v, ubuf0, ubuf1, ibuf0, ibuf1, out_v, bias_v,
          sem0, sem1):
        wid = lax.axis_index("s") * nc + lax.axis_index("c")
        base = wid * bpw

        pltpu.sync_copy(user_hbm.at[pl.ds(base, bpw)], uidx_v)
        pltpu.sync_copy(item_hbm.at[pl.ds(base, bpw)], iidx_v)
        pltpu.sync_copy(bias_hbm, bias_v)

        lane_iota = lax.iota(jnp.int32, lanes)
        d_lo = lane_iota
        d_hi = lane_iota + lanes
        bias_vec = bias_v[...]
        ubufs, ibufs, sems = (ubuf0, ubuf1), (ibuf0, ibuf1), (sem0, sem1)

        def fire(uchunk, ichunk, w4, p):
            for kk in range(_WAVE):
                ru = uchunk[w4 * _WAVE + kk]
                ri = ichunk[w4 * _WAVE + kk]
                su = pl.multiple_of((ru >> 7) * _BLK, _BLK)
                si = pl.multiple_of((ri >> 7) * _BLK, _BLK)
                dst = pl.ds(kk * _BLK, _BLK)
                for t in range(_DIM // 8):
                    rows = pl.ds(t * 8, 8)
                    pltpu.async_copy(
                        ut_hbm.at[rows, pl.ds(su, _BLK)],
                        ubufs[p].at[rows, dst], sems[p])
                    pltpu.async_copy(
                        it_hbm.at[rows, pl.ds(si, _BLK)],
                        ibufs[p].at[rows, dst], sems[p])

        def wait(p):
            pltpu.make_async_copy(
                ut_hbm.at[:, pl.ds(0, _WAVE * _BLK)], ubufs[p], sems[p]
            ).wait()
            pltpu.make_async_copy(
                it_hbm.at[:, pl.ds(0, _WAVE * _BLK)], ibufs[p], sems[p]
            ).wait()

        def compute(uchunk, ichunk, w4, p, acc):
            for kk in range(_WAVE):
                pos = w4 * _WAVE + kk
                cu = (uchunk[pos] & (_BLK - 1)) + kk * _BLK
                ci = (ichunk[pos] & (_BLK - 1)) + kk * _BLK
                cuv = jnp.full((lanes,), cu, jnp.int32)
                civ = jnp.full((lanes,), ci, jnp.int32)
                u0 = plsc.load_gather(ubufs[p], [d_lo, cuv])
                u1 = plsc.load_gather(ubufs[p], [d_hi, cuv])
                i0 = plsc.load_gather(ibufs[p], [d_lo, civ])
                i1 = plsc.load_gather(ibufs[p], [d_hi, civ])
                dot = jnp.sum(u0 * i0 + u1 * i1)
                acc = jnp.where(lane_iota == pos,
                                jnp.full((lanes,), dot, jnp.float32), acc)
            return acc

        def chunk_at(j):
            return uidx_v[pl.ds(j * lanes, lanes)], iidx_v[pl.ds(j * lanes, lanes)]

        def body(j, carry):
            uchunk, ichunk = chunk_at(j)
            acc = jnp.zeros((lanes,), jnp.float32)
            fire(uchunk, ichunk, 0, 0)
            nwaves = lanes // _WAVE
            for w4 in range(nwaves):
                p = w4 & 1
                if w4 + 1 < nwaves:
                    fire(uchunk, ichunk, w4 + 1, (w4 + 1) & 1)
                wait(p)
                acc = compute(uchunk, ichunk, w4, p, acc)
            z = acc + bias_vec
            out_v[pl.ds(j * lanes, lanes)] = 1.0 / (1.0 + jnp.exp(-z))
            return carry

        lax.fori_loop(0, nchunk, body, 0)

        pltpu.sync_copy(out_v, out_hbm.at[pl.ds(base, bpw)])

    return k


def kernel(user, item, user_emb, item_emb, bias):
    batch = user.shape[0]
    lanes = plsc.get_sparse_core_info().num_lanes
    user = user.astype(jnp.int32)
    item = item.astype(jnp.int32)
    bias16 = jnp.broadcast_to(bias.astype(jnp.float32), (lanes,))
    k = _make_sc_kernel(batch)
    return k(user, item, user_emb.T, item_emb.T, bias16)

# --- scband reference (transcript-rebuilt; emitter-appended) ---
"""Pipeline reference for scband-mfmodel-65309272703361 (READ-ONLY COPY).

The authoritative reference and input builder live on the scoring server;
editing this copy changes nothing except your own understanding.
"""

import jax, jax.numpy as jnp
import numpy as np

NUM_USERS = 1000000
NUM_ITEMS = 1000000
DIM = 32
BATCH = 16384

def setup_inputs(seed: int = 0) -> dict:
    key = jax.random.key(seed)
    k_u, k_i, k_ue, k_ie = jax.random.split(key, 4)
    user = jax.random.randint(k_u, (BATCH,), 0, NUM_USERS, dtype=jnp.int64 if jax.config.jax_enable_x64 else jnp.int32)
    item = jax.random.randint(k_i, (BATCH,), 0, NUM_ITEMS, dtype=jnp.int64 if jax.config.jax_enable_x64 else jnp.int32)
    user_emb = 0.01 * jax.random.normal(k_ue, (NUM_USERS, DIM), dtype=jnp.float32)
    item_emb = 0.01 * jax.random.normal(k_ie, (NUM_ITEMS, DIM), dtype=jnp.float32)
    bias = jnp.zeros((1,), dtype=jnp.float32)
    return {"user": user, "item": item, "user_emb": user_emb, "item_emb": item_emb, "bias": bias}

def reference(user, item, user_emb, item_emb, bias):
    u = jnp.take(user_emb, user, axis=0)           # [B, DIM] gather
    i = jnp.take(item_emb, item, axis=0)           # [B, DIM] gather
    dot = (u * i).sum(axis=1) + bias               # [B]
    return jax.nn.sigmoid(dot)

if __name__ == "__main__":
    import jax
    _d = setup_inputs()
    print(jax.jit(kernel)(*tuple(_d.values())))

</pallas_src>

<mosaic_0001>
#map = affine_map<(d0, d1) -> (0)>
#map1 = affine_map<(d0, d1) -> (0, 0)>
module attributes {stable_mosaic.version = 14 : i64} {
  func.func @k(%arg0: i32, %arg1: i32, %arg2: memref<16384xi32, #tpu.memory_space<hbm>>, %arg3: memref<16384xi32, #tpu.memory_space<hbm>>, %arg4: memref<32x1000000xf32, #tpu.memory_space<hbm>>, %arg5: memref<32x1000000xf32, #tpu.memory_space<hbm>>, %arg6: memref<16xf32, #tpu.memory_space<hbm>>, %arg7: memref<16384xf32, #tpu.memory_space<hbm>>, %arg8: memref<512xi32, #tpu.memory_space<vmem>>, %arg9: memref<512xi32, #tpu.memory_space<vmem>>, %arg10: memref<32x512xf32, #tpu.memory_space<vmem>>, %arg11: memref<32x512xf32, #tpu.memory_space<vmem>>, %arg12: memref<32x512xf32, #tpu.memory_space<vmem>>, %arg13: memref<32x512xf32, #tpu.memory_space<vmem>>, %arg14: memref<512xf32, #tpu.memory_space<vmem>>, %arg15: memref<16xf32, #tpu.memory_space<vmem>>, %arg16: memref<!tpu.dma_semaphore, #tpu.memory_space<semaphore_mem>>, %arg17: memref<!tpu.dma_semaphore, #tpu.memory_space<semaphore_mem>>) attributes {dimension_semantics = [#tpu.dimension_semantics<core_parallel>, #tpu.dimension_semantics<subcore_parallel>], iteration_bounds = array<i64: 2, 16>, scalar_prefetch = 0 : i64, scratch_operands = 10 : i64, tpu.core_type = #tpu.core_type<sc_vector_subcore>, window_params = [{transform_indices = #map}, {transform_indices = #map}, {transform_indices = #map1}, {transform_indices = #map1}, {transform_indices = #map}, {transform_indices = #map}]} {
    %mul3A = arith.constant 2 : i32
    %mul3A_0 = arith.muli %arg1, %mul3A : i32
    %add3A = arith.addi %mul3A_0, %arg0 : i32
    %mul3A_1 = arith.constant 512 : i32
    %mul3A_2 = arith.muli %add3A, %mul3A_1 : i32
    "tpu.region"() ({
      %run_scoped3A = tpu.sem_alloc : memref<!tpu.dma_semaphore, #tpu.memory_space<semaphore_mem>>
      %dma_start3A = tpu.memref_slice %arg2[%mul3A_2] : memref<16384xi32, #tpu.memory_space<hbm>> -> memref<512xi32, #tpu.memory_space<hbm>>
      %dma_start3A_12 = tpu.memref_slice %arg2[%mul3A_2] : memref<16384xi32, #tpu.memory_space<hbm>> -> memref<512xi32, #tpu.memory_space<hbm>>
      tpu.enqueue_dma source(%dma_start3A_12 : memref<512xi32, #tpu.memory_space<hbm>>) target(%arg8 : memref<512xi32, #tpu.memory_space<vmem>>) target_semaphore(%run_scoped3A : memref<!tpu.dma_semaphore, #tpu.memory_space<semaphore_mem>>)
      %dma_wait3A = tpu.memref_slice %arg2[%mul3A_2] : memref<16384xi32, #tpu.memory_space<hbm>> -> memref<512xi32, #tpu.memory_space<hbm>>
      %dma_wait3A_13 = tpu.memref_slice %arg2[%mul3A_2] : memref<16384xi32, #tpu.memory_space<hbm>> -> memref<512xi32, #tpu.memory_space<hbm>>
      tpu.wait_dma2 semaphore(%run_scoped3A : memref<!tpu.dma_semaphore, #tpu.memory_space<semaphore_mem>>) src(%dma_wait3A_13 : memref<512xi32, #tpu.memory_space<hbm>>) dst(%arg8 : memref<512xi32, #tpu.memory_space<vmem>>)
      tpu.yield
    }) : () -> ()
    "tpu.region"() ({
      %run_scoped3A = tpu.sem_alloc : memref<!tpu.dma_semaphore, #tpu.memory_space<semaphore_mem>>
      %dma_start3A = tpu.memref_slice %arg3[%mul3A_2] : memref<16384xi32, #tpu.memory_space<hbm>> -> memref<512xi32, #tpu.memory_space<hbm>>
      %dma_start3A_12 = tpu.memref_slice %arg3[%mul3A_2] : memref<16384xi32, #tpu.memory_space<hbm>> -> memref<512xi32, #tpu.memory_space<hbm>>
      tpu.enqueue_dma source(%dma_start3A_12 : memref<512xi32, #tpu.memory_space<hbm>>) target(%arg9 : memref<512xi32, #tpu.memory_space<vmem>>) target_semaphore(%run_scoped3A : memref<!tpu.dma_semaphore, #tpu.memory_space<semaphore_mem>>)
      %dma_wait3A = tpu.memref_slice %arg3[%mul3A_2] : memref<16384xi32, #tpu.memory_space<hbm>> -> memref<512xi32, #tpu.memory_space<hbm>>
      %dma_wait3A_13 = tpu.memref_slice %arg3[%mul3A_2] : memref<16384xi32, #tpu.memory_space<hbm>> -> memref<512xi32, #tpu.memory_space<hbm>>
      tpu.wait_dma2 semaphore(%run_scoped3A : memref<!tpu.dma_semaphore, #tpu.memory_space<semaphore_mem>>) src(%dma_wait3A_13 : memref<512xi32, #tpu.memory_space<hbm>>) dst(%arg9 : memref<512xi32, #tpu.memory_space<vmem>>)
      tpu.yield
    }) : () -> ()
    "tpu.region"() ({
      %run_scoped3A = tpu.sem_alloc : memref<!tpu.dma_semaphore, #tpu.memory_space<semaphore_mem>>
      tpu.enqueue_dma source(%arg6 : memref<16xf32, #tpu.memory_space<hbm>>) target(%arg15 : memref<16xf32, #tpu.memory_space<vmem>>) target_semaphore(%run_scoped3A : memref<!tpu.dma_semaphore, #tpu.memory_space<semaphore_mem>>)
      tpu.wait_dma2 semaphore(%run_scoped3A : memref<!tpu.dma_semaphore, #tpu.memory_space<semaphore_mem>>) src(%arg6 : memref<16xf32, #tpu.memory_space<hbm>>) dst(%arg15 : memref<16xf32, #tpu.memory_space<vmem>>)
      tpu.yield
    }) : () -> ()
    %iota3A = tpu.iota {dimensions = array<i32: 0>} : vector<16xi32>
    %add3A_3 = arith.constant 16 : i32
    %add3A_4 = vector.broadcast %add3A_3 : i32 to vector<16xi32>
    %add3A_5 = arith.addi %iota3A, %add3A_4 : vector<16xi32>
    %get3A = arith.constant 0 : index
    %get3A_6 = tpu.vector_load %arg15[%get3A] {strides = array<i32>} : memref<16xf32, #tpu.memory_space<vmem>>, vector<16xf32>,
    %scan3A = arith.constant 0 : i32
    %scan3A_7 = arith.constant 0 : i32
    %scan3A_8 = arith.constant 32 : i32
    %scan3A_9 = arith.addi %scan3A_7, %scan3A_8 : i32
    %scan3A_10 = arith.constant 1 : i32
    scf.for %scan3A_12 = %scan3A_7 to %scan3A_9 step %scan3A_10  : i32 {
      %mul3A_13 = arith.constant 16 : i32
      %mul3A_14 = arith.muli %scan3A_12, %mul3A_13 : i32
      %get3A_15 = arith.index_cast %mul3A_14 : i32 to index
      %get3A_16 = tpu.vector_load %arg8[%get3A_15] {strides = array<i32>} : memref<512xi32, #tpu.memory_space<vmem>>, vector<16xi32>,
      %mul3A_17 = arith.constant 16 : i32
      %mul3A_18 = arith.muli %scan3A_12, %mul3A_17 : i32
      %get3A_19 = arith.index_cast %mul3A_18 : i32 to index
      %get3A_20 = tpu.vector_load %arg9[%get3A_19] {strides = array<i32>} : memref<512xi32, #tpu.memory_space<vmem>>, vector<16xi32>,
      %broadcast_in_dim3A = arith.constant 0.000000e+00 : f32
      %broadcast_in_dim3A_21 = vector.broadcast %broadcast_in_dim3A : f32 to vector<16xf32>
      %slice3A = vector.extract_strided_slice %get3A_16 {offsets = [0], sizes = [1], strides = [1]} : vector<16xi32> to vector<1xi32>
      %squeeze3A = vector.extract %slice3A[0] : i32 from vector<1xi32>
      %slice3A_22 = vector.extract_strided_slice %get3A_20 {offsets = [0], sizes = [1], strides = [1]} : vector<16xi32> to vector<1xi32>
      %squeeze3A_23 = vector.extract %slice3A_22[0] : i32 from vector<1xi32>
      %shift_right_arithmetic3A = arith.constant 7 : i32
      %shift_right_arithmetic3A_24 = arith.shrsi %squeeze3A, %shift_right_arithmetic3A : i32
      %mul3A_25 = arith.constant 128 : i32
      %mul3A_26 = arith.muli %shift_right_arithmetic3A_24, %mul3A_25 : i32
      %multiple_of3A = tpu.assume_multiple %mul3A_26, 128 : i32
      %shift_right_arithmetic3A_27 = arith.constant 7 : i32
      %shift_right_arithmetic3A_28 = arith.shrsi %squeeze3A_23, %shift_right_arithmetic3A_27 : i32
      %mul3A_29 = arith.constant 128 : i32
      %mul3A_30 = arith.muli %shift_right_arithmetic3A_28, %mul3A_29 : i32
      %multiple_of3A_31 = tpu.assume_multiple %mul3A_30, 128 : i32
      %dma_start3A = arith.constant 0 : i32
      %dma_start3A_32 = arith.constant 0 : i32
      %dma_start3A_33 = tpu.memref_slice %arg10[%dma_start3A, %dma_start3A_32] : memref<32x512xf32, #tpu.memory_space<vmem>> -> memref<8x128xf32, #tpu.memory_space<vmem>>
      %dma_start3A_34 = arith.constant 0 : i32
      %dma_start3A_35 = tpu.memref_slice %arg4[%dma_start3A_34, %multiple_of3A] : memref<32x1000000xf32, #tpu.memory_space<hbm>> -> memref<8x128xf32, #tpu.memory_space<hbm>>
      %dma_start3A_36 = arith.constant 0 : i32
      %dma_start3A_37 = arith.constant 0 : i32
      %dma_start3A_38 = tpu.memref_slice %arg10[%dma_start3A_36, %dma_start3A_37] : memref<32x512xf32, #tpu.memory_space<vmem>> -> memref<8x128xf32, #tpu.memory_space<vmem>>
      %dma_start3A_39 = arith.constant 0 : i32
      %dma_start3A_40 = tpu.memref_slice %arg4[%dma_start3A_39, %multiple_of3A] : memref<32x1000000xf32, #tpu.memory_space<hbm>> -> memref<8x128xf32, #tpu.memory_space<hbm>>
      tpu.enqueue_dma source(%dma_start3A_40 : memref<8x128xf32, #tpu.memory_space<hbm>>) target(%dma_start3A_38 : memref<8x128xf32, #tpu.memory_space<vmem>>) target_semaphore(%arg16 : memref<!tpu.dma_semaphore, #tpu.memory_space<semaphore_mem>>)
      %dma_start3A_41 = arith.constant 0 : i32
      %dma_start3A_42 = arith.constant 0 : i32
      %dma_start3A_43 = tpu.memref_slice %arg12[%dma_start3A_41, %dma_start3A_42] : memref<32x512xf32, #tpu.memory_space<vmem>> -> memref<8x128xf32, #tpu.memory_space<vmem>>
      %dma_start3A_44 = arith.constant 0 : i32
      %dma_start3A_45 = tpu.memref_slice %arg5[%dma_start3A_44, %multiple_of3A_31] : memref<32x1000000xf32, #tpu.memory_space<hbm>> -> memref<8x128xf32, #tpu.memory_space<hbm>>
      %dma_start3A_46 = arith.constant 0 : i32
      %dma_start3A_47 = arith.constant 0 : i32
      %dma_start3A_48 = tpu.memref_slice %arg12[%dma_start3A_46, %dma_start3A_47] : memref<32x512xf32, #tpu.memory_space<vmem>> -> memref<8x128xf32, #tpu.memory_space<vmem>>
      %dma_start3A_49 = arith.constant 0 : i32
      %dma_start3A_50 = tpu.memref_slice %arg5[%dma_start3A_49, %multiple_of3A_31] : memref<32x1000000xf32, #tpu.memory_space<hbm>> -> memref<8x128xf32, #tpu.memory_space<hbm>>
      tpu.enqueue_dma source(%dma_start3A_50 : memref<8x128xf32, #tpu.memory_space<hbm>>) target(%dma_start3A_48 : memref<8x128xf32, #tpu.memory_space<vmem>>) target_semaphore(%arg16 : memref<!tpu.dma_semaphore, #tpu.memory_space<semaphore_mem>>)
      %dma_start3A_51 = arith.constant 8 : i32
      %dma_start3A_52 = arith.constant 0 : i32
      %dma_start3A_53 = tpu.memref_slice %arg10[%dma_start3A_51, %dma_start3A_52] : memref<32x512xf32, #tpu.memory_space<vmem>> -> memref<8x128xf32, #tpu.memory_space<vmem>>
      %dma_start3A_54 = arith.constant 8 : i32
      %dma_start3A_55 = tpu.memref_slice %arg4[%dma_start3A_54, %multiple_of3A] : memref<32x1000000xf32, #tpu.memory_space<hbm>> -> memref<8x128xf32, #tpu.memory_space<hbm>>
      %dma_start3A_56 = arith.constant 8 : i32
      %dma_start3A_57 = arith.constant 0 : i32
      %dma_start3A_58 = tpu.memref_slice %arg10[%dma_start3A_56, %dma_start3A_57] : memref<32x512xf32, #tpu.memory_space<vmem>> -> memref<8x128xf32, #tpu.memory_space<vmem>>
      %dma_start3A_59 = arith.constant 8 : i32
      %dma_start3A_60 = tpu.memref_slice %arg4[%dma_start3A_59, %multiple_of3A] : memref<32x1000000xf32, #tpu.memory_space<hbm>> -> memref<8x128xf32, #tpu.memory_space<hbm>>
      tpu.enqueue_dma source(%dma_start3A_60 : memref<8x128xf32, #tpu.memory_space<hbm>>) target(%dma_start3A_58 : memref<8x128xf32, #tpu.memory_space<vmem>>) target_semaphore(%arg16 : memref<!tpu.dma_semaphore, #tpu.memory_space<semaphore_mem>>)
      %dma_start3A_61 = arith.constant 8 : i32
      %dma_start3A_62 = arith.constant 0 : i32
      %dma_start3A_63 = tpu.memref_slice %arg12[%dma_start3A_61, %dma_start3A_62] : memref<32x512xf32, #tpu.memory_space<vmem>> -> memref<8x128xf32, #tpu.memory_space<vmem>>
      %dma_start3A_64 = arith.constant 8 : i32
      %dma_start3A_65 = tpu.memref_slice %arg5[%dma_start3A_64, %multiple_of3A_31] : memref<32x1000000xf32, #tpu.memory_space<hbm>> -> memref<8x128xf32, #tpu.memory_space<hbm>>
      %dma_start3A_66 = arith.constant 8 : i32
      %dma_start3A_67 = arith.constant 0 : i32
      %dma_start3A_68 = tpu.memref_slice %arg12[%dma_start3A_66, %dma_start3A_67] : memref<32x512xf32, #tpu.memory_space<vmem>> -> memref<8x128xf32, #tpu.memory_space<vmem>>
      %dma_start3A_69 = arith.constant 8 : i32
      %dma_start3A_70 = tpu.memref_slice %arg5[%dma_start3A_69, %multiple_of3A_31] : memref<32x1000000xf32, #tpu.memory_space<hbm>> -> memref<8x128xf32, #tpu.memory_space<hbm>>
      tpu.enqueue_dma source(%dma_start3A_70 : memref<8x128xf32, #tpu.memory_space<hbm>>) target(%dma_start3A_68 : memref<8x128xf32, #tpu.memory_space<vmem>>) target_semaphore(%arg16 : memref<!tpu.dma_semaphore, #tpu.memory_space<semaphore_mem>>)
      %dma_start3A_71 = arith.constant 16 : i32
      %dma_start3A_72 = arith.constant 0 : i32
      %dma_start3A_73 = tpu.memref_slice %arg10[%dma_start3A_71, %dma_start3A_72] : memref<32x512xf32, #tpu.memory_space<vmem>> -> memref<8x128xf32, #tpu.memory_space<vmem>>
      %dma_start3A_74 = arith.constant 16 : i32
      %dma_start3A_75 = tpu.memref_slice %arg4[%dma_start3A_74, %multiple_of3A] : memref<32x1000000xf32, #tpu.memory_space<hbm>> -> memref<8x128xf32, #tpu.memory_space<hbm>>
      %dma_start3A_76 = arith.constant 16 : i32
      %dma_start3A_77 = arith.constant 0 : i32
      %dma_start3A_78 = tpu.memref_slice %arg10[%dma_start3A_76, %dma_start3A_77] : memref<32x512xf32, #tpu.memory_space<vmem>> -> memref<8x128xf32, #tpu.memory_space<vmem>>
      %dma_start3A_79 = arith.constant 16 : i32
      %dma_start3A_80 = tpu.memref_slice %arg4[%dma_start3A_79, %multiple_of3A] : memref<32x1000000xf32, #tpu.memory_space<hbm>> -> memref<8x128xf32, #tpu.memory_space<hbm>>
      tpu.enqueue_dma source(%dma_start3A_80 : memref<8x128xf32, #tpu.memory_space<hbm>>) target(%dma_start3A_78 : memref<8x128xf32, #tpu.memory_space<vmem>>) target_semaphore(%arg16 : memref<!tpu.dma_semaphore, #tpu.memory_space<semaphore_mem>>)
      %dma_start3A_81 = arith.constant 16 : i32
      %dma_start3A_82 = arith.constant 0 : i32
      %dma_start3A_83 = tpu.memref_slice %arg12[%dma_start3A_81, %dma_start3A_82] : memref<32x512xf32, #tpu.memory_space<vmem>> -> memref<8x128xf32, #tpu.memory_space<vmem>>
      %dma_start3A_84 = arith.constant 16 : i32
      %dma_start3A_85 = tpu.memref_slice %arg5[%dma_start3A_84, %multiple_of3A_31] : memref<32x1000000xf32, #tpu.memory_space<hbm>> -> memref<8x128xf32, #tpu.memory_space<hbm>>
      %dma_start3A_86 = arith.constant 16 : i32
      %dma_start3A_87 = arith.constant 0 : i32
      %dma_start3A_88 = tpu.memref_slice %arg12[%dma_start3A_86, %dma_start3A_87] : memref<32x512xf32, #tpu.memory_space<vmem>> -> memref<8x128xf32, #tpu.memory_space<vmem>>
      %dma_start3A_89 = arith.constant 16 : i32
      %dma_start3A_90 = tpu.memref_slice %arg5[%dma_start3A_89, %multiple_of3A_31] : memref<32x1000000xf32, #tpu.memory_space<hbm>> -> memref<8x128xf32, #tpu.memory_space<hbm>>
      tpu.enqueue_dma source(%dma_start3A_90 : memref<8x128xf32, #tpu.memory_space<hbm>>) target(%dma_start3A_88 : memref<8x128xf32, #tpu.memory_space<vmem>>) target_semaphore(%arg16 : memref<!tpu.dma_semaphore, #tpu.memory_space<semaphore_mem>>)
      %dma_start3A_91 = arith.constant 24 : i32
      %dma_start3A_92 = arith.constant 0 : i32
      %dma_start3A_93 = tpu.memref_slice %arg10[%dma_start3A_91, %dma_start3A_92] : memref<32x512xf32, #tpu.memory_space<vmem>> -> memref<8x128xf32, #tpu.memory_space<vmem>>
      %dma_start3A_94 = arith.constant 24 : i32
      %dma_start3A_95 = tpu.memref_slice %arg4[%dma_start3A_94, %multiple_of3A] : memref<32x1000000xf32, #tpu.memory_space<hbm>> -> memref<8x128xf32, #tpu.memory_space<hbm>>
      %dma_start3A_96 = arith.constant 24 : i32
      %dma_start3A_97 = arith.constant 0 : i32
      %dma_start3A_98 = tpu.memref_slice %arg10[%dma_start3A_96, %dma_start3A_97] : memref<32x512xf32, #tpu.memory_space<vmem>> -> memref<8x128xf32, #tpu.memory_space<vmem>>
      %dma_start3A_99 = arith.constant 24 : i32
      %dma_start3A_100 = tpu.memref_slice %arg4[%dma_start3A_99, %multiple_of3A] : memref<32x1000000xf32, #tpu.memory_space<hbm>> -> memref<8x128xf32, #tpu.memory_space<hbm>>
      tpu.enqueue_dma source(%dma_start3A_100 : memref<8x128xf32, #tpu.memory_space<hbm>>) target(%dma_start3A_98 : memref<8x128xf32, #tpu.memory_space<vmem>>) target_semaphore(%arg16 : memref<!tpu.dma_semaphore, #tpu.memory_space<semaphore_mem>>)
      %dma_start3A_101 = arith.constant 24 : i32
      %dma_start3A_102 = arith.constant 0 : i32
      %dma_start3A_103 = tpu.memref_slice %arg12[%dma_start3A_101, %dma_start3A_102] : memref<32x512xf32, #tpu.memory_space<vmem>> -> memref<8x128xf32, #tpu.memory_space<vmem>>
      %dma_start3A_104 = arith.constant 24 : i32
      %dma_start3A_105 = tpu.memref_slice %arg5[%dma_start3A_104, %multiple_of3A_31] : memref<32x1000000xf32, #tpu.memory_space<hbm>> -> memref<8x128xf32, #tpu.memory_space<hbm>>
      %dma_start3A_106 = arith.constant 24 : i32
      %dma_start3A_107 = arith.constant 0 : i32
      %dma_start3A_108 = tpu.memref_slice %arg12[%dma_start3A_106, %dma_start3A_107] : memref<32x512xf32, #tpu.memory_space<vmem>> -> memref<8x128xf32, #tpu.memory_space<vmem>>
      %dma_start3A_109 = arith.constant 24 : i32
      %dma_start3A_110 = tpu.memref_slice %arg5[%dma_start3A_109, %multiple_of3A_31] : memref<32x1000000xf32, #tpu.memory_space<hbm>> -> memref<8x128xf32, #tpu.memory_space<hbm>>
      tpu.enqueue_dma source(%dma_start3A_110 : memref<8x128xf32, #tpu.memory_space<hbm>>) target(%dma_start3A_108 : memref<8x128xf32, #tpu.memory_space<vmem>>) target_semaphore(%arg16 : memref<!tpu.dma_semaphore, #tpu.memory_space<semaphore_mem>>)
      %slice3A_111 = vector.extract_strided_slice %get3A_16 {offsets = [1], sizes = [1], strides = [1]} : vector<16xi32> to vector<1xi32>
      %squeeze3A_112 = vector.extract %slice3A_111[0] : i32 from vector<1xi32>
      %slice3A_113 = vector.extract_strided_slice %get3A_20 {offsets = [1], sizes = [1], strides = [1]} : vector<16xi32> to vector<1xi32>
      %squeeze3A_114 = vector.extract %slice3A_113[0] : i32 from vector<1xi32>
      %shift_right_arithmetic3A_115 = arith.constant 7 : i32
      %shift_right_arithmetic3A_116 = arith.shrsi %squeeze3A_112, %shift_right_arithmetic3A_115 : i32
      %mul3A_117 = arith.constant 128 : i32
      %mul3A_118 = arith.muli %shift_right_arithmetic3A_116, %mul3A_117 : i32
      %multiple_of3A_119 = tpu.assume_multiple %mul3A_118, 128 : i32
      %shift_right_arithmetic3A_120 = arith.constant 7 : i32
      %shift_right_arithmetic3A_121 = arith.shrsi %squeeze3A_114, %shift_right_arithmetic3A_120 : i32
      %mul3A_122 = arith.constant 128 : i32
      %mul3A_123 = arith.muli %shift_right_arithmetic3A_121, %mul3A_122 : i32
      %multiple_of3A_124 = tpu.assume_multiple %mul3A_123, 128 : i32
      %dma_start3A_125 = arith.constant 0 : i32
      %dma_start3A_126 = arith.constant 128 : i32
      %dma_start3A_127 = tpu.memref_slice %arg10[%dma_start3A_125, %dma_start3A_126] : memref<32x512xf32, #tpu.memory_space<vmem>> -> memref<8x128xf32, #tpu.memory_space<vmem>>
      %dma_start3A_128 = arith.constant 0 : i32
      %dma_start3A_129 = tpu.memref_slice %arg4[%dma_start3A_128, %multiple_of3A_119] : memref<32x1000000xf32, #tpu.memory_space<hbm>> -> memref<8x128xf32, #tpu.memory_space<hbm>>
      %dma_start3A_130 = arith.constant 0 : i32
      %dma_start3A_131 = arith.constant 128 : i32
      %dma_start3A_132 = tpu.memref_slice %arg10[%dma_start3A_130, %dma_start3A_131] : memref<32x512xf32, #tpu.memory_space<vmem>> -> memref<8x128xf32, #tpu.memory_space<vmem>>
      %dma_start3A_133 = arith.constant 0 : i32
      %dma_start3A_134 = tpu.memref_slice %arg4[%dma_start3A_133, %multiple_of3A_119] : memref<32x1000000xf32, #tpu.memory_space<hbm>> -> memref<8x128xf32, #tpu.memory_space<hbm>>
      tpu.enqueue_dma source(%dma_start3A_134 : memref<8x128xf32, #tpu.memory_space<hbm>>) target(%dma_start3A_132 : memref<8x128xf32, #tpu.memory_space<vmem>>) target_semaphore(%arg16 : memref<!tpu.dma_semaphore, #tpu.memory_space<semaphore_mem>>)
      %dma_start3A_135 = arith.constant 0 : i32
      %dma_start3A_136 = arith.constant 128 : i32
      %dma_start3A_137 = tpu.memref_slice %arg12[%dma_start3A_135, %dma_start3A_136] : memref<32x512xf32, #tpu.memory_space<vmem>> -> memref<8x128xf32, #tpu.memory_space<vmem>>
      %dma_start3A_138 = arith.constant 0 : i32
      %dma_start3A_139 = tpu.memref_slice %arg5[%dma_start3A_138, %multiple_of3A_124] : memref<32x1000000xf32, #tpu.memory_space<hbm>> -> memref<8x128xf32, #tpu.memory_space<hbm>>
      %dma_start3A_140 = arith.constant 0 : i32
      %dma_start3A_141 = arith.constant 128 : i32
      %dma_start3A_142 = tpu.memref_slice %arg12[%dma_start3A_140, %dma_start3A_141] : memref<32x512xf32, #tpu.memory_space<vmem>> -> memref<8x128xf32, #tpu.memory_space<vmem>>
      %dma_start3A_143 = arith.constant 0 : i32
      %dma_start3A_144 = tpu.memref_slice %arg5[%dma_start3A_143, %multiple_of3A_124] : memref<32x1000000xf32, #tpu.memory_space<hbm>> -> memref<8x128xf32, #tpu.memory_space<hbm>>
      tpu.enqueue_dma source(%dma_start3A_144 : memref<8x128xf32, #tpu.memory_space<hbm>>) target(%dma_start3A_142 : memref<8x128xf32, #tpu.memory_space<vmem>>) target_semaphore(%arg16 : memref<!tpu.dma_semaphore, #tpu.memory_space<semaphore_mem>>)
      %dma_start3A_145 = arith.constant 8 : i32
      %dma_start3A_146 = arith.constant 128 : i32
      %dma_start3A_147 = tpu.memref_slice %arg10[%dma_start3A_145, %dma_start3A_146] : memref<32x512xf32, #tpu.memory_space<vmem>> -> memref<8x128xf32, #tpu.memory_space<vmem>>
      %dma_start3A_148 = arith.constant 8 : i32
      %dma_start3A_149 = tpu.memref_slice %arg4[%dma_start3A_148, %multiple_of3A_119] : memref<32x1000000xf32, #tpu.memory_space<hbm>> -> memref<8x128xf32, #tpu.memory_space<hbm>>
      %dma_start3A_150 = arith.constant 8 : i32
      %dma_start3A_151 = arith.constant 128 : i32
      %dma_start3A_152 = tpu.memref_slice %arg10[%dma_start3A_150, %dma_start3A_151] : memref<32x512xf32, #tpu.memory_space<vmem>> -> memref<8x128xf32, #tpu.memory_space<vmem>>
      %dma_start3A_153 = arith.constant 8 : i32
      %dma_start3A_154 = tpu.memref_slice %arg4[%dma_start3A_153, %multiple_of3A_119] : memref<32x1000000xf32, #tpu.memory_space<hbm>> -> memref<8x128xf32, #tpu.memory_space<hbm>>
      tpu.enqueue_dma source(%dma_start3A_154 : memref<8x128xf32, #tpu.memory_space<hbm>>) target(%dma_start3A_152 : memref<8x128xf32, #tpu.memory_space<vmem>>) target_semaphore(%arg16 : memref<!tpu.dma_semaphore, #tpu.memory_space<semaphore_mem>>)
      %dma_start3A_155 = arith.constant 8 : i32
      %dma_start3A_156 = arith.constant 128 : i32
      %dma_start3A_157 = tpu.memref_slice %arg12[%dma_start3A_155, %dma_start3A_156] : memref<32x512xf32, #tpu.memory_space<vmem>> -> memref<8x128xf32, #tpu.memory_space<vmem>>
      %dma_start3A_158 = arith.constant 8 : i32
      %dma_start3A_159 = tpu.memref_slice %arg5[%dma_start3A_158, %multiple_of3A_124] : memref<32x1000000xf32, #tpu.memory_space<hbm>> -> memref<8x128xf32, #tpu.memory_space<hbm>>
      %dma_start3A_160 = arith.constant 8 : i32
      %dma_start3A_161 = arith.constant 128 : i32
      %dma_start3A_162 = tpu.memref_slice %arg12[%dma_start3A_160, %dma_start3A_161] : memref<32x512xf32, #tpu.memory_space<vmem>> -> memref<8x128xf32, #tpu.memory_space<vmem>>
      %dma_start3A_163 = arith.constant 8 : i32
      %dma_start3A_164 = tpu.memref_slice %arg5[%dma_start3A_163, %multiple_of3A_124] : memref<32x1000000xf32, #tpu.memory_space<hbm>> -> memref<8x128xf32, #tpu.memory_space<hbm>>
      tpu.enqueue_dma source(%dma_start3A_164 : memref<8x128xf32, #tpu.memory_space<hbm>>) target(%dma_start3A_162 : memref<8x128xf32, #tpu.memory_space<vmem>>) target_semaphore(%arg16 : memref<!tpu.dma_semaphore, #tpu.memory_space<semaphore_mem>>)
      %dma_start3A_165 = arith.constant 16 : i32
      %dma_start3A_166 = arith.constant 128 : i32
      %dma_start3A_167 = tpu.memref_slice %arg10[%dma_start3A_165, %dma_start3A_166] : memref<32x512xf32, #tpu.memory_space<vmem>> -> memref<8x128xf32, #tpu.memory_space<vmem>>
      %dma_start3A_168 = arith.constant 16 : i32
      %dma_start3A_169 = tpu.memref_slice %arg4[%dma_start3A_168, %multiple_of3A_119] : memref<32x1000000xf32, #tpu.memory_space<hbm>> -> memref<8x128xf32, #tpu.memory_space<hbm>>
      %dma_start3A_170 = arith.constant 16 : i32
      %dma_start3A_171 = arith.constant 128 : i32
      %dma_start3A_172 = tpu.memref_slice %arg10[%dma_start3A_170, %dma_start3A_171] : memref<32x512xf32, #tpu.memory_space<vmem>> -> memref<8x128xf32, #tpu.memory_space<vmem>>
      %dma_start3A_173 = arith.constant 16 : i32
      %dma_start3A_174 = tpu.memref_slice %arg4[%dma_start3A_173, %multiple_of3A_119] : memref<32x1000000xf32, #tpu.memory_space<hbm>> -> memref<8x128xf32, #tpu.memory_space<hbm>>
      tpu.enqueue_dma source(%dma_start3A_174 : memref<8x128xf32, #tpu.memory_space<hbm>>) target(%dma_start3A_172 : memref<8x128xf32, #tpu.memory_space<vmem>>) target_semaphore(%arg16 : memref<!tpu.dma_semaphore, #tpu.memory_space<semaphore_mem>>)
      %dma_start3A_175 = arith.constant 16 : i32
      %dma_start3A_176 = arith.constant 128 : i32
      %dma_start3A_177 = tpu.memref_slice %arg12[%dma_start3A_175, %dma_start3A_176] : memref<32x512xf32, #tpu.memory_space<vmem>> -> memref<8x128xf32, #tpu.memory_space<vmem>>
      %dma_start3A_178 = arith.constant 16 : i32
      %dma_start3A_179 = tpu.memref_slice %arg5[%dma_start3A_178, %multiple_of3A_124] : memref<32x1000000xf32, #tpu.memory_space<hbm>> -> memref<8x128xf32, #tpu.memory_space<hbm>>
      %dma_start3A_180 = arith.constant 16 : i32
      %dma_start3A_181 = arith.constant 128 : i32
      %dma_start3A_182 = tpu.memref_slice %arg12[%dma_start3A_180, %dma_start3A_181] : memref<32x512xf32, #tpu.memory_space<vmem>> -> memref<8x128xf32, #tpu.memory_space<vmem>>
      %dma_start3A_183 = arith.constant 16 : i32
      %dma_start3A_184 = tpu.memref_slice %arg5[%dma_start3A_183, %multiple_of3A_124] : memref<32x1000000xf32, #tpu.memory_space<hbm>> -> memref<8x128xf32, #tpu.memory_space<hbm>>
      tpu.enqueue_dma source(%dma_start3A_184 : memref<8x128xf32, #tpu.memory_space<hbm>>) target(%dma_start3A_182 : memref<8x128xf32, #tpu.memory_space<vmem>>) target_semaphore(%arg16 : memref<!tpu.dma_semaphore, #tpu.memory_space<semaphore_mem>>)
      %dma_start3A_185 = arith.constant 24 : i32
      %dma_start3A_186 = arith.constant 128 : i32
      %dma_start3A_187 = tpu.memref_slice %arg10[%dma_start3A_185, %dma_start3A_186] : memref<32x512xf32, #tpu.memory_space<vmem>> -> memref<8x128xf32, #tpu.memory_space<vmem>>
      %dma_start3A_188 = arith.constant 24 : i32
      %dma_start3A_189 = tpu.memref_slice %arg4[%dma_start3A_188, %multiple_of3A_119] : memref<32x1000000xf32, #tpu.memory_space<hbm>> -> memref<8x128xf32, #tpu.memory_space<hbm>>
      %dma_start3A_190 = arith.constant 24 : i32
      %dma_start3A_191 = arith.constant 128 : i32
      %dma_start3A_192 = tpu.memref_slice %arg10[%dma_start3A_190, %dma_start3A_191] : memref<32x512xf32, #tpu.memory_space<vmem>> -> memref<8x128xf32, #tpu.memory_space<vmem>>
      %dma_start3A_193 = arith.constant 24 : i32
      %dma_start3A_194 = tpu.memref_slice %arg4[%dma_start3A_193, %multiple_of3A_119] : memref<32x1000000xf32, #tpu.memory_space<hbm>> -> memref<8x128xf32, #tpu.memory_space<hbm>>
      tpu.enqueue_dma source(%dma_start3A_194 : memref<8x128xf32, #tpu.memory_space<hbm>>) target(%dma_start3A_192 : memref<8x128xf32, #tpu.memory_space<vmem>>) target_semaphore(%arg16 : memref<!tpu.dma_semaphore, #tpu.memory_space<semaphore_mem>>)
      %dma_start3A_195 = arith.constant 24 : i32
      %dma_start3A_196 = arith.constant 128 : i32
      %dma_start3A_197 = tpu.memref_slice %arg12[%dma_start3A_195, %dma_start3A_196] : memref<32x512xf32, #tpu.memory_space<vmem>> -> memref<8x128xf32, #tpu.memory_space<vmem>>
      %dma_start3A_198 = arith.constant 24 : i32
      %dma_start3A_199 = tpu.memref_slice %arg5[%dma_start3A_198, %multiple_of3A_124] : memref<32x1000000xf32, #tpu.memory_space<hbm>> -> memref<8x128xf32, #tpu.memory_space<hbm>>
      %dma_start3A_200 = arith.constant 24 : i32
      %dma_start3A_201 = arith.constant 128 : i32
      %dma_start3A_202 = tpu.memref_slice %arg12[%dma_start3A_200, %dma_start3A_201] : memref<32x512xf32, #tpu.memory_space<vmem>> -> memref<8x128xf32, #tpu.memory_space<vmem>>
      %dma_start3A_203 = arith.constant 24 : i32
      %dma_start3A_204 = tpu.memref_slice %arg5[%dma_start3A_203, %multiple_of3A_124] : memref<32x1000000xf32, #tpu.memory_space<hbm>> -> memref<8x128xf32, #tpu.memory_space<hbm>>
      tpu.enqueue_dma source(%dma_start3A_204 : memref<8x128xf32, #tpu.memory_space<hbm>>) target(%dma_start3A_202 : memref<8x128xf32, #tpu.memory_space<vmem>>) target_semaphore(%arg16 : memref<!tpu.dma_semaphore, #tpu.memory_space<semaphore_mem>>)
      %slice3A_205 = vector.extract_strided_slice %get3A_16 {offsets = [2], sizes = [1], strides = [1]} : vector<16xi32> to vector<1xi32>
      %squeeze3A_206 = vector.extract %slice3A_205[0] : i32 from vector<1xi32>
      %slice3A_207 = vector.extract_strided_slice %get3A_20 {offsets = [2], sizes = [1], strides = [1]} : vector<16xi32> to vector<1xi32>
      %squeeze3A_208 = vector.extract %slice3A_207[0] : i32 from vector<1xi32>
      %shift_right_arithmetic3A_209 = arith.constant 7 : i32
      %shift_right_arithmetic3A_210 = arith.shrsi %squeeze3A_206, %shift_right_arithmetic3A_209 : i32
      %mul3A_211 = arith.constant 128 : i32
      %mul3A_212 = arith.muli %shift_right_arithmetic3A_210, %mul3A_211 : i32
      %multiple_of3A_213 = tpu.assume_multiple %mul3A_212, 128 : i32
      %shift_right_arithmetic3A_214 = arith.constant 7 : i32
      %shift_right_arithmetic3A_215 = arith.shrsi %squeeze3A_208, %shift_right_arithmetic3A_214 : i32
      %mul3A_216 = arith.constant 128 : i32
      %mul3A_217 = arith.muli %shift_right_arithmetic3A_215, %mul3A_216 : i32
      %multiple_of3A_218 = tpu.assume_multiple %mul3A_217, 128 : i32
      %dma_start3A_219 = arith.constant 0 : i32
      %dma_start3A_220 = arith.constant 256 : i32
      %dma_start3A_221 = tpu.memref_slice %arg10[%dma_start3A_219, %dma_start3A_220] : memref<32x512xf32, #tpu.memory_space<vmem>> -> memref<8x128xf32, #tpu.memory_space<vmem>>
      %dma_start3A_222 = arith.constant 0 : i32
      %dma_start3A_223 = tpu.memref_slice %arg4[%dma_start3A_222, %multiple_of3A_213] : memref<32x1000000xf32, #tpu.memory_space<hbm>> -> memref<8x128xf32, #tpu.memory_space<hbm>>
      %dma_start3A_224 = arith.constant 0 : i32
      %dma_start3A_225 = arith.constant 256 : i32
      %dma_start3A_226 = tpu.memref_slice %arg10[%dma_start3A_224, %dma_start3A_225] : memref<32x512xf32, #tpu.memory_space<vmem>> -> memref<8x128xf32, #tpu.memory_space<vmem>>
      %dma_start3A_227 = arith.constant 0 : i32
      %dma_start3A_228 = tpu.memref_slice %arg4[%dma_start3A_227, %multiple_of3A_213] : memref<32x1000000xf32, #tpu.memory_space<hbm>> -> memref<8x128xf32, #tpu.memory_space<hbm>>
      tpu.enqueue_dma source(%dma_start3A_228 : memref<8x128xf32, #tpu.memory_space<hbm>>) target(%dma_start3A_226 : memref<8x128xf32, #tpu.memory_space<vmem>>) target_semaphore(%arg16 : memref<!tpu.dma_semaphore, #tpu.memory_space<semaphore_mem>>)
      %dma_start3A_229 = arith.constant 0 : i32
      %dma_start3A_230 = arith.constant 256 : i32
      %dma_start3A_231 = tpu.memref_slice %arg12[%dma_start3A_229, %dma_start3A_230] : memref<32x512xf32, #tpu.memory_space<vmem>> -> memref<8x128xf32, #tpu.memory_space<vmem>>
      %dma_start3A_232 = arith.constant 0 : i32
      %dma_start3A_233 = tpu.memref_slice %arg5[%dma_start3A_232, %multiple_of3A_218] : memref<32x1000000xf32, #tpu.memory_space<hbm>> -> memref<8x128xf32, #tpu.memory_space<hbm>>
      %dma_start3A_234 = arith.constant 0 : i32
      %dma_start3A_235 = arith.constant 256 : i32
      %dma_start3A_236 = tpu.memref_slice %arg12[%dma_start3A_234, %dma_start3A_235] : memref<32x512xf32, #tpu.memory_space<vmem>> -> memref<8x128xf32, #tpu.memory_space<vmem>>
      %dma_start3A_237 = arith.constant 0 : i32
      %dma_start3A_238 = tpu.memref_slice %arg5[%dma_start3A_237, %multiple_of3A_218] : memref<32x1000000xf32, #tpu.memory_space<hbm>> -> memref<8x128xf32, #tpu.memory_space<hbm>>
      tpu.enqueue_dma source(%dma_start3A_238 : memref<8x128xf32, #tpu.memory_space<hbm>>) target(%dma_start3A_236 : memref<8x128xf32, #tpu.memory_space<vmem>>) target_semaphore(%arg16 : memref<!tpu.dma_semaphore, #tpu.memory_space<semaphore_mem>>)
      %dma_start3A_239 = arith.constant 8 : i32
      %dma_start3A_240 = arith.constant 256 : i32
      %dma_start3A_241 = tpu.memref_slice %arg10[%dma_start3A_239, %dma_start3A_240] : memref<32x512xf32, #tpu.memory_space<vmem>> -> memref<8x128xf32, #tpu.memory_space<vmem>>
      %dma_start3A_242 = arith.constant 8 : i32
      %dma_start3A_243 = tpu.memref_slice %arg4[%dma_start3A_242, %multiple_of3A_213] : memref<32x1000000xf32, #tpu.memory_space<hbm>> -> memref<8x128xf32, #tpu.memory_space<hbm>>
      %dma_start3A_244 = arith.constant 8 : i32
      %dma_start3A_245 = arith.constant 256 : i32
      %dma_start3A_246 = tpu.memref_slice %arg10[%dma_start3A_244, %dma_start3A_245] : memref<32x512xf32, #tpu.memory_space<vmem>> -> memref<8x128xf32, #tpu.memory_space<vmem>>
      %dma_start3A_247 = arith.constant 8 : i32
      %dma_start3A_248 = tpu.memref_slice %arg4[%dma_start3A_247, %multiple_of3A_213] : memref<32x1000000xf32, #tpu.memory_space<hbm>> -> memref<8x128xf32, #tpu.memory_space<hbm>>
      tpu.enqueue_dma source(%dma_start3A_248 : memref<8x128xf32, #tpu.memory_space<hbm>>) target(%dma_start3A_246 : memref<8x128xf32, #tpu.memory_space<vmem>>) target_semaphore(%arg16 : memref<!tpu.dma_semaphore, #tpu.memory_space<semaphore_mem>>)
      %dma_start3A_249 = arith.constant 8 : i32
      %dma_start3A_250 = arith.constant 256 : i32
      %dma_start3A_251 = tpu.memref_slice %arg12[%dma_start3A_249, %dma_start3A_250] : memref<32x512xf32, #tpu.memory_space<vmem>> -> memref<8x128xf32, #tpu.memory_space<vmem>>
      %dma_start3A_252 = arith.constant 8 : i32
      %dma_start3A_253 = tpu.memref_slice %arg5[%dma_start3A_252, %multiple_of3A_218] : memref<32x1000000xf32, #tpu.memory_space<hbm>> -> memref<8x128xf32, #tpu.memory_space<hbm>>
      %dma_start3A_254 = arith.constant 8 : i32
      %dma_start3A_255 = arith.constant 256 : i32
      %dma_start3A_256 = tpu.memref_slice %arg12[%dma_start3A_254, %dma_start3A_255] : memref<32x512xf32, #tpu.memory_space<vmem>> -> memref<8x128xf32, #tpu.memory_space<vmem>>
      %dma_start3A_257 = arith.constant 8 : i32
      %dma_start3A_258 = tpu.memref_slice %arg5[%dma_start3A_257, %multiple_of3A_218] : memref<32x1000000xf32, #tpu.memory_space<hbm>> -> memref<8x128xf32, #tpu.memory_space<hbm>>
      tpu.enqueue_dma source(%dma_start3A_258 : memref<8x128xf32, #tpu.memory_space<hbm>>) target(%dma_start3A_256 : memref<8x128xf32, #tpu.memory_space<vmem>>) target_semaphore(%arg16 : memref<!tpu.dma_semaphore, #tpu.memory_space<semaphore_mem>>)
      %dma_start3A_259 = arith.constant 16 : i32
      %dma_start3A_260 = arith.constant 256 : i32
      %dma_start3A_261 = tpu.memref_slice %arg10[%dma_start3A_259, %dma_start3A_260] : memref<32x512xf32, #tpu.memory_space<vmem>> -> memref<8x128xf32, #tpu.memory_space<vmem>>
      %dma_start3A_262 = arith.constant 16 : i32
      %dma_start3A_263 = tpu.memref_slice %arg4[%dma_start3A_262, %multiple_of3A_213] : memref<32x1000000xf32, #tpu.memory_space<hbm>> -> memref<8x128xf32, #tpu.memory_space<hbm>>
      %dma_start3A_264 = arith.constant 16 : i32
      %dma_start3A_265 = arith.constant 256 : i32
      %dma_start3A_266 = tpu.memref_slice %arg10[%dma_start3A_264, %dma_start3A_265] : memref<32x512xf32, #tpu.memory_space<vmem>> -> memref<8x128xf32, #tpu.memory_space<vmem>>
      %dma_start3A_267 = arith.constant 16 : i32
      %dma_start3A_268 = tpu.memref_slice %arg4[%dma_start3A_267, %multiple_of3A_213] : memref<32x1000000xf32, #tpu.memory_space<hbm>> -> memref<8x128xf32, #tpu.memory_space<hbm>>
      tpu.enqueue_dma source(%dma_start3A_268 : memref<8x128xf32, #tpu.memory_space<hbm>>) target(%dma_start3A_266 : memref<8x128xf32, #tpu.memory_space<vmem>>) target_semaphore(%arg16 : memref<!tpu.dma_semaphore, #tpu.memory_space<semaphore_mem>>)
      %dma_start3A_269 = arith.constant 16 : i32
      %dma_start3A_270 = arith.constant 256 : i32
      %dma_start3A_271 = tpu.memref_slice %arg12[%dma_start3A_269, %dma_start3A_270] : memref<32x512xf32, #tpu.memory_space<vmem>> -> memref<8x128xf32, #tpu.memory_space<vmem>>
      %dma_start3A_272 = arith.constant 16 : i32
      %dma_start3A_273 = tpu.memref_slice %arg5[%dma_start3A_272, %multiple_of3A_218] : memref<32x1000000xf32, #tpu.memory_space<hbm>> -> memref<8x128xf32, #tpu.memory_space<hbm>>
      %dma_start3A_274 = arith.constant 16 : i32
      %dma_start3A_275 = arith.constant 256 : i32
      %dma_start3A_276 = tpu.memref_slice %arg12[%dma_start3A_274, %dma_start3A_275] : memref<32x512xf32, #tpu.memory_space<vmem>> -> memref<8x128xf32, #tpu.memory_space<vmem>>
      %dma_start3A_277 = arith.constant 16 : i32
      %dma_start3A_278 = tpu.memref_slice %arg5[%dma_start3A_277, %multiple_of3A_218] : memref<32x1000000xf32, #tpu.memory_space<hbm>> -> memref<8x128xf32, #tpu.memory_space<hbm>>
      tpu.enqueue_dma source(%dma_start3A_278 : memref<8x128xf32, #tpu.memory_space<hbm>>) target(%dma_start3A_276 : memref<8x128xf32, #tpu.memory_space<vmem>>) target_semaphore(%arg16 : memref<!tpu.dma_semaphore, #tpu.memory_space<semaphore_mem>>)
      %dma_start3A_279 = arith.constant 24 : i32
      %dma_start3A_280 = arith.constant 256 : i32
      %dma_start3A_281 = tpu.memref_slice %arg10[%dma_start3A_279, %dma_start3A_280] : memref<32x512xf32, #tpu.memory_space<vmem>> -> memref<8x128xf32, #tpu.memory_space<vmem>>
      %dma_start3A_282 = arith.constant 24 : i32
      %dma_start3A_283 = tpu.memref_slice %arg4[%dma_start3A_282, %multiple_of3A_213] : memref<32x1000000xf32, #tpu.memory_space<hbm>> -> memref<8x128xf32, #tpu.memory_space<hbm>>
      %dma_start3A_284 = arith.constant 24 : i32
      %dma_start3A_285 = arith.constant 256 : i32
      %dma_start3A_286 = tpu.memref_slice %arg10[%dma_start3A_284, %dma_start3A_285] : memref<32x512xf32, #tpu.memory_space<vmem>> -> memref<8x128xf32, #tpu.memory_space<vmem>>
      %dma_start3A_287 = arith.constant 24 : i32
      %dma_start3A_288 = tpu.memref_slice %arg4[%dma_start3A_287, %multiple_of3A_213] : memref<32x1000000xf32, #tpu.memory_space<hbm>> -> memref<8x128xf32, #tpu.memory_space<hbm>>
      tpu.enqueue_dma source(%dma_start3A_288 : memref<8x128xf32, #tpu.memory_space<hbm>>) target(%dma_start3A_286 : memref<8x128xf32, #tpu.memory_space<vmem>>) target_semaphore(%arg16 : memref<!tpu.dma_semaphore, #tpu.memory_space<semaphore_mem>>)
      %dma_start3A_289 = arith.constant 24 : i32
      %dma_start3A_290 = arith.constant 256 : i32
      %dma_start3A_291 = tpu.memref_slice %arg12[%dma_start3A_289, %dma_start3A_290] : memref<32x512xf32, #tpu.memory_space<vmem>> -> memref<8x128xf32, #tpu.memory_space<vmem>>
      %dma_start3A_292 = arith.constant 24 : i32
      %dma_start3A_293 = tpu.memref_slice %arg5[%dma_start3A_292, %multiple_of3A_218] : memref<32x1000000xf32, #tpu.memory_space<hbm>> -> memref<8x128xf32, #tpu.memory_space<hbm>>
      %dma_start3A_294 = arith.constant 24 : i32
      %dma_start3A_295 = arith.constant 256 : i32
      %dma_start3A_296 = tpu.memref_slice %arg12[%dma_start3A_294, %dma_start3A_295] : memref<32x512xf32, #tpu.memory_space<vmem>> -> memref<8x128xf32, #tpu.memory_space<vmem>>
      %dma_start3A_297 = arith.constant 24 : i32
      %dma_start3A_298 = tpu.memref_slice %arg5[%dma_start3A_297, %multiple_of3A_218] : memref<32x1000000xf32, #tpu.memory_space<hbm>> -> memref<8x128xf32, #tpu.memory_space<hbm>>
      tpu.enqueue_dma source(%dma_start3A_298 : memref<8x128xf32, #tpu.memory_space<hbm>>) target(%dma_start3A_296 : memref<8x128xf32, #tpu.memory_space<vmem>>) target_semaphore(%arg16 : memref<!tpu.dma_semaphore, #tpu.memory_space<semaphore_mem>>)
      %slice3A_299 = vector.extract_strided_slice %get3A_16 {offsets = [3], sizes = [1], strides = [1]} : vector<16xi32> to vector<1xi32>
      %squeeze3A_300 = vector.extract %slice3A_299[0] : i32 from vector<1xi32>
      %slice3A_301 = vector.extract_strided_slice %get3A_20 {offsets = [3], sizes = [1], strides = [1]} : vector<16xi32> to vector<1xi32>
      %squeeze3A_302 = vector.extract %slice3A_301[0] : i32 from vector<1xi32>
      %shift_right_arithmetic3A_303 = arith.constant 7 : i32
      %shift_right_arithmetic3A_304 = arith.shrsi %squeeze3A_300, %shift_right_arithmetic3A_303 : i32
      %mul3A_305 = arith.constant 128 : i32
      %mul3A_306 = arith.muli %shift_right_arithmetic3A_304, %mul3A_305 : i32
      %multiple_of3A_307 = tpu.assume_multiple %mul3A_306, 128 : i32
      %shift_right_arithmetic3A_308 = arith.constant 7 : i32
      %shift_right_arithmetic3A_309 = arith.shrsi %squeeze3A_302, %shift_right_arithmetic3A_308 : i32
      %mul3A_310 = arith.constant 128 : i32
      %mul3A_311 = arith.muli %shift_right_arithmetic3A_309, %mul3A_310 : i32
      %multiple_of3A_312 = tpu.assume_multiple %mul3A_311, 128 : i32
      %dma_start3A_313 = arith.constant 0 : i32
      %dma_start3A_314 = arith.constant 384 : i32
      %dma_start3A_315 = tpu.memref_slice %arg10[%dma_start3A_313, %dma_start3A_314] : memref<32x512xf32, #tpu.memory_space<vmem>> -> memref<8x128xf32, #tpu.memory_space<vmem>>
      %dma_start3A_316 = arith.constant 0 : i32
      %dma_start3A_317 = tpu.memref_slice %arg4[%dma_start3A_316, %multiple_of3A_307] : memref<32x1000000xf32, #tpu.memory_space<hbm>> -> memref<8x128xf32, #tpu.memory_space<hbm>>
      %dma_start3A_318 = arith.constant 0 : i32
      %dma_start3A_319 = arith.constant 384 : i32
      %dma_start3A_320 = tpu.memref_slice %arg10[%dma_start3A_318, %dma_start3A_319] : memref<32x512xf32, #tpu.memory_space<vmem>> -> memref<8x128xf32, #tpu.memory_space<vmem>>
      %dma_start3A_321 = arith.constant 0 : i32
      %dma_start3A_322 = tpu.memref_slice %arg4[%dma_start3A_321, %multiple_of3A_307] : memref<32x1000000xf32, #tpu.memory_space<hbm>> -> memref<8x128xf32, #tpu.memory_space<hbm>>
      tpu.enqueue_dma source(%dma_start3A_322 : memref<8x128xf32, #tpu.memory_space<hbm>>) target(%dma_start3A_320 : memref<8x128xf32, #tpu.memory_space<vmem>>) target_semaphore(%arg16 : memref<!tpu.dma_semaphore, #tpu.memory_space<semaphore_mem>>)
      %dma_start3A_323 = arith.constant 0 : i32
      %dma_start3A_324 = arith.constant 384 : i32
      %dma_start3A_325 = tpu.memref_slice %arg12[%dma_start3A_323, %dma_start3A_324] : memref<32x512xf32, #tpu.memory_space<vmem>> -> memref<8x128xf32, #tpu.memory_space<vmem>>
      %dma_start3A_326 = arith.constant 0 : i32
      %dma_start3A_327 = tpu.memref_slice %arg5[%dma_start3A_326, %multiple_of3A_312] : memref<32x1000000xf32, #tpu.memory_space<hbm>> -> memref<8x128xf32, #tpu.memory_space<hbm>>
      %dma_start3A_328 = arith.constant 0 : i32
      %dma_start3A_329 = arith.constant 384 : i32
      %dma_start3A_330 = tpu.memref_slice %arg12[%dma_start3A_328, %dma_start3A_329] : memref<32x512xf32, #tpu.memory_space<vmem>> -> memref<8x128xf32, #tpu.memory_space<vmem>>
      %dma_start3A_331 = arith.constant 0 : i32
      %dma_start3A_332 = tpu.memref_slice %arg5[%dma_start3A_331, %multiple_of3A_312] : memref<32x1000000xf32, #tpu.memory_space<hbm>> -> memref<8x128xf32, #tpu.memory_space<hbm>>
      tpu.enqueue_dma source(%dma_start3A_332 : memref<8x128xf32, #tpu.memory_space<hbm>>) target(%dma_start3A_330 : memref<8x128xf32, #tpu.memory_space<vmem>>) target_semaphore(%arg16 : memref<!tpu.dma_semaphore, #tpu.memory_space<semaphore_mem>>)
      %dma_start3A_333 = arith.constant 8 : i32
      %dma_start3A_334 = arith.constant 384 : i32
      %dma_start3A_335 = tpu.memref_slice %arg10[%dma_start3A_333, %dma_start3A_334] : memref<32x512xf32, #tpu.memory_space<vmem>> -> memref<8x128xf32, #tpu.memory_space<vmem>>
      %dma_start3A_336 = arith.constant 8 : i32
      %dma_start3A_337 = tpu.memref_slice %arg4[%dma_start3A_336, %multiple_of3A_307] : memref<32x1000000xf32, #tpu.memory_space<hbm>> -> memref<8x128xf32, #tpu.memory_space<hbm>>
      %dma_start3A_338 = arith.constant 8 : i32
      %dma_start3A_339 = arith.constant 384 : i32
      %dma_start3A_340 = tpu.memref_slice %arg10[%dma_start3A_338, %dma_start3A_339] : memref<32x512xf32, #tpu.memory_space<vmem>> -> memref<8x128xf32, #tpu.memory_space<vmem>>
      %dma_start3A_341 = arith.constant 8 : i32
      %dma_start3A_342 = tpu.memref_slice %arg4[%dma_start3A_341, %multiple_of3A_307] : memref<32x1000000xf32, #tpu.memory_space<hbm>> -> memref<8x128xf32, #tpu.memory_space<hbm>>
      tpu.enqueue_dma source(%dma_start3A_342 : memref<8x128xf32, #tpu.memory_space<hbm>>) target(%dma_start3A_340 : memref<8x128xf32, #tpu.memory_space<vmem>>) target_semaphore(%arg16 : memref<!tpu.dma_semaphore, #tpu.memory_space<semaphore_mem>>)
      %dma_start3A_343 = arith.constant 8 : i32
      %dma_start3A_344 = arith.constant 384 : i32
      %dma_start3A_345 = tpu.memref_slice %arg12[%dma_start3A_343, %dma_start3A_344] : memref<32x512xf32, #tpu.memory_space<vmem>> -> memref<8x128xf32, #tpu.memory_space<vmem>>
      %dma_start3A_346 = arith.constant 8 : i32
      %dma_start3A_347 = tpu.memref_slice %arg5[%dma_start3A_346, %multiple_of3A_312] : memref<32x1000000xf32, #tpu.memory_space<hbm>> -> memref<8x128xf32, #tpu.memory_space<hbm>>
      %dma_start3A_348 = arith.constant 8 : i32
      %dma_start3A_349 = arith.constant 384 : i32
      %dma_start3A_350 = tpu.memref_slice %arg12[%dma_start3A_348, %dma_start3A_349] : memref<32x512xf32, #tpu.memory_space<vmem>> -> memref<8x128xf32, #tpu.memory_space<vmem>>
      %dma_start3A_351 = arith.constant 8 : i32
      %dma_start3A_352 = tpu.memref_slice %arg5[%dma_start3A_351, %multiple_of3A_312] : memref<32x1000000xf32, #tpu.memory_space<hbm>> -> memref<8x128xf32, #tpu.memory_space<hbm>>
      tpu.enqueue_dma source(%dma_start3A_352 : memref<8x128xf32, #tpu.memory_space<hbm>>) target(%dma_start3A_350 : memref<8x128xf32, #tpu.memory_space<vmem>>) target_semaphore(%arg16 : memref<!tpu.dma_semaphore, #tpu.memory_space<semaphore_mem>>)
      %dma_start3A_353 = arith.constant 16 : i32
      %dma_start3A_354 = arith.constant 384 : i32
      %dma_start3A_355 = tpu.memref_slice %arg10[%dma_start3A_353, %dma_start3A_354] : memref<32x512xf32, #tpu.memory_space<vmem>> -> memref<8x128xf32, #tpu.memory_space<vmem>>
      %dma_start3A_356 = arith.constant 16 : i32
      %dma_start3A_357 = tpu.memref_slice %arg4[%dma_start3A_356, %multiple_of3A_307] : memref<32x1000000xf32, #tpu.memory_space<hbm>> -> memref<8x128xf32, #tpu.memory_space<hbm>>
      %dma_start3A_358 = arith.constant 16 : i32
      %dma_start3A_359 = arith.constant 384 : i32
      %dma_start3A_360 = tpu.memref_slice %arg10[%dma_start3A_358, %dma_start3A_359] : memref<32x512xf32, #tpu.memory_space<vmem>> -> memref<8x128xf32, #tpu.memory_space<vmem>>
      %dma_start3A_361 = arith.constant 16 : i32
      %dma_start3A_362 = tpu.memref_slice %arg4[%dma_start3A_361, %multiple_of3A_307] : memref<32x1000000xf32, #tpu.memory_space<hbm>> -> memref<8x128xf32, #tpu.memory_space<hbm>>
      tpu.enqueue_dma source(%dma_start3A_362 : memref<8x128xf32, #tpu.memory_space<hbm>>) target(%dma_start3A_360 : memref<8x128xf32, #tpu.memory_space<vmem>>) target_semaphore(%arg16 : memref<!tpu.dma_semaphore, #tpu.memory_space<semaphore_mem>>)
      %dma_start3A_363 = arith.constant 16 : i32
      %dma_start3A_364 = arith.constant 384 : i32
      %dma_start3A_365 = tpu.memref_slice %arg12[%dma_start3A_363, %dma_start3A_364] : memref<32x512xf32, #tpu.memory_space<vmem>> -> memref<8x128xf32, #tpu.memory_space<vmem>>
      %dma_start3A_366 = arith.constant 16 : i32
      %dma_start3A_367 = tpu.memref_slice %arg5[%dma_start3A_366, %multiple_of3A_312] : memref<32x1000000xf32, #tpu.memory_space<hbm>> -> memref<8x128xf32, #tpu.memory_space<hbm>>
      %dma_start3A_368 = arith.constant 16 : i32
      %dma_start3A_369 = arith.constant 384 : i32
      %dma_start3A_370 = tpu.memref_slice %arg12[%dma_start3A_368, %dma_start3A_369] : memref<32x512xf32, #tpu.memory_space<vmem>> -> memref<8x128xf32, #tpu.memory_space<vmem>>
      %dma_start3A_371 = arith.constant 16 : i32
      %dma_start3A_372 = tpu.memref_slice %arg5[%dma_start3A_371, %multiple_of3A_312] : memref<32x1000000xf32, #tpu.memory_space<hbm>> -> memref<8x128xf32, #tpu.memory_space<hbm>>
      tpu.enqueue_dma source(%dma_start3A_372 : memref<8x128xf32, #tpu.memory_space<hbm>>) target(%dma_start3A_370 : memref<8x128xf32, #tpu.memory_space<vmem>>) target_semaphore(%arg16 : memref<!tpu.dma_semaphore, #tpu.memory_space<semaphore_mem>>)
      %dma_start3A_373 = arith.constant 24 : i32
      %dma_start3A_374 = arith.constant 384 : i32
      %dma_start3A_375 = tpu.memref_slice %arg10[%dma_start3A_373, %dma_start3A_374] : memref<32x512xf32, #tpu.memory_space<vmem>> -> memref<8x128xf32, #tpu.memory_space<vmem>>
      %dma_start3A_376 = arith.constant 24 : i32
      %dma_start3A_377 = tpu.memref_slice %arg4[%dma_start3A_376, %multiple_of3A_307] : memref<32x1000000xf32, #tpu.memory_space<hbm>> -> memref<8x128xf32, #tpu.memory_space<hbm>>
      %dma_start3A_378 = arith.constant 24 : i32
      %dma_start3A_379 = arith.constant 384 : i32
      %dma_start3A_380 = tpu.memref_slice %arg10[%dma_start3A_378, %dma_start3A_379] : memref<32x512xf32, #tpu.memory_space<vmem>> -> memref<8x128xf32, #tpu.memory_space<vmem>>
      %dma_start3A_381 = arith.constant 24 : i32
      %dma_start3A_382 = tpu.memref_slice %arg4[%dma_start3A_381, %multiple_of3A_307] : memref<32x1000000xf32, #tpu.memory_space<hbm>> -> memref<8x128xf32, #tpu.memory_space<hbm>>
      tpu.enqueue_dma source(%dma_start3A_382 : memref<8x128xf32, #tpu.memory_space<hbm>>) target(%dma_start3A_380 : memref<8x128xf32, #tpu.memory_space<vmem>>) target_semaphore(%arg16 : memref<!tpu.dma_semaphore, #tpu.memory_space<semaphore_mem>>)
      %dma_start3A_383 = arith.constant 24 : i32
      %dma_start3A_384 = arith.constant 384 : i32
      %dma_start3A_385 = tpu.memref_slice %arg12[%dma_start3A_383, %dma_start3A_384] : memref<32x512xf32, #tpu.memory_space<vmem>> -> memref<8x128xf32, #tpu.memory_space<vmem>>
      %dma_start3A_386 = arith.constant 24 : i32
      %dma_start3A_387 = tpu.memref_slice %arg5[%dma_start3A_386, %multiple_of3A_312] : memref<32x1000000xf32, #tpu.memory_space<hbm>> -> memref<8x128xf32, #tpu.memory_space<hbm>>
      %dma_start3A_388 = arith.constant 24 : i32
      %dma_start3A_389 = arith.constant 384 : i32
      %dma_start3A_390 = tpu.memref_slice %arg12[%dma_start3A_388, %dma_start3A_389] : memref<32x512xf32, #tpu.memory_space<vmem>> -> memref<8x128xf32, #tpu.memory_space<vmem>>
      %dma_start3A_391 = arith.constant 24 : i32
      %dma_start3A_392 = tpu.memref_slice %arg5[%dma_start3A_391, %multiple_of3A_312] : memref<32x1000000xf32, #tpu.memory_space<hbm>> -> memref<8x128xf32, #tpu.memory_space<hbm>>
      tpu.enqueue_dma source(%dma_start3A_392 : memref<8x128xf32, #tpu.memory_space<hbm>>) target(%dma_start3A_390 : memref<8x128xf32, #tpu.memory_space<vmem>>) target_semaphore(%arg16 : memref<!tpu.dma_semaphore, #tpu.memory_space<semaphore_mem>>)
      %slice3A_393 = vector.extract_strided_slice %get3A_16 {offsets = [4], sizes = [1], strides = [1]} : vector<16xi32> to vector<1xi32>
      %squeeze3A_394 = vector.extract %slice3A_393[0] : i32 from vector<1xi32>
      %slice3A_395 = vector.extract_strided_slice %get3A_20 {offsets = [4], sizes = [1], strides = [1]} : vector<16xi32> to vector<1xi32>
      %squeeze3A_396 = vector.extract %slice3A_395[0] : i32 from vector<1xi32>
      %shift_right_arithmetic3A_397 = arith.constant 7 : i32
      %shift_right_arithmetic3A_398 = arith.shrsi %squeeze3A_394, %shift_right_arithmetic3A_397 : i32
      %mul3A_399 = arith.constant 128 : i32
      %mul3A_400 = arith.muli %shift_right_arithmetic3A_398, %mul3A_399 : i32
      %multiple_of3A_401 = tpu.assume_multiple %mul3A_400, 128 : i32
      %shift_right_arithmetic3A_402 = arith.constant 7 : i32
      %shift_right_arithmetic3A_403 = arith.shrsi %squeeze3A_396, %shift_right_arithmetic3A_402 : i32
      %mul3A_404 = arith.constant 128 : i32
      %mul3A_405 = arith.muli %shift_right_arithmetic3A_403, %mul3A_404 : i32
      %multiple_of3A_406 = tpu.assume_multiple %mul3A_405, 128 : i32
      %dma_start3A_407 = arith.constant 0 : i32
      %dma_start3A_408 = arith.constant 0 : i32
      %dma_start3A_409 = tpu.memref_slice %arg11[%dma_start3A_407, %dma_start3A_408] : memref<32x512xf32, #tpu.memory_space<vmem>> -> memref<8x128xf32, #tpu.memory_space<vmem>>
      %dma_start3A_410 = arith.constant 0 : i32
      %dma_start3A_411 = tpu.memref_slice %arg4[%dma_start3A_410, %multiple_of3A_401] : memref<32x1000000xf32, #tpu.memory_space<hbm>> -> memref<8x128xf32, #tpu.memory_space<hbm>>
      %dma_start3A_412 = arith.constant 0 : i32
      %dma_start3A_413 = arith.constant 0 : i32
      %dma_start3A_414 = tpu.memref_slice %arg11[%dma_start3A_412, %dma_start3A_413] : memref<32x512xf32, #tpu.memory_space<vmem>> -> memref<8x128xf32, #tpu.memory_space<vmem>>
      %dma_start3A_415 = arith.constant 0 : i32
      %dma_start3A_416 = tpu.memref_slice %arg4[%dma_start3A_415, %multiple_of3A_401] : memref<32x1000000xf32, #tpu.memory_space<hbm>> -> memref<8x128xf32, #tpu.memory_space<hbm>>
      tpu.enqueue_dma source(%dma_start3A_416 : memref<8x128xf32, #tpu.memory_space<hbm>>) target(%dma_start3A_414 : memref<8x128xf32, #tpu.memory_space<vmem>>) target_semaphore(%arg17 : memref<!tpu.dma_semaphore, #tpu.memory_space<semaphore_mem>>)
      %dma_start3A_417 = arith.constant 0 : i32
      %dma_start3A_418 = arith.constant 0 : i32
      %dma_start3A_419 = tpu.memref_slice %arg13[%dma_start3A_417, %dma_start3A_418] : memref<32x512xf32, #tpu.memory_space<vmem>> -> memref<8x128xf32, #tpu.memory_space<vmem>>
      %dma_start3A_420 = arith.constant 0 : i32
      %dma_start3A_421 = tpu.memref_slice %arg5[%dma_start3A_420, %multiple_of3A_406] : memref<32x1000000xf32, #tpu.memory_space<hbm>> -> memref<8x128xf32, #tpu.memory_space<hbm>>
      %dma_start3A_422 = arith.constant 0 : i32
      %dma_start3A_423 = arith.constant 0 : i32
      %dma_start3A_424 = tpu.memref_slice %arg13[%dma_start3A_422, %dma_start3A_423] : memref<32x512xf32, #tpu.memory_space<vmem>> -> memref<8x128xf32, #tpu.memory_space<vmem>>
      %dma_start3A_425 = arith.constant 0 : i32
      %dma_start3A_426 = tpu.memref_slice %arg5[%dma_start3A_425, %multiple_of3A_406] : memref<32x1000000xf32, #tpu.memory_space<hbm>> -> memref<8x128xf32, #tpu.memory_space<hbm>>
      tpu.enqueue_dma source(%dma_start3A_426 : memref<8x128xf32, #tpu.memory_space<hbm>>) target(%dma_start3A_424 : memref<8x128xf32, #tpu.memory_space<vmem>>) target_semaphore(%arg17 : memref<!tpu.dma_semaphore, #tpu.memory_space<semaphore_mem>>)
      %dma_start3A_427 = arith.constant 8 : i32
      %dma_start3A_428 = arith.constant 0 : i32
      %dma_start3A_429 = tpu.memref_slice %arg11[%dma_start3A_427, %dma_start3A_428] : memref<32x512xf32, #tpu.memory_space<vmem>> -> memref<8x128xf32, #tpu.memory_space<vmem>>
      %dma_start3A_430 = arith.constant 8 : i32
      %dma_start3A_431 = tpu.memref_slice %arg4[%dma_start3A_430, %multiple_of3A_401] : memref<32x1000000xf32, #tpu.memory_space<hbm>> -> memref<8x128xf32, #tpu.memory_space<hbm>>
      %dma_start3A_432 = arith.constant 8 : i32
      %dma_start3A_433 = arith.constant 0 : i32
      %dma_start3A_434 = tpu.memref_slice %arg11[%dma_start3A_432, %dma_start3A_433] : memref<32x512xf32, #tpu.memory_space<vmem>> -> memref<8x128xf32, #tpu.memory_space<vmem>>
      %dma_start3A_435 = arith.constant 8 : i32
      %dma_start3A_436 = tpu.memref_slice %arg4[%dma_start3A_435, %multiple_of3A_401] : memref<32x1000000xf32, #tpu.memory_space<hbm>> -> memref<8x128xf32, #tpu.memory_space<hbm>>
      tpu.enqueue_dma source(%dma_start3A_436 : memref<8x128xf32, #tpu.memory_space<hbm>>) target(%dma_start3A_434 : memref<8x128xf32, #tpu.memory_space<vmem>>) target_semaphore(%arg17 : memref<!tpu.dma_semaphore, #tpu.memory_space<semaphore_mem>>)
      %dma_start3A_437 = arith.constant 8 : i32
      %dma_start3A_438 = arith.constant 0 : i32
      %dma_start3A_439 = tpu.memref_slice %arg13[%dma_start3A_437, %dma_start3A_438] : memref<32x512xf32, #tpu.memory_space<vmem>> -> memref<8x128xf32, #tpu.memory_space<vmem>>
      %dma_start3A_440 = arith.constant 8 : i32
      %dma_start3A_441 = tpu.memref_slice %arg5[%dma_start3A_440, %multiple_of3A_406] : memref<32x1000000xf32, #tpu.memory_space<hbm>> -> memref<8x128xf32, #tpu.memory_space<hbm>>
      %dma_start3A_442 = arith.constant 8 : i32
      %dma_start3A_443 = arith.constant 0 : i32
      %dma_start3A_444 = tpu.memref_slice %arg13[%dma_start3A_442, %dma_start3A_443] : memref<32x512xf32, #tpu.memory_space<vmem>> -> memref<8x128xf32, #tpu.memory_space<vmem>>
      %dma_start3A_445 = arith.constant 8 : i32
      %dma_start3A_446 = tpu.memref_slice %arg5[%dma_start3A_445, %multiple_of3A_406] : memref<32x1000000xf32, #tpu.memory_space<hbm>> -> memref<8x128xf32, #tpu.memory_space<hbm>>
      tpu.enqueue_dma source(%dma_start3A_446 : memref<8x128xf32, #tpu.memory_space<hbm>>) target(%dma_start3A_444 : memref<8x128xf32, #tpu.memory_space<vmem>>) target_semaphore(%arg17 : memref<!tpu.dma_semaphore, #tpu.memory_space<semaphore_mem>>)
      %dma_start3A_447 = arith.constant 16 : i32
      %dma_start3A_448 = arith.constant 0 : i32
      %dma_start3A_449 = tpu.memref_slice %arg11[%dma_start3A_447, %dma_start3A_448] : memref<32x512xf32, #tpu.memory_space<vmem>> -> memref<8x128xf32, #tpu.memory_space<vmem>>
      %dma_start3A_450 = arith.constant 16 : i32
      %dma_start3A_451 = tpu.memref_slice %arg4[%dma_start3A_450, %multiple_of3A_401] : memref<32x1000000xf32, #tpu.memory_space<hbm>> -> memref<8x128xf32, #tpu.memory_space<hbm>>
      %dma_start3A_452 = arith.constant 16 : i32
      %dma_start3A_453 = arith.constant 0 : i32
      %dma_start3A_454 = tpu.memref_slice %arg11[%dma_start3A_452, %dma_start3A_453] : memref<32x512xf32, #tpu.memory_space<vmem>> -> memref<8x128xf32, #tpu.memory_space<vmem>>
      %dma_start3A_455 = arith.constant 16 : i32
      %dma_start3A_456 = tpu.memref_slice %arg4[%dma_start3A_455, %multiple_of3A_401] : memref<32x1000000xf32, #tpu.memory_space<hbm>> -> memref<8x128xf32, #tpu.memory_space<hbm>>
      tpu.enqueue_dma source(%dma_start3A_456 : memref<8x128xf32, #tpu.memory_space<hbm>>) target(%dma_start3A_454 : memref<8x128xf32, #tpu.memory_space<vmem>>) target_semaphore(%arg17 : memref<!tpu.dma_semaphore, #tpu.memory_space<semaphore_mem>>)
      %dma_start3A_457 = arith.constant 16 : i32
      %dma_start3A_458 = arith.constant 0 : i32
      %dma_start3A_459 = tpu.memref_slice %arg13[%dma_start3A_457, %dma_start3A_458] : memref<32x512xf32, #tpu.memory_space<vmem>> -> memref<8x128xf32, #tpu.memory_space<vmem>>
      %dma_start3A_460 = arith.constant 16 : i32
      %dma_start3A_461 = tpu.memref_slice %arg5[%dma_start3A_460, %multiple_of3A_406] : memref<32x1000000xf32, #tpu.memory_space<hbm>> -> memref<8x128xf32, #tpu.memory_space<hbm>>
      %dma_start3A_462 = arith.constant 16 : i32
      %dma_start3A_463 = arith.constant 0 : i32
      %dma_start3A_464 = tpu.memref_slice %arg13[%dma_start3A_462, %dma_start3A_463] : memref<32x512xf32, #tpu.memory_space<vmem>> -> memref<8x128xf32, #tpu.memory_space<vmem>>
      %dma_start3A_465 = arith.constant 16 : i32
      %dma_start3A_466 = tpu.memref_slice %arg5[%dma_start3A_465, %multiple_of3A_406] : memref<32x1000000xf32, #tpu.memory_space<hbm>> -> memref<8x128xf32, #tpu.memory_space<hbm>>
      tpu.enqueue_dma source(%dma_start3A_466 : memref<8x128xf32, #tpu.memory_space<hbm>>) target(%dma_start3A_464 : memref<8x128xf32, #tpu.memory_space<vmem>>) target_semaphore(%arg17 : memref<!tpu.dma_semaphore, #tpu.memory_space<semaphore_mem>>)
      %dma_start3A_467 = arith.constant 24 : i32
      %dma_start3A_468 = arith.constant 0 : i32
      %dma_start3A_469 = tpu.memref_slice %arg11[%dma_start3A_467, %dma_start3A_468] : memref<32x512xf32, #tpu.memory_space<vmem>> -> memref<8x128xf32, #tpu.memory_space<vmem>>
      %dma_start3A_470 = arith.constant 24 : i32
      %dma_start3A_471 = tpu.memref_slice %arg4[%dma_start3A_470, %multiple_of3A_401] : memref<32x1000000xf32, #tpu.memory_space<hbm>> -> memref<8x128xf32, #tpu.memory_space<hbm>>
      %dma_start3A_472 = arith.constant 24 : i32
      %dma_start3A_473 = arith.constant 0 : i32
      %dma_start3A_474 = tpu.memref_slice %arg11[%dma_start3A_472, %dma_start3A_473] : memref<32x512xf32, #tpu.memory_space<vmem>> -> memref<8x128xf32, #tpu.memory_space<vmem>>
      %dma_start3A_475 = arith.constant 24 : i32
      %dma_start3A_476 = tpu.memref_slice %arg4[%dma_start3A_475, %multiple_of3A_401] : memref<32x1000000xf32, #tpu.memory_space<hbm>> -> memref<8x128xf32, #tpu.memory_space<hbm>>
      tpu.enqueue_dma source(%dma_start3A_476 : memref<8x128xf32, #tpu.memory_space<hbm>>) target(%dma_start3A_474 : memref<8x128xf32, #tpu.memory_space<vmem>>) target_semaphore(%arg17 : memref<!tpu.dma_semaphore, #tpu.memory_space<semaphore_mem>>)
      %dma_start3A_477 = arith.constant 24 : i32
      %dma_start3A_478 = arith.constant 0 : i32
      %dma_start3A_479 = tpu.memref_slice %arg13[%dma_start3A_477, %dma_start3A_478] : memref<32x512xf32, #tpu.memory_space<vmem>> -> memref<8x128xf32, #tpu.memory_space<vmem>>
      %dma_start3A_480 = arith.constant 24 : i32
      %dma_start3A_481 = tpu.memref_slice %arg5[%dma_start3A_480, %multiple_of3A_406] : memref<32x1000000xf32, #tpu.memory_space<hbm>> -> memref<8x128xf32, #tpu.memory_space<hbm>>
      %dma_start3A_482 = arith.constant 24 : i32
      %dma_start3A_483 = arith.constant 0 : i32
      %dma_start3A_484 = tpu.memref_slice %arg13[%dma_start3A_482, %dma_start3A_483] : memref<32x512xf32, #tpu.memory_space<vmem>> -> memref<8x128xf32, #tpu.memory_space<vmem>>
      %dma_start3A_485 = arith.constant 24 : i32
      %dma_start3A_486 = tpu.memref_slice %arg5[%dma_start3A_485, %multiple_of3A_406] : memref<32x1000000xf32, #tpu.memory_space<hbm>> -> memref<8x128xf32, #tpu.memory_space<hbm>>
      tpu.enqueue_dma source(%dma_start3A_486 : memref<8x128xf32, #tpu.memory_space<hbm>>) target(%dma_start3A_484 : memref<8x128xf32, #tpu.memory_space<vmem>>) target_semaphore(%arg17 : memref<!tpu.dma_semaphore, #tpu.memory_space<semaphore_mem>>)
      %slice3A_487 = vector.extract_strided_slice %get3A_16 {offsets = [5], sizes = [1], strides = [1]} : vector<16xi32> to vector<1xi32>
      %squeeze3A_488 = vector.extract %slice3A_487[0] : i32 from vector<1xi32>
      %slice3A_489 = vector.extract_strided_slice %get3A_20 {offsets = [5], sizes = [1], strides = [1]} : vector<16xi32> to vector<1xi32>
      %squeeze3A_490 = vector.extract %slice3A_489[0] : i32 from vector<1xi32>
      %shift_right_arithmetic3A_491 = arith.constant 7 : i32
      %shift_right_arithmetic3A_492 = arith.shrsi %squeeze3A_488, %shift_right_arithmetic3A_491 : i32
      %mul3A_493 = arith.constant 128 : i32
      %mul3A_494 = arith.muli %shift_right_arithmetic3A_492, %mul3A_493 : i32
      %multiple_of3A_495 = tpu.assume_multiple %mul3A_494, 128 : i32
      %shift_right_arithmetic3A_496 = arith.constant 7 : i32
      %shift_right_arithmetic3A_497 = arith.shrsi %squeeze3A_490, %shift_right_arithmetic3A_496 : i32
      %mul3A_498 = arith.constant 128 : i32
      %mul3A_499 = arith.muli %shift_right_arithmetic3A_497, %mul3A_498 : i32
      %multiple_of3A_500 = tpu.assume_multiple %mul3A_499, 128 : i32
      %dma_start3A_501 = arith.constant 0 : i32
      %dma_start3A_502 = arith.constant 128 : i32
      %dma_start3A_503 = tpu.memref_slice %arg11[%dma_start3A_501, %dma_start3A_502] : memref<32x512xf32, #tpu.memory_space<vmem>> -> memref<8x128xf32, #tpu.memory_space<vmem>>
      %dma_start3A_504 = arith.constant 0 : i32
      %dma_start3A_505 = tpu.memref_slice %arg4[%dma_start3A_504, %multiple_of3A_495] : memref<32x1000000xf32, #tpu.memory_space<hbm>> -> memref<8x128xf32, #tpu.memory_space<hbm>>
      %dma_start3A_506 = arith.constant 0 : i32
      %dma_start3A_507 = arith.constant 128 : i32
      %dma_start3A_508 = tpu.memref_slice %arg11[%dma_start3A_506, %dma_start3A_507] : memref<32x512xf32, #tpu.memory_space<vmem>> -> memref<8x128xf32, #tpu.memory_space<vmem>>
      %dma_start3A_509 = arith.constant 0 : i32
      %dma_start3A_510 = tpu.memref_slice %arg4[%dma_start3A_509, %multiple_of3A_495] : memref<32x1000000xf32, #tpu.memory_space<hbm>> -> memref<8x128xf32, #tpu.memory_space<hbm>>
      tpu.enqueue_dma source(%dma_start3A_510 : memref<8x128xf32, #tpu.memory_space<hbm>>) target(%dma_start3A_508 : memref<8x128xf32, #tpu.memory_space<vmem>>) target_semaphore(%arg17 : memref<!tpu.dma_semaphore, #tpu.memory_space<semaphore_mem>>)
      %dma_start3A_511 = arith.constant 0 : i32
      %dma_start3A_512 = arith.constant 128 : i32
      %dma_start3A_513 = tpu.memref_slice %arg13[%dma_start3A_511, %dma_start3A_512] : memref<32x512xf32, #tpu.memory_space<vmem>> -> memref<8x128xf32, #tpu.memory_space<vmem>>
      %dma_start3A_514 = arith.constant 0 : i32
      %dma_start3A_515 = tpu.memref_slice %arg5[%dma_start3A_514, %multiple_of3A_500] : memref<32x1000000xf32, #tpu.memory_space<hbm>> -> memref<8x128xf32, #tpu.memory_space<hbm>>
      %dma_start3A_516 = arith.constant 0 : i32
      %dma_start3A_517 = arith.constant 128 : i32
      %dma_start3A_518 = tpu.memref_slice %arg13[%dma_start3A_516, %dma_start3A_517] : memref<32x512xf32, #tpu.memory_space<vmem>> -> memref<8x128xf32, #tpu.memory_space<vmem>>
      %dma_start3A_519 = arith.constant 0 : i32
      %dma_start3A_520 = tpu.memref_slice %arg5[%dma_start3A_519, %multiple_of3A_500] : memref<32x1000000xf32, #tpu.memory_space<hbm>> -> memref<8x128xf32, #tpu.memory_space<hbm>>
      tpu.enqueue_dma source(%dma_start3A_520 : memref<8x128xf32, #tpu.memory_space<hbm>>) target(%dma_start3A_518 : memref<8x128xf32, #tpu.memory_space<vmem>>) target_semaphore(%arg17 : memref<!tpu.dma_semaphore, #tpu.memory_space<semaphore_mem>>)
      %dma_start3A_521 = arith.constant 8 : i32
      %dma_start3A_522 = arith.constant 128 : i32
      %dma_start3A_523 = tpu.memref_slice %arg11[%dma_start3A_521, %dma_start3A_522] : memref<32x512xf32, #tpu.memory_space<vmem>> -> memref<8x128xf32, #tpu.memory_space<vmem>>
      %dma_start3A_524 = arith.constant 8 : i32
      %dma_start3A_525 = tpu.memref_slice %arg4[%dma_start3A_524, %multiple_of3A_495] : memref<32x1000000xf32, #tpu.memory_space<hbm>> -> memref<8x128xf32, #tpu.memory_space<hbm>>
      %dma_start3A_526 = arith.constant 8 : i32
      %dma_start3A_527 = arith.constant 128 : i32
      %dma_start3A_528 = tpu.memref_slice %arg11[%dma_start3A_526, %dma_start3A_527] : memref<32x512xf32, #tpu.memory_space<vmem>> -> memref<8x128xf32, #tpu.memory_space<vmem>>
      %dma_start3A_529 = arith.constant 8 : i32
      %dma_start3A_530 = tpu.memref_slice %arg4[%dma_start3A_529, %multiple_of3A_495] : memref<32x1000000xf32, #tpu.memory_space<hbm>> -> memref<8x128xf32, #tpu.memory_space<hbm>>
      tpu.enqueue_dma source(%dma_start3A_530 : memref<8x128xf32, #tpu.memory_space<hbm>>) target(%dma_start3A_528 : memref<8x128xf32, #tpu.memory_space<vmem>>) target_semaphore(%arg17 : memref<!tpu.dma_semaphore, #tpu.memory_space<semaphore_mem>>)
      %dma_start3A_531 = arith.constant 8 : i32
      %dma_start3A_532 = arith.constant 128 : i32
      %dma_start3A_533 = tpu.memref_slice %arg13[%dma_start3A_531, %dma_start3A_532] : memref<32x512xf32, #tpu.memory_space<vmem>> -> memref<8x128xf32, #tpu.memory_space<vmem>>
      %dma_start3A_534 = arith.constant 8 : i32
      %dma_start3A_535 = tpu.memref_slice %arg5[%dma_start3A_534, %multiple_of3A_500] : memref<32x1000000xf32, #tpu.memory_space<hbm>> -> memref<8x128xf32, #tpu.memory_space<hbm>>
      %dma_start3A_536 = arith.constant 8 : i32
      %dma_start3A_537 = arith.constant 128 : i32
      %dma_start3A_538 = tpu.memref_slice %arg13[%dma_start3A_536, %dma_start3A_537] : memref<32x512xf32, #tpu.memory_space<vmem>> -> memref<8x128xf32, #tpu.memory_space<vmem>>
      %dma_start3A_539 = arith.constant 8 : i32
      %dma_start3A_540 = tpu.memref_slice %arg5[%dma_start3A_539, %multiple_of3A_500] : memref<32x1000000xf32, #tpu.memory_space<hbm>> -> memref<8x128xf32, #tpu.memory_space<hbm>>
      tpu.enqueue_dma source(%dma_start3A_540 : memref<8x128xf32, #tpu.memory_space<hbm>>) target(%dma_start3A_538 : memref<8x128xf32, #tpu.memory_space<vmem>>) target_semaphore(%arg17 : memref<!tpu.dma_semaphore, #tpu.memory_space<semaphore_mem>>)
      %dma_start3A_541 = arith.constant 16 : i32
      %dma_start3A_542 = arith.constant 128 : i32
      %dma_start3A_543 = tpu.memref_slice %arg11[%dma_start3A_541, %dma_start3A_542] : memref<32x512xf32, #tpu.memory_space<vmem>> -> memref<8x128xf32, #tpu.memory_space<vmem>>
      %dma_start3A_544 = arith.constant 16 : i32
      %dma_start3A_545 = tpu.memref_slice %arg4[%dma_start3A_544, %multiple_of3A_495] : memref<32x1000000xf32, #tpu.memory_space<hbm>> -> memref<8x128xf32, #tpu.memory_space<hbm>>
      %dma_start3A_546 = arith.constant 16 : i32
      %dma_start3A_547 = arith.constant 128 : i32
      %dma_start3A_548 = tpu.memref_slice %arg11[%dma_start3A_546, %dma_start3A_547] : memref<32x512xf32, #tpu.memory_space<vmem>> -> memref<8x128xf32, #tpu.memory_space<vmem>>
      %dma_start3A_549 = arith.constant 16 : i32
      %dma_start3A_550 = tpu.memref_slice %arg4[%dma_start3A_549, %multiple_of3A_495] : memref<32x1000000xf32, #tpu.memory_space<hbm>> -> memref<8x128xf32, #tpu.memory_space<hbm>>
      tpu.enqueue_dma source(%dma_start3A_550 : memref<8x128xf32, #tpu.memory_space<hbm>>) target(%dma_start3A_548 : memref<8x128xf32, #tpu.memory_space<vmem>>) target_semaphore(%arg17 : memref<!tpu.dma_semaphore, #tpu.memory_space<semaphore_mem>>)
      %dma_start3A_551 = arith.constant 16 : i32
      %dma_start3A_552 = arith.constant 128 : i32
      %dma_start3A_553 = tpu.memref_slice %arg13[%dma_start3A_551, %dma_start3A_552] : memref<32x512xf32, #tpu.memory_space<vmem>> -> memref<8x128xf32, #tpu.memory_space<vmem>>
      %dma_start3A_554 = arith.constant 16 : i32
      %dma_start3A_555 = tpu.memref_slice %arg5[%dma_start3A_554, %multiple_of3A_500] : memref<32x1000000xf32, #tpu.memory_space<hbm>> -> memref<8x128xf32, #tpu.memory_space<hbm>>
      %dma_start3A_556 = arith.constant 16 : i32
      %dma_start3A_557 = arith.constant 128 : i32
      %dma_start3A_558 = tpu.memref_slice %arg13[%dma_start3A_556, %dma_start3A_557] : memref<32x512xf32, #tpu.memory_space<vmem>> -> memref<8x128xf32, #tpu.memory_space<vmem>>
      %dma_start3A_559 = arith.constant 16 : i32
      %dma_start3A_560 = tpu.memref_slice %arg5[%dma_start3A_559, %multiple_of3A_500] : memref<32x1000000xf32, #tpu.memory_space<hbm>> -> memref<8x128xf32, #tpu.memory_space<hbm>>
      tpu.enqueue_dma source(%dma_start3A_560 : memref<8x128xf32, #tpu.memory_space<hbm>>) target(%dma_start3A_558 : memref<8x128xf32, #tpu.memory_space<vmem>>) target_semaphore(%arg17 : memref<!tpu.dma_semaphore, #tpu.memory_space<semaphore_mem>>)
      %dma_start3A_561 = arith.constant 24 : i32
      %dma_start3A_562 = arith.constant 128 : i32
      %dma_start3A_563 = tpu.memref_slice %arg11[%dma_start3A_561, %dma_start3A_562] : memref<32x512xf32, #tpu.memory_space<vmem>> -> memref<8x128xf32, #tpu.memory_space<vmem>>
      %dma_start3A_564 = arith.constant 24 : i32
      %dma_start3A_565 = tpu.memref_slice %arg4[%dma_start3A_564, %multiple_of3A_495] : memref<32x1000000xf32, #tpu.memory_space<hbm>> -> memref<8x128xf32, #tpu.memory_space<hbm>>
      %dma_start3A_566 = arith.constant 24 : i32
      %dma_start3A_567 = arith.constant 128 : i32
      %dma_start3A_568 = tpu.memref_slice %arg11[%dma_start3A_566, %dma_start3A_567] : memref<32x512xf32, #tpu.memory_space<vmem>> -> memref<8x128xf32, #tpu.memory_space<vmem>>
      %dma_start3A_569 = arith.constant 24 : i32
      %dma_start3A_570 = tpu.memref_slice %arg4[%dma_start3A_569, %multiple_of3A_495] : memref<32x1000000xf32, #tpu.memory_space<hbm>> -> memref<8x128xf32, #tpu.memory_space<hbm>>
      tpu.enqueue_dma source(%dma_start3A_570 : memref<8x128xf32, #tpu.memory_space<hbm>>) target(%dma_start3A_568 : memref<8x128xf32, #tpu.memory_space<vmem>>) target_semaphore(%arg17 : memref<!tpu.dma_semaphore, #tpu.memory_space<semaphore_mem>>)
      %dma_start3A_571 = arith.constant 24 : i32
      %dma_start3A_572 = arith.constant 128 : i32
      %dma_start3A_573 = tpu.memref_slice %arg13[%dma_start3A_571, %dma_start3A_572] : memref<32x512xf32, #tpu.memory_space<vmem>> -> memref<8x128xf32, #tpu.memory_space<vmem>>
      %dma_start3A_574 = arith.constant 24 : i32
      %dma_start3A_575 = tpu.memref_slice %arg5[%dma_start3A_574, %multiple_of3A_500] : memref<32x1000000xf32, #tpu.memory_space<hbm>> -> memref<8x128xf32, #tpu.memory_space<hbm>>
      %dma_start3A_576 = arith.constant 24 : i32
      %dma_start3A_577 = arith.constant 128 : i32
      %dma_start3A_578 = tpu.memref_slice %arg13[%dma_start3A_576, %dma_start3A_577] : memref<32x512xf32, #tpu.memory_space<vmem>> -> memref<8x128xf32, #tpu.memory_space<vmem>>
      %dma_start3A_579 = arith.constant 24 : i32
      %dma_start3A_580 = tpu.memref_slice %arg5[%dma_start3A_579, %multiple_of3A_500] : memref<32x1000000xf32, #tpu.memory_space<hbm>> -> memref<8x128xf32, #tpu.memory_space<hbm>>
      tpu.enqueue_dma source(%dma_start3A_580 : memref<8x128xf32, #tpu.memory_space<hbm>>) target(%dma_start3A_578 : memref<8x128xf32, #tpu.memory_space<vmem>>) target_semaphore(%arg17 : memref<!tpu.dma_semaphore, #tpu.memory_space<semaphore_mem>>)
      %slice3A_581 = vector.extract_strided_slice %get3A_16 {offsets = [6], sizes = [1], strides = [1]} : vector<16xi32> to vector<1xi32>
      %squeeze3A_582 = vector.extract %slice3A_581[0] : i32 from vector<1xi32>
      %slice3A_583 = vector.extract_strided_slice %get3A_20 {offsets = [6], sizes = [1], strides = [1]} : vector<16xi32> to vector<1xi32>
      %squeeze3A_584 = vector.extract %slice3A_583[0] : i32 from vector<1xi32>
      %shift_right_arithmetic3A_585 = arith.constant 7 : i32
      %shift_right_arithmetic3A_586 = arith.shrsi %squeeze3A_582, %shift_right_arithmetic3A_585 : i32
      %mul3A_587 = arith.constant 128 : i32
      %mul3A_588 = arith.muli %shift_right_arithmetic3A_586, %mul3A_587 : i32
      %multiple_of3A_589 = tpu.assume_multiple %mul3A_588, 128 : i32
      %shift_right_arithmetic3A_590 = arith.constant 7 : i32
      %shift_right_arithmetic3A_591 = arith.shrsi %squeeze3A_584, %shift_right_arithmetic3A_590 : i32
      %mul3A_592 = arith.constant 128 : i32
      %mul3A_593 = arith.muli %shift_right_arithmetic3A_591, %mul3A_592 : i32
      %multiple_of3A_594 = tpu.assume_multiple %mul3A_593, 128 : i32
      %dma_start3A_595 = arith.constant 0 : i32
      %dma_start3A_596 = arith.constant 256 : i32
      %dma_start3A_597 = tpu.memref_slice %arg11[%dma_start3A_595, %dma_start3A_596] : memref<32x512xf32, #tpu.memory_space<vmem>> -> memref<8x128xf32, #tpu.memory_space<vmem>>
      %dma_start3A_598 = arith.constant 0 : i32
      %dma_start3A_599 = tpu.memref_slice %arg4[%dma_start3A_598, %multiple_of3A_589] : memref<32x1000000xf32, #tpu.memory_space<hbm>> -> memref<8x128xf32, #tpu.memory_space<hbm>>
      %dma_start3A_600 = arith.constant 0 : i32
      %dma_start3A_601 = arith.constant 256 : i32
      %dma_start3A_602 = tpu.memref_slice %arg11[%dma_start3A_600, %dma_start3A_601] : memref<32x512xf32, #tpu.memory_space<vmem>> -> memref<8x128xf32, #tpu.memory_space<vmem>>
      %dma_start3A_603 = arith.constant 0 : i32
      %dma_start3A_604 = tpu.memref_slice %arg4[%dma_start3A_603, %multiple_of3A_589] : memref<32x1000000xf32, #tpu.memory_space<hbm>> -> memref<8x128xf32, #tpu.memory_space<hbm>>
      tpu.enqueue_dma source(%dma_start3A_604 : memref<8x128xf32, #tpu.memory_space<hbm>>) target(%dma_start3A_602 : memref<8x128xf32, #tpu.memory_space<vmem>>) target_semaphore(%arg17 : memref<!tpu.dma_semaphore, #tpu.memory_space<semaphore_mem>>)
      %dma_start3A_605 = arith.constant 0 : i32
      %dma_start3A_606 = arith.constant 256 : i32
      %dma_start3A_607 = tpu.memref_slice %arg13[%dma_start3A_605, %dma_start3A_606] : memref<32x512xf32, #tpu.memory_space<vmem>> -> memref<8x128xf32, #tpu.memory_space<vmem>>
      %dma_start3A_608 = arith.constant 0 : i32
      %dma_start3A_609 = tpu.memref_slice %arg5[%dma_start3A_608, %multiple_of3A_594] : memref<32x1000000xf32, #tpu.memory_space<hbm>> -> memref<8x128xf32, #tpu.memory_space<hbm>>
      %dma_start3A_610 = arith.constant 0 : i32
      %dma_start3A_611 = arith.constant 256 : i32
      %dma_start3A_612 = tpu.memref_slice %arg13[%dma_start3A_610, %dma_start3A_611] : memref<32x512xf32, #tpu.memory_space<vmem>> -> memref<8x128xf32, #tpu.memory_space<vmem>>
      %dma_start3A_613 = arith.constant 0 : i32
      %dma_start3A_614 = tpu.memref_slice %arg5[%dma_start3A_613, %multiple_of3A_594] : memref<32x1000000xf32, #tpu.memory_space<hbm>> -> memref<8x128xf32, #tpu.memory_space<hbm>>
      tpu.enqueue_dma source(%dma_start3A_614 : memref<8x128xf32, #tpu.memory_space<hbm>>) target(%dma_start3A_612 : memref<8x128xf32, #tpu.memory_space<vmem>>) target_semaphore(%arg17 : memref<!tpu.dma_semaphore, #tpu.memory_space<semaphore_mem>>)
      %dma_start3A_615 = arith.constant 8 : i32
      %dma_start3A_616 = arith.constant 256 : i32
      %dma_start3A_617 = tpu.memref_slice %arg11[%dma_start3A_615, %dma_start3A_616] : memref<32x512xf32, #tpu.memory_space<vmem>> -> memref<8x128xf32, #tpu.memory_space<vmem>>
      %dma_start3A_618 = arith.constant 8 : i32
      %dma_start3A_619 = tpu.memref_slice %arg4[%dma_start3A_618, %multiple_of3A_589] : memref<32x1000000xf32, #tpu.memory_space<hbm>> -> memref<8x128xf32, #tpu.memory_space<hbm>>
      %dma_start3A_620 = arith.constant 8 : i32
      %dma_start3A_621 = arith.constant 256 : i32
      %dma_start3A_622 = tpu.memref_slice %arg11[%dma_start3A_620, %dma_start3A_621] : memref<32x512xf32, #tpu.memory_space<vmem>> -> memref<8x128xf32, #tpu.memory_space<vmem>>
      %dma_start3A_623 = arith.constant 8 : i32
      %dma_start3A_624 = tpu.memref_slice %arg4[%dma_start3A_623, %multiple_of3A_589] : memref<32x1000000xf32, #tpu.memory_space<hbm>> -> memref<8x128xf32, #tpu.memory_space<hbm>>
      tpu.enqueue_dma source(%dma_start3A_624 : memref<8x128xf32, #tpu.memory_space<hbm>>) target(%dma_start3A_622 : memref<8x128xf32, #tpu.memory_space<vmem>>) target_semaphore(%arg17 : memref<!tpu.dma_semaphore, #tpu.memory_space<semaphore_mem>>)
      %dma_start3A_625 = arith.constant 8 : i32
      %dma_start3A_626 = arith.constant 256 : i32
      %dma_start3A_627 = tpu.memref_slice %arg13[%dma_start3A_625, %dma_start3A_626] : memref<32x512xf32, #tpu.memory_space<vmem>> -> memref<8x128xf32, #tpu.memory_space<vmem>>
      %dma_start3A_628 = arith.constant 8 : i32
      %dma_start3A_629 = tpu.memref_slice %arg5[%dma_start3A_628, %multiple_of3A_594] : memref<32x1000000xf32, #tpu.memory_space<hbm>> -> memref<8x128xf32, #tpu.memory_space<hbm>>
      %dma_start3A_630 = arith.constant 8 : i32
      %dma_start3A_631 = arith.constant 256 : i32
      %dma_start3A_632 = tpu.memref_slice %arg13[%dma_start3A_630, %dma_start3A_631] : memref<32x512xf32, #tpu.memory_space<vmem>> -> memref<8x128xf32, #tpu.memory_space<vmem>>
      %dma_start3A_633 = arith.constant 8 : i32
      %dma_start3A_634 = tpu.memref_slice %arg5[%dma_start3A_633, %multiple_of3A_594] : memref<32x1000000xf32, #tpu.memory_space<hbm>> -> memref<8x128xf32, #tpu.memory_space<hbm>>
      tpu.enqueue_dma source(%dma_start3A_634 : memref<8x128xf32, #tpu.memory_space<hbm>>) target(%dma_start3A_632 : memref<8x128xf32, #tpu.memory_space<vmem>>) target_semaphore(%arg17 : memref<!tpu.dma_semaphore, #tpu.memory_space<semaphore_mem>>)
      %dma_start3A_635 = arith.constant 16 : i32
      %dma_start3A_636 = arith.constant 256 : i32
      %dma_start3A_637 = tpu.memref_slice %arg11[%dma_start3A_635, %dma_start3A_636] : memref<32x512xf32, #tpu.memory_space<vmem>> -> memref<8x128xf32, #tpu.memory_space<vmem>>
      %dma_start3A_638 = arith.constant 16 : i32
      %dma_start3A_639 = tpu.memref_slice %arg4[%dma_start3A_638, %multiple_of3A_589] : memref<32x1000000xf32, #tpu.memory_space<hbm>> -> memref<8x128xf32, #tpu.memory_space<hbm>>
      %dma_start3A_640 = arith.constant 16 : i32
      %dma_start3A_641 = arith.constant 256 : i32
      %dma_start3A_642 = tpu.memref_slice %arg11[%dma_start3A_640, %dma_start3A_641] : memref<32x512xf32, #tpu.memory_space<vmem>> -> memref<8x128xf32, #tpu.memory_space<vmem>>
      %dma_start3A_643 = arith.constant 16 : i32
      %dma_start3A_644 = tpu.memref_slice %arg4[%dma_start3A_643, %multiple_of3A_589] : memref<32x1000000xf32, #tpu.memory_space<hbm>> -> memref<8x128xf32, #tpu.memory_space<hbm>>
      tpu.enqueue_dma source(%dma_start3A_644 : memref<8x128xf32, #tpu.memory_space<hbm>>) target(%dma_start3A_642 : memref<8x128xf32, #tpu.memory_space<vmem>>) target_semaphore(%arg17 : memref<!tpu.dma_semaphore, #tpu.memory_space<semaphore_mem>>)
      %dma_start3A_645 = arith.constant 16 : i32
      %dma_start3A_646 = arith.constant 256 : i32
      %dma_start3A_647 = tpu.memref_slice %arg13[%dma_start3A_645, %dma_start3A_646] : memref<32x512xf32, #tpu.memory_space<vmem>> -> memref<8x128xf32, #tpu.memory_space<vmem>>
      %dma_start3A_648 = arith.constant 16 : i32
      %dma_start3A_649 = tpu.memref_slice %arg5[%dma_start3A_648, %multiple_of3A_594] : memref<32x1000000xf32, #tpu.memory_space<hbm>> -> memref<8x128xf32, #tpu.memory_space<hbm>>
      %dma_start3A_650 = arith.constant 16 : i32
      %dma_start3A_651 = arith.constant 256 : i32
      %dma_start3A_652 = tpu.memref_slice %arg13[%dma_start3A_650, %dma_start3A_651] : memref<32x512xf32, #tpu.memory_space<vmem>> -> memref<8x128xf32, #tpu.memory_space<vmem>>
      %dma_start3A_653 = arith.constant 16 : i32
      %dma_start3A_654 = tpu.memref_slice %arg5[%dma_start3A_653, %multiple_of3A_594] : memref<32x1000000xf32, #tpu.memory_space<hbm>> -> memref<8x128xf32, #tpu.memory_space<hbm>>
      tpu.enqueue_dma source(%dma_start3A_654 : memref<8x128xf32, #tpu.memory_space<hbm>>) target(%dma_start3A_652 : memref<8x128xf32, #tpu.memory_space<vmem>>) target_semaphore(%arg17 : memref<!tpu.dma_semaphore, #tpu.memory_space<semaphore_mem>>)
      %dma_start3A_655 = arith.constant 24 : i32
      %dma_start3A_656 = arith.constant 256 : i32
      %dma_start3A_657 = tpu.memref_slice %arg11[%dma_start3A_655, %dma_start3A_656] : memref<32x512xf32, #tpu.memory_space<vmem>> -> memref<8x128xf32, #tpu.memory_space<vmem>>
      %dma_start3A_658 = arith.constant 24 : i32
      %dma_start3A_659 = tpu.memref_slice %arg4[%dma_start3A_658, %multiple_of3A_589] : memref<32x1000000xf32, #tpu.memory_space<hbm>> -> memref<8x128xf32, #tpu.memory_space<hbm>>
      %dma_start3A_660 = arith.constant 24 : i32
      %dma_start3A_661 = arith.constant 256 : i32
      %dma_start3A_662 = tpu.memref_slice %arg11[%dma_start3A_660, %dma_start3A_661] : memref<32x512xf32, #tpu.memory_space<vmem>> -> memref<8x128xf32, #tpu.memory_space<vmem>>
      %dma_start3A_663 = arith.constant 24 : i32
      %dma_start3A_664 = tpu.memref_slice %arg4[%dma_start3A_663, %multiple_of3A_589] : memref<32x1000000xf32, #tpu.memory_space<hbm>> -> memref<8x128xf32, #tpu.memory_space<hbm>>
      tpu.enqueue_dma source(%dma_start3A_664 : memref<8x128xf32, #tpu.memory_space<hbm>>) target(%dma_start3A_662 : memref<8x128xf32, #tpu.memory_space<vmem>>) target_semaphore(%arg17 : memref<!tpu.dma_semaphore, #tpu.memory_space<semaphore_mem>>)
      %dma_start3A_665 = arith.constant 24 : i32
      %dma_start3A_666 = arith.constant 256 : i32
      %dma_start3A_667 = tpu.memref_slice %arg13[%dma_start3A_665, %dma_start3A_666] : memref<32x512xf32, #tpu.memory_space<vmem>> -> memref<8x128xf32, #tpu.memory_space<vmem>>
      %dma_start3A_668 = arith.constant 24 : i32
      %dma_start3A_669 = tpu.memref_slice %arg5[%dma_start3A_668, %multiple_of3A_594] : memref<32x1000000xf32, #tpu.memory_space<hbm>> -> memref<8x128xf32, #tpu.memory_space<hbm>>
      %dma_start3A_670 = arith.constant 24 : i32
      %dma_start3A_671 = arith.constant 256 : i32
      %dma_start3A_672 = tpu.memref_slice %arg13[%dma_start3A_670, %dma_start3A_671] : memref<32x512xf32, #tpu.memory_space<vmem>> -> memref<8x128xf32, #tpu.memory_space<vmem>>
      %dma_start3A_673 = arith.constant 24 : i32
      %dma_start3A_674 = tpu.memref_slice %arg5[%dma_start3A_673, %multiple_of3A_594] : memref<32x1000000xf32, #tpu.memory_space<hbm>> -> memref<8x128xf32, #tpu.memory_space<hbm>>
      tpu.enqueue_dma source(%dma_start3A_674 : memref<8x128xf32, #tpu.memory_space<hbm>>) target(%dma_start3A_672 : memref<8x128xf32, #tpu.memory_space<vmem>>) target_semaphore(%arg17 : memref<!tpu.dma_semaphore, #tpu.memory_space<semaphore_mem>>)
      %slice3A_675 = vector.extract_strided_slice %get3A_16 {offsets = [7], sizes = [1], strides = [1]} : vector<16xi32> to vector<1xi32>
      %squeeze3A_676 = vector.extract %slice3A_675[0] : i32 from vector<1xi32>
      %slice3A_677 = vector.extract_strided_slice %get3A_20 {offsets = [7], sizes = [1], strides = [1]} : vector<16xi32> to vector<1xi32>
      %squeeze3A_678 = vector.extract %slice3A_677[0] : i32 from vector<1xi32>
      %shift_right_arithmetic3A_679 = arith.constant 7 : i32
      %shift_right_arithmetic3A_680 = arith.shrsi %squeeze3A_676, %shift_right_arithmetic3A_679 : i32
      %mul3A_681 = arith.constant 128 : i32
      %mul3A_682 = arith.muli %shift_right_arithmetic3A_680, %mul3A_681 : i32
      %multiple_of3A_683 = tpu.assume_multiple %mul3A_682, 128 : i32
      %shift_right_arithmetic3A_684 = arith.constant 7 : i32
      %shift_right_arithmetic3A_685 = arith.shrsi %squeeze3A_678, %shift_right_arithmetic3A_684 : i32
      %mul3A_686 = arith.constant 128 : i32
      %mul3A_687 = arith.muli %shift_right_arithmetic3A_685, %mul3A_686 : i32
      %multiple_of3A_688 = tpu.assume_multiple %mul3A_687, 128 : i32
      %dma_start3A_689 = arith.constant 0 : i32
      %dma_start3A_690 = arith.constant 384 : i32
      %dma_start3A_691 = tpu.memref_slice %arg11[%dma_start3A_689, %dma_start3A_690] : memref<32x512xf32, #tpu.memory_space<vmem>> -> memref<8x128xf32, #tpu.memory_space<vmem>>
      %dma_start3A_692 = arith.constant 0 : i32
      %dma_start3A_693 = tpu.memref_slice %arg4[%dma_start3A_692, %multiple_of3A_683] : memref<32x1000000xf32, #tpu.memory_space<hbm>> -> memref<8x128xf32, #tpu.memory_space<hbm>>
      %dma_start3A_694 = arith.constant 0 : i32
      %dma_start3A_695 = arith.constant 384 : i32
      %dma_start3A_696 = tpu.memref_slice %arg11[%dma_start3A_694, %dma_start3A_695] : memref<32x512xf32, #tpu.memory_space<vmem>> -> memref<8x128xf32, #tpu.memory_space<vmem>>
      %dma_start3A_697 = arith.constant 0 : i32
      %dma_start3A_698 = tpu.memref_slice %arg4[%dma_start3A_697, %multiple_of3A_683] : memref<32x1000000xf32, #tpu.memory_space<hbm>> -> memref<8x128xf32, #tpu.memory_space<hbm>>
      tpu.enqueue_dma source(%dma_start3A_698 : memref<8x128xf32, #tpu.memory_space<hbm>>) target(%dma_start3A_696 : memref<8x128xf32, #tpu.memory_space<vmem>>) target_semaphore(%arg17 : memref<!tpu.dma_semaphore, #tpu.memory_space<semaphore_mem>>)
      %dma_start3A_699 = arith.constant 0 : i32
      %dma_start3A_700 = arith.constant 384 : i32
      %dma_start3A_701 = tpu.memref_slice %arg13[%dma_start3A_699, %dma_start3A_700] : memref<32x512xf32, #tpu.memory_space<vmem>> -> memref<8x128xf32, #tpu.memory_space<vmem>>
      %dma_start3A_702 = arith.constant 0 : i32
      %dma_start3A_703 = tpu.memref_slice %arg5[%dma_start3A_702, %multiple_of3A_688] : memref<32x1000000xf32, #tpu.memory_space<hbm>> -> memref<8x128xf32, #tpu.memory_space<hbm>>
      %dma_start3A_704 = arith.constant 0 : i32
      %dma_start3A_705 = arith.constant 384 : i32
      %dma_start3A_706 = tpu.memref_slice %arg13[%dma_start3A_704, %dma_start3A_705] : memref<32x512xf32, #tpu.memory_space<vmem>> -> memref<8x128xf32, #tpu.memory_space<vmem>>
      %dma_start3A_707 = arith.constant 0 : i32
      %dma_start3A_708 = tpu.memref_slice %arg5[%dma_start3A_707, %multiple_of3A_688] : memref<32x1000000xf32, #tpu.memory_space<hbm>> -> memref<8x128xf32, #tpu.memory_space<hbm>>
      tpu.enqueue_dma source(%dma_start3A_708 : memref<8x128xf32, #tpu.memory_space<hbm>>) target(%dma_start3A_706 : memref<8x128xf32, #tpu.memory_space<vmem>>) target_semaphore(%arg17 : memref<!tpu.dma_semaphore, #tpu.memory_space<semaphore_mem>>)
      %dma_start3A_709 = arith.constant 8 : i32
      %dma_start3A_710 = arith.constant 384 : i32
      %dma_start3A_711 = tpu.memref_slice %arg11[%dma_start3A_709, %dma_start3A_710] : memref<32x512xf32, #tpu.memory_space<vmem>> -> memref<8x128xf32, #tpu.memory_space<vmem>>
      %dma_start3A_712 = arith.constant 8 : i32
      %dma_start3A_713 = tpu.memref_slice %arg4[%dma_start3A_712, %multiple_of3A_683] : memref<32x1000000xf32, #tpu.memory_space<hbm>> -> memref<8x128xf32, #tpu.memory_space<hbm>>
      %dma_start3A_714 = arith.constant 8 : i32
      %dma_start3A_715 = arith.constant 384 : i32
      %dma_start3A_716 = tpu.memref_slice %arg11[%dma_start3A_714, %dma_start3A_715] : memref<32x512xf32, #tpu.memory_space<vmem>> -> memref<8x128xf32, #tpu.memory_space<vmem>>
      %dma_start3A_717 = arith.constant 8 : i32
      %dma_start3A_718 = tpu.memref_slice %arg4[%dma_start3A_717, %multiple_of3A_683] : memref<32x1000000xf32, #tpu.memory_space<hbm>> -> memref<8x128xf32, #tpu.memory_space<hbm>>
      tpu.enqueue_dma source(%dma_start3A_718 : memref<8x128xf32, #tpu.memory_space<hbm>>) target(%dma_start3A_716 : memref<8x128xf32, #tpu.memory_space<vmem>>) target_semaphore(%arg17 : memref<!tpu.dma_semaphore, #tpu.memory_space<semaphore_mem>>)
      %dma_start3A_719 = arith.constant 8 : i32
      %dma_start3A_720 = arith.constant 384 : i32
      %dma_start3A_721 = tpu.memref_slice %arg13[%dma_start3A_719, %dma_start3A_720] : memref<32x512xf32, #tpu.memory_space<vmem>> -> memref<8x128xf32, #tpu.memory_space<vmem>>
      %dma_start3A_722 = arith.constant 8 : i32
      %dma_start3A_723 = tpu.memref_slice %arg5[%dma_start3A_722, %multiple_of3A_688] : memref<32x1000000xf32, #tpu.memory_space<hbm>> -> memref<8x128xf32, #tpu.memory_space<hbm>>
      %dma_start3A_724 = arith.constant 8 : i32
      %dma_start3A_725 = arith.constant 384 : i32
      %dma_start3A_726 = tpu.memref_slice %arg13[%dma_start3A_724, %dma_start3A_725] : memref<32x512xf32, #tpu.memory_space<vmem>> -> memref<8x128xf32, #tpu.memory_space<vmem>>
      %dma_start3A_727 = arith.constant 8 : i32
      %dma_start3A_728 = tpu.memref_slice %arg5[%dma_start3A_727, %multiple_of3A_688] : memref<32x1000000xf32, #tpu.memory_space<hbm>> -> memref<8x128xf32, #tpu.memory_space<hbm>>
      tpu.enqueue_dma source(%dma_start3A_728 : memref<8x128xf32, #tpu.memory_space<hbm>>) target(%dma_start3A_726 : memref<8x128xf32, #tpu.memory_space<vmem>>) target_semaphore(%arg17 : memref<!tpu.dma_semaphore, #tpu.memory_space<semaphore_mem>>)
      %dma_start3A_729 = arith.constant 16 : i32
      %dma_start3A_730 = arith.constant 384 : i32
      %dma_start3A_731 = tpu.memref_slice %arg11[%dma_start3A_729, %dma_start3A_730] : memref<32x512xf32, #tpu.memory_space<vmem>> -> memref<8x128xf32, #tpu.memory_space<vmem>>
      %dma_start3A_732 = arith.constant 16 : i32
      %dma_start3A_733 = tpu.memref_slice %arg4[%dma_start3A_732, %multiple_of3A_683] : memref<32x1000000xf32, #tpu.memory_space<hbm>> -> memref<8x128xf32, #tpu.memory_space<hbm>>
      %dma_start3A_734 = arith.constant 16 : i32
      %dma_start3A_735 = arith.constant 384 : i32
      %dma_start3A_736 = tpu.memref_slice %arg11[%dma_start3A_734, %dma_start3A_735] : memref<32x512xf32, #tpu.memory_space<vmem>> -> memref<8x128xf32, #tpu.memory_space<vmem>>
      %dma_start3A_737 = arith.constant 16 : i32
      %dma_start3A_738 = tpu.memref_slice %arg4[%dma_start3A_737, %multiple_of3A_683] : memref<32x1000000xf32, #tpu.memory_space<hbm>> -> memref<8x128xf32, #tpu.memory_space<hbm>>
      tpu.enqueue_dma source(%dma_start3A_738 : memref<8x128xf32, #tpu.memory_space<hbm>>) target(%dma_start3A_736 : memref<8x128xf32, #tpu.memory_space<vmem>>) target_semaphore(%arg17 : memref<!tpu.dma_semaphore, #tpu.memory_space<semaphore_mem>>)
      %dma_start3A_739 = arith.constant 16 : i32
      %dma_start3A_740 = arith.constant 384 : i32
      %dma_start3A_741 = tpu.memref_slice %arg13[%dma_start3A_739, %dma_start3A_740] : memref<32x512xf32, #tpu.memory_space<vmem>> -> memref<8x128xf32, #tpu.memory_space<vmem>>
      %dma_start3A_742 = arith.constant 16 : i32
      %dma_start3A_743 = tpu.memref_slice %arg5[%dma_start3A_742, %multiple_of3A_688] : memref<32x1000000xf32, #tpu.memory_space<hbm>> -> memref<8x128xf32, #tpu.memory_space<hbm>>
      %dma_start3A_744 = arith.constant 16 : i32
      %dma_start3A_745 = arith.constant 384 : i32
      %dma_start3A_746 = tpu.memref_slice %arg13[%dma_start3A_744, %dma_start3A_745] : memref<32x512xf32, #tpu.memory_space<vmem>> -> memref<8x128xf32, #tpu.memory_space<vmem>>
      %dma_start3A_747 = arith.constant 16 : i32
      %dma_start3A_748 = tpu.memref_slice %arg5[%dma_start3A_747, %multiple_of3A_688] : memref<32x1000000xf32, #tpu.memory_space<hbm>> -> memref<8x128xf32, #tpu.memory_space<hbm>>
      tpu.enqueue_dma source(%dma_start3A_748 : memref<8x128xf32, #tpu.memory_space<hbm>>) target(%dma_start3A_746 : memref<8x128xf32, #tpu.memory_space<vmem>>) target_semaphore(%arg17 : memref<!tpu.dma_semaphore, #tpu.memory_space<semaphore_mem>>)
      %dma_start3A_749 = arith.constant 24 : i32
      %dma_start3A_750 = arith.constant 384 : i32
      %dma_start3A_751 = tpu.memref_slice %arg11[%dma_start3A_749, %dma_start3A_750] : memref<32x512xf32, #tpu.memory_space<vmem>> -> memref<8x128xf32, #tpu.memory_space<vmem>>
      %dma_start3A_752 = arith.constant 24 : i32
      %dma_start3A_753 = tpu.memref_slice %arg4[%dma_start3A_752, %multiple_of3A_683] : memref<32x1000000xf32, #tpu.memory_space<hbm>> -> memref<8x128xf32, #tpu.memory_space<hbm>>
      %dma_start3A_754 = arith.constant 24 : i32
      %dma_start3A_755 = arith.constant 384 : i32
      %dma_start3A_756 = tpu.memref_slice %arg11[%dma_start3A_754, %dma_start3A_755] : memref<32x512xf32, #tpu.memory_space<vmem>> -> memref<8x128xf32, #tpu.memory_space<vmem>>
      %dma_start3A_757 = arith.constant 24 : i32
      %dma_start3A_758 = tpu.memref_slice %arg4[%dma_start3A_757, %multiple_of3A_683] : memref<32x1000000xf32, #tpu.memory_space<hbm>> -> memref<8x128xf32, #tpu.memory_space<hbm>>
      tpu.enqueue_dma source(%dma_start3A_758 : memref<8x128xf32, #tpu.memory_space<hbm>>) target(%dma_start3A_756 : memref<8x128xf32, #tpu.memory_space<vmem>>) target_semaphore(%arg17 : memref<!tpu.dma_semaphore, #tpu.memory_space<semaphore_mem>>)
      %dma_start3A_759 = arith.constant 24 : i32
      %dma_start3A_760 = arith.constant 384 : i32
      %dma_start3A_761 = tpu.memref_slice %arg13[%dma_start3A_759, %dma_start3A_760] : memref<32x512xf32, #tpu.memory_space<vmem>> -> memref<8x128xf32, #tpu.memory_space<vmem>>
      %dma_start3A_762 = arith.constant 24 : i32
      %dma_start3A_763 = tpu.memref_slice %arg5[%dma_start3A_762, %multiple_of3A_688] : memref<32x1000000xf32, #tpu.memory_space<hbm>> -> memref<8x128xf32, #tpu.memory_space<hbm>>
      %dma_start3A_764 = arith.constant 24 : i32
      %dma_start3A_765 = arith.constant 384 : i32
      %dma_start3A_766 = tpu.memref_slice %arg13[%dma_start3A_764, %dma_start3A_765] : memref<32x512xf32, #tpu.memory_space<vmem>> -> memref<8x128xf32, #tpu.memory_space<vmem>>
      %dma_start3A_767 = arith.constant 24 : i32
      %dma_start3A_768 = tpu.memref_slice %arg5[%dma_start3A_767, %multiple_of3A_688] : memref<32x1000000xf32, #tpu.memory_space<hbm>> -> memref<8x128xf32, #tpu.memory_space<hbm>>
      tpu.enqueue_dma source(%dma_start3A_768 : memref<8x128xf32, #tpu.memory_space<hbm>>) target(%dma_start3A_766 : memref<8x128xf32, #tpu.memory_space<vmem>>) target_semaphore(%arg17 : memref<!tpu.dma_semaphore, #tpu.memory_space<semaphore_mem>>)
      %dma_wait3A = arith.constant 0 : i32
      %dma_wait3A_769 = arith.constant 0 : i32
      %dma_wait3A_770 = tpu.memref_slice %arg4[%dma_wait3A, %dma_wait3A_769] : memref<32x1000000xf32, #tpu.memory_space<hbm>> -> memref<32x512xf32, #tpu.memory_space<hbm>>
      %dma_wait3A_771 = arith.constant 0 : i32
      %dma_wait3A_772 = arith.constant 0 : i32
      %dma_wait3A_773 = tpu.memref_slice %arg4[%dma_wait3A_771, %dma_wait3A_772] : memref<32x1000000xf32, #tpu.memory_space<hbm>> -> memref<32x512xf32, #tpu.memory_space<hbm>>
      tpu.wait_dma2 semaphore(%arg16 : memref<!tpu.dma_semaphore, #tpu.memory_space<semaphore_mem>>) src(%dma_wait3A_773 : memref<32x512xf32, #tpu.memory_space<hbm>>) dst(%arg10 : memref<32x512xf32, #tpu.memory_space<vmem>>)
      %dma_wait3A_774 = arith.constant 0 : i32
      %dma_wait3A_775 = arith.constant 0 : i32
      %dma_wait3A_776 = tpu.memref_slice %arg5[%dma_wait3A_774, %dma_wait3A_775] : memref<32x1000000xf32, #tpu.memory_space<hbm>> -> memref<32x512xf32, #tpu.memory_space<hbm>>
      %dma_wait3A_777 = arith.constant 0 : i32
      %dma_wait3A_778 = arith.constant 0 : i32
      %dma_wait3A_779 = tpu.memref_slice %arg5[%dma_wait3A_777, %dma_wait3A_778] : memref<32x1000000xf32, #tpu.memory_space<hbm>> -> memref<32x512xf32, #tpu.memory_space<hbm>>
      tpu.wait_dma2 semaphore(%arg16 : memref<!tpu.dma_semaphore, #tpu.memory_space<semaphore_mem>>) src(%dma_wait3A_779 : memref<32x512xf32, #tpu.memory_space<hbm>>) dst(%arg12 : memref<32x512xf32, #tpu.memory_space<vmem>>)
      %slice3A_780 = vector.extract_strided_slice %get3A_16 {offsets = [0], sizes = [1], strides = [1]} : vector<16xi32> to vector<1xi32>
      %squeeze3A_781 = vector.extract %slice3A_780[0] : i32 from vector<1xi32>
      %and3A = arith.constant 127 : i32
      %and3A_782 = arith.andi %squeeze3A_781, %and3A : i32
      %add3A_783 = arith.constant 0 : i32
      %add3A_784 = arith.addi %and3A_782, %add3A_783 : i32
      %slice3A_785 = vector.extract_strided_slice %get3A_20 {offsets = [0], sizes = [1], strides = [1]} : vector<16xi32> to vector<1xi32>
      %squeeze3A_786 = vector.extract %slice3A_785[0] : i32 from vector<1xi32>
      %and3A_787 = arith.constant 127 : i32
      %and3A_788 = arith.andi %squeeze3A_786, %and3A_787 : i32
      %add3A_789 = arith.constant 0 : i32
      %add3A_790 = arith.addi %and3A_788, %add3A_789 : i32
      %broadcast_in_dim3A_791 = vector.broadcast %add3A_784 : i32 to vector<16xi32>
      %broadcast_in_dim3A_792 = vector.broadcast %add3A_790 : i32 to vector<16xi32>
      %gather3A = tpu.vector_load_idx %arg10[%iota3A, %broadcast_in_dim3A_791] : memref<32x512xf32, #tpu.memory_space<vmem>>[vector<16xi32>, vector<16xi32>], vector<16xf32>,
      %gather3A_793 = tpu.vector_load_idx %arg10[%add3A_5, %broadcast_in_dim3A_791] : memref<32x512xf32, #tpu.memory_space<vmem>>[vector<16xi32>, vector<16xi32>], vector<16xf32>,
      %gather3A_794 = tpu.vector_load_idx %arg12[%iota3A, %broadcast_in_dim3A_792] : memref<32x512xf32, #tpu.memory_space<vmem>>[vector<16xi32>, vector<16xi32>], vector<16xf32>,
      %gather3A_795 = tpu.vector_load_idx %arg12[%add3A_5, %broadcast_in_dim3A_792] : memref<32x512xf32, #tpu.memory_space<vmem>>[vector<16xi32>, vector<16xi32>], vector<16xf32>,
      %mul3A_796 = arith.mulf %gather3A, %gather3A_794 : vector<16xf32>
      %mul3A_797 = arith.mulf %gather3A_793, %gather3A_795 : vector<16xf32>
      %add3A_798 = arith.addf %mul3A_796, %mul3A_797 : vector<16xf32>
      %reduce_sum3A = arith.constant true
      %reduce_sum3A_799 = vector.broadcast %reduce_sum3A : i1 to vector<16xi1>
      %reduce_sum3A_800 = tpu.scan <sum>, %add3A_798 masked %reduce_sum3A_799 : vector<16xf32>, vector<16xi1> -> vector<16xf32>
      %reduce_sum3A_801 = vector.extract %reduce_sum3A_800[15] : f32 from vector<16xf32>
      %eq3A = arith.constant 0 : i32
      %eq3A_802 = vector.broadcast %eq3A : i32 to vector<16xi32>
      %eq3A_803 = arith.cmpi eq, %iota3A, %eq3A_802 : vector<16xi32>
      %broadcast_in_dim3A_804 = vector.broadcast %reduce_sum3A_801 : f32 to vector<16xf32>
      %select_n3A = arith.select %eq3A_803, %broadcast_in_dim3A_804, %broadcast_in_dim3A_21 : vector<16xi1>, vector<16xf32>
      %slice3A_805 = vector.extract_strided_slice %get3A_16 {offsets = [1], sizes = [1], strides = [1]} : vector<16xi32> to vector<1xi32>
      %squeeze3A_806 = vector.extract %slice3A_805[0] : i32 from vector<1xi32>
      %and3A_807 = arith.constant 127 : i32
      %and3A_808 = arith.andi %squeeze3A_806, %and3A_807 : i32
      %add3A_809 = arith.constant 128 : i32
      %add3A_810 = arith.addi %and3A_808, %add3A_809 : i32
      %slice3A_811 = vector.extract_strided_slice %get3A_20 {offsets = [1], sizes = [1], strides = [1]} : vector<16xi32> to vector<1xi32>
      %squeeze3A_812 = vector.extract %slice3A_811[0] : i32 from vector<1xi32>
      %and3A_813 = arith.constant 127 : i32
      %and3A_814 = arith.andi %squeeze3A_812, %and3A_813 : i32
      %add3A_815 = arith.constant 128 : i32
      %add3A_816 = arith.addi %and3A_814, %add3A_815 : i32
      %broadcast_in_dim3A_817 = vector.broadcast %add3A_810 : i32 to vector<16xi32>
      %broadcast_in_dim3A_818 = vector.broadcast %add3A_816 : i32 to vector<16xi32>
      %gather3A_819 = tpu.vector_load_idx %arg10[%iota3A, %broadcast_in_dim3A_817] : memref<32x512xf32, #tpu.memory_space<vmem>>[vector<16xi32>, vector<16xi32>], vector<16xf32>,
      %gather3A_820 = tpu.vector_load_idx %arg10[%add3A_5, %broadcast_in_dim3A_817] : memref<32x512xf32, #tpu.memory_space<vmem>>[vector<16xi32>, vector<16xi32>], vector<16xf32>,
      %gather3A_821 = tpu.vector_load_idx %arg12[%iota3A, %broadcast_in_dim3A_818] : memref<32x512xf32, #tpu.memory_space<vmem>>[vector<16xi32>, vector<16xi32>], vector<16xf32>,
      %gather3A_822 = tpu.vector_load_idx %arg12[%add3A_5, %broadcast_in_dim3A_818] : memref<32x512xf32, #tpu.memory_space<vmem>>[vector<16xi32>, vector<16xi32>], vector<16xf32>,
      %mul3A_823 = arith.mulf %gather3A_819, %gather3A_821 : vector<16xf32>
      %mul3A_824 = arith.mulf %gather3A_820, %gather3A_822 : vector<16xf32>
      %add3A_825 = arith.addf %mul3A_823, %mul3A_824 : vector<16xf32>
      %reduce_sum3A_826 = arith.constant true
      %reduce_sum3A_827 = vector.broadcast %reduce_sum3A_826 : i1 to vector<16xi1>
      %reduce_sum3A_828 = tpu.scan <sum>, %add3A_825 masked %reduce_sum3A_827 : vector<16xf32>, vector<16xi1> -> vector<16xf32>
      %reduce_sum3A_829 = vector.extract %reduce_sum3A_828[15] : f32 from vector<16xf32>
      %eq3A_830 = arith.constant 1 : i32
      %eq3A_831 = vector.broadcast %eq3A_830 : i32 to vector<16xi32>
      %eq3A_832 = arith.cmpi eq, %iota3A, %eq3A_831 : vector<16xi32>
      %broadcast_in_dim3A_833 = vector.broadcast %reduce_sum3A_829 : f32 to vector<16xf32>
      %select_n3A_834 = arith.select %eq3A_832, %broadcast_in_dim3A_833, %select_n3A : vector<16xi1>, vector<16xf32>
      %slice3A_835 = vector.extract_strided_slice %get3A_16 {offsets = [2], sizes = [1], strides = [1]} : vector<16xi32> to vector<1xi32>
      %squeeze3A_836 = vector.extract %slice3A_835[0] : i32 from vector<1xi32>
      %and3A_837 = arith.constant 127 : i32
      %and3A_838 = arith.andi %squeeze3A_836, %and3A_837 : i32
      %add3A_839 = arith.constant 256 : i32
      %add3A_840 = arith.addi %and3A_838, %add3A_839 : i32
      %slice3A_841 = vector.extract_strided_slice %get3A_20 {offsets = [2], sizes = [1], strides = [1]} : vector<16xi32> to vector<1xi32>
      %squeeze3A_842 = vector.extract %slice3A_841[0] : i32 from vector<1xi32>
      %and3A_843 = arith.constant 127 : i32
      %and3A_844 = arith.andi %squeeze3A_842, %and3A_843 : i32
      %add3A_845 = arith.constant 256 : i32
      %add3A_846 = arith.addi %and3A_844, %add3A_845 : i32
      %broadcast_in_dim3A_847 = vector.broadcast %add3A_840 : i32 to vector<16xi32>
      %broadcast_in_dim3A_848 = vector.broadcast %add3A_846 : i32 to vector<16xi32>
      %gather3A_849 = tpu.vector_load_idx %arg10[%iota3A, %broadcast_in_dim3A_847] : memref<32x512xf32, #tpu.memory_space<vmem>>[vector<16xi32>, vector<16xi32>], vector<16xf32>,
      %gather3A_850 = tpu.vector_load_idx %arg10[%add3A_5, %broadcast_in_dim3A_847] : memref<32x512xf32, #tpu.memory_space<vmem>>[vector<16xi32>, vector<16xi32>], vector<16xf32>,
      %gather3A_851 = tpu.vector_load_idx %arg12[%iota3A, %broadcast_in_dim3A_848] : memref<32x512xf32, #tpu.memory_space<vmem>>[vector<16xi32>, vector<16xi32>], vector<16xf32>,
      %gather3A_852 = tpu.vector_load_idx %arg12[%add3A_5, %broadcast_in_dim3A_848] : memref<32x512xf32, #tpu.memory_space<vmem>>[vector<16xi32>, vector<16xi32>], vector<16xf32>,
      %mul3A_853 = arith.mulf %gather3A_849, %gather3A_851 : vector<16xf32>
      %mul3A_854 = arith.mulf %gather3A_850, %gather3A_852 : vector<16xf32>
      %add3A_855 = arith.addf %mul3A_853, %mul3A_854 : vector<16xf32>
      %reduce_sum3A_856 = arith.constant true
      %reduce_sum3A_857 = vector.broadcast %reduce_sum3A_856 : i1 to vector<16xi1>
      %reduce_sum3A_858 = tpu.scan <sum>, %add3A_855 masked %reduce_sum3A_857 : vector<16xf32>, vector<16xi1> -> vector<16xf32>
      %reduce_sum3A_859 = vector.extract %reduce_sum3A_858[15] : f32 from vector<16xf32>
      %eq3A_860 = arith.constant 2 : i32
      %eq3A_861 = vector.broadcast %eq3A_860 : i32 to vector<16xi32>
      %eq3A_862 = arith.cmpi eq, %iota3A, %eq3A_861 : vector<16xi32>
      %broadcast_in_dim3A_863 = vector.broadcast %reduce_sum3A_859 : f32 to vector<16xf32>
      %select_n3A_864 = arith.select %eq3A_862, %broadcast_in_dim3A_863, %select_n3A_834 : vector<16xi1>, vector<16xf32>
      %slice3A_865 = vector.extract_strided_slice %get3A_16 {offsets = [3], sizes = [1], strides = [1]} : vector<16xi32> to vector<1xi32>
      %squeeze3A_866 = vector.extract %slice3A_865[0] : i32 from vector<1xi32>
      %and3A_867 = arith.constant 127 : i32
      %and3A_868 = arith.andi %squeeze3A_866, %and3A_867 : i32
      %add3A_869 = arith.constant 384 : i32
      %add3A_870 = arith.addi %and3A_868, %add3A_869 : i32
      %slice3A_871 = vector.extract_strided_slice %get3A_20 {offsets = [3], sizes = [1], strides = [1]} : vector<16xi32> to vector<1xi32>
      %squeeze3A_872 = vector.extract %slice3A_871[0] : i32 from vector<1xi32>
      %and3A_873 = arith.constant 127 : i32
      %and3A_874 = arith.andi %squeeze3A_872, %and3A_873 : i32
      %add3A_875 = arith.constant 384 : i32
      %add3A_876 = arith.addi %and3A_874, %add3A_875 : i32
      %broadcast_in_dim3A_877 = vector.broadcast %add3A_870 : i32 to vector<16xi32>
      %broadcast_in_dim3A_878 = vector.broadcast %add3A_876 : i32 to vector<16xi32>
      %gather3A_879 = tpu.vector_load_idx %arg10[%iota3A, %broadcast_in_dim3A_877] : memref<32x512xf32, #tpu.memory_space<vmem>>[vector<16xi32>, vector<16xi32>], vector<16xf32>,
      %gather3A_880 = tpu.vector_load_idx %arg10[%add3A_5, %broadcast_in_dim3A_877] : memref<32x512xf32, #tpu.memory_space<vmem>>[vector<16xi32>, vector<16xi32>], vector<16xf32>,
      %gather3A_881 = tpu.vector_load_idx %arg12[%iota3A, %broadcast_in_dim3A_878] : memref<32x512xf32, #tpu.memory_space<vmem>>[vector<16xi32>, vector<16xi32>], vector<16xf32>,
      %gather3A_882 = tpu.vector_load_idx %arg12[%add3A_5, %broadcast_in_dim3A_878] : memref<32x512xf32, #tpu.memory_space<vmem>>[vector<16xi32>, vector<16xi32>], vector<16xf32>,
      %mul3A_883 = arith.mulf %gather3A_879, %gather3A_881 : vector<16xf32>
      %mul3A_884 = arith.mulf %gather3A_880, %gather3A_882 : vector<16xf32>
      %add3A_885 = arith.addf %mul3A_883, %mul3A_884 : vector<16xf32>
      %reduce_sum3A_886 = arith.constant true
      %reduce_sum3A_887 = vector.broadcast %reduce_sum3A_886 : i1 to vector<16xi1>
      %reduce_sum3A_888 = tpu.scan <sum>, %add3A_885 masked %reduce_sum3A_887 : vector<16xf32>, vector<16xi1> -> vector<16xf32>
      %reduce_sum3A_889 = vector.extract %reduce_sum3A_888[15] : f32 from vector<16xf32>
      %eq3A_890 = arith.constant 3 : i32
      %eq3A_891 = vector.broadcast %eq3A_890 : i32 to vector<16xi32>
      %eq3A_892 = arith.cmpi eq, %iota3A, %eq3A_891 : vector<16xi32>
      %broadcast_in_dim3A_893 = vector.broadcast %reduce_sum3A_889 : f32 to vector<16xf32>
      %select_n3A_894 = arith.select %eq3A_892, %broadcast_in_dim3A_893, %select_n3A_864 : vector<16xi1>, vector<16xf32>
      %slice3A_895 = vector.extract_strided_slice %get3A_16 {offsets = [8], sizes = [1], strides = [1]} : vector<16xi32> to vector<1xi32>
      %squeeze3A_896 = vector.extract %slice3A_895[0] : i32 from vector<1xi32>
      %slice3A_897 = vector.extract_strided_slice %get3A_20 {offsets = [8], sizes = [1], strides = [1]} : vector<16xi32> to vector<1xi32>
      %squeeze3A_898 = vector.extract %slice3A_897[0] : i32 from vector<1xi32>
      %shift_right_arithmetic3A_899 = arith.constant 7 : i32
      %shift_right_arithmetic3A_900 = arith.shrsi %squeeze3A_896, %shift_right_arithmetic3A_899 : i32
      %mul3A_901 = arith.constant 128 : i32
      %mul3A_902 = arith.muli %shift_right_arithmetic3A_900, %mul3A_901 : i32
      %multiple_of3A_903 = tpu.assume_multiple %mul3A_902, 128 : i32
      %shift_right_arithmetic3A_904 = arith.constant 7 : i32
      %shift_right_arithmetic3A_905 = arith.shrsi %squeeze3A_898, %shift_right_arithmetic3A_904 : i32
      %mul3A_906 = arith.constant 128 : i32
      %mul3A_907 = arith.muli %shift_right_arithmetic3A_905, %mul3A_906 : i32
      %multiple_of3A_908 = tpu.assume_multiple %mul3A_907, 128 : i32
      %dma_start3A_909 = arith.constant 0 : i32
      %dma_start3A_910 = arith.constant 0 : i32
      %dma_start3A_911 = tpu.memref_slice %arg10[%dma_start3A_909, %dma_start3A_910] : memref<32x512xf32, #tpu.memory_space<vmem>> -> memref<8x128xf32, #tpu.memory_space<vmem>>
      %dma_start3A_912 = arith.constant 0 : i32
      %dma_start3A_913 = tpu.memref_slice %arg4[%dma_start3A_912, %multiple_of3A_903] : memref<32x1000000xf32, #tpu.memory_space<hbm>> -> memref<8x128xf32, #tpu.memory_space<hbm>>
      %dma_start3A_914 = arith.constant 0 : i32
      %dma_start3A_915 = arith.constant 0 : i32
      %dma_start3A_916 = tpu.memref_slice %arg10[%dma_start3A_914, %dma_start3A_915] : memref<32x512xf32, #tpu.memory_space<vmem>> -> memref<8x128xf32, #tpu.memory_space<vmem>>
      %dma_start3A_917 = arith.constant 0 : i32
      %dma_start3A_918 = tpu.memref_slice %arg4[%dma_start3A_917, %multiple_of3A_903] : memref<32x1000000xf32, #tpu.memory_space<hbm>> -> memref<8x128xf32, #tpu.memory_space<hbm>>
      tpu.enqueue_dma source(%dma_start3A_918 : memref<8x128xf32, #tpu.memory_space<hbm>>) target(%dma_start3A_916 : memref<8x128xf32, #tpu.memory_space<vmem>>) target_semaphore(%arg16 : memref<!tpu.dma_semaphore, #tpu.memory_space<semaphore_mem>>)
      %dma_start3A_919 = arith.constant 0 : i32
      %dma_start3A_920 = arith.constant 0 : i32
      %dma_start3A_921 = tpu.memref_slice %arg12[%dma_start3A_919, %dma_start3A_920] : memref<32x512xf32, #tpu.memory_space<vmem>> -> memref<8x128xf32, #tpu.memory_space<vmem>>
      %dma_start3A_922 = arith.constant 0 : i32
      %dma_start3A_923 = tpu.memref_slice %arg5[%dma_start3A_922, %multiple_of3A_908] : memref<32x1000000xf32, #tpu.memory_space<hbm>> -> memref<8x128xf32, #tpu.memory_space<hbm>>
      %dma_start3A_924 = arith.constant 0 : i32
      %dma_start3A_925 = arith.constant 0 : i32
      %dma_start3A_926 = tpu.memref_slice %arg12[%dma_start3A_924, %dma_start3A_925] : memref<32x512xf32, #tpu.memory_space<vmem>> -> memref<8x128xf32, #tpu.memory_space<vmem>>
      %dma_start3A_927 = arith.constant 0 : i32
      %dma_start3A_928 = tpu.memref_slice %arg5[%dma_start3A_927, %multiple_of3A_908] : memref<32x1000000xf32, #tpu.memory_space<hbm>> -> memref<8x128xf32, #tpu.memory_space<hbm>>
      tpu.enqueue_dma source(%dma_start3A_928 : memref<8x128xf32, #tpu.memory_space<hbm>>) target(%dma_start3A_926 : memref<8x128xf32, #tpu.memory_space<vmem>>) target_semaphore(%arg16 : memref<!tpu.dma_semaphore, #tpu.memory_space<semaphore_mem>>)
      %dma_start3A_929 = arith.constant 8 : i32
      %dma_start3A_930 = arith.constant 0 : i32
      %dma_start3A_931 = tpu.memref_slice %arg10[%dma_start3A_929, %dma_start3A_930] : memref<32x512xf32, #tpu.memory_space<vmem>> -> memref<8x128xf32, #tpu.memory_space<vmem>>
      %dma_start3A_932 = arith.constant 8 : i32
      %dma_start3A_933 = tpu.memref_slice %arg4[%dma_start3A_932, %multiple_of3A_903] : memref<32x1000000xf32, #tpu.memory_space<hbm>> -> memref<8x128xf32, #tpu.memory_space<hbm>>
      %dma_start3A_934 = arith.constant 8 : i32
      %dma_start3A_935 = arith.constant 0 : i32
      %dma_start3A_936 = tpu.memref_slice %arg10[%dma_start3A_934, %dma_start3A_935] : memref<32x512xf32, #tpu.memory_space<vmem>> -> memref<8x128xf32, #tpu.memory_space<vmem>>
      %dma_start3A_937 = arith.constant 8 : i32
      %dma_start3A_938 = tpu.memref_slice %arg4[%dma_start3A_937, %multiple_of3A_903] : memref<32x1000000xf32, #tpu.memory_space<hbm>> -> memref<8x128xf32, #tpu.memory_space<hbm>>
      tpu.enqueue_dma source(%dma_start3A_938 : memref<8x128xf32, #tpu.memory_space<hbm>>) target(%dma_start3A_936 : memref<8x128xf32, #tpu.memory_space<vmem>>) target_semaphore(%arg16 : memref<!tpu.dma_semaphore, #tpu.memory_space<semaphore_mem>>)
      %dma_start3A_939 = arith.constant 8 : i32
      %dma_start3A_940 = arith.constant 0 : i32
      %dma_start3A_941 = tpu.memref_slice %arg12[%dma_start3A_939, %dma_start3A_940] : memref<32x512xf32, #tpu.memory_space<vmem>> -> memref<8x128xf32, #tpu.memory_space<vmem>>
      %dma_start3A_942 = arith.constant 8 : i32
      %dma_start3A_943 = tpu.memref_slice %arg5[%dma_start3A_942, %multiple_of3A_908] : memref<32x1000000xf32, #tpu.memory_space<hbm>> -> memref<8x128xf32, #tpu.memory_space<hbm>>
      %dma_start3A_944 = arith.constant 8 : i32
      %dma_start3A_945 = arith.constant 0 : i32
      %dma_start3A_946 = tpu.memref_slice %arg12[%dma_start3A_944, %dma_start3A_945] : memref<32x512xf32, #tpu.memory_space<vmem>> -> memref<8x128xf32, #tpu.memory_space<vmem>>
      %dma_start3A_947 = arith.constant 8 : i32
      %dma_start3A_948 = tpu.memref_slice %arg5[%dma_start3A_947, %multiple_of3A_908] : memref<32x1000000xf32, #tpu.memory_space<hbm>> -> memref<8x128xf32, #tpu.memory_space<hbm>>
      tpu.enqueue_dma source(%dma_start3A_948 : memref<8x128xf32, #tpu.memory_space<hbm>>) target(%dma_start3A_946 : memref<8x128xf32, #tpu.memory_space<vmem>>) target_semaphore(%arg16 : memref<!tpu.dma_semaphore, #tpu.memory_space<semaphore_mem>>)
      %dma_start3A_949 = arith.constant 16 : i32
      %dma_start3A_950 = arith.constant 0 : i32
      %dma_start3A_951 = tpu.memref_slice %arg10[%dma_start3A_949, %dma_start3A_950] : memref<32x512xf32, #tpu.memory_space<vmem>> -> memref<8x128xf32, #tpu.memory_space<vmem>>
      %dma_start3A_952 = arith.constant 16 : i32
      %dma_start3A_953 = tpu.memref_slice %arg4[%dma_start3A_952, %multiple_of3A_903] : memref<32x1000000xf32, #tpu.memory_space<hbm>> -> memref<8x128xf32, #tpu.memory_space<hbm>>
      %dma_start3A_954 = arith.constant 16 : i32
      %dma_start3A_955 = arith.constant 0 : i32
      %dma_start3A_956 = tpu.memref_slice %arg10[%dma_start3A_954, %dma_start3A_955] : memref<32x512xf32, #tpu.memory_space<vmem>> -> memref<8x128xf32, #tpu.memory_space<vmem>>
      %dma_start3A_957 = arith.constant 16 : i32
      %dma_start3A_958 = tpu.memref_slice %arg4[%dma_start3A_957, %multiple_of3A_903] : memref<32x1000000xf32, #tpu.memory_space<hbm>> -> memref<8x128xf32, #tpu.memory_space<hbm>>
      tpu.enqueue_dma source(%dma_start3A_958 : memref<8x128xf32, #tpu.memory_space<hbm>>) target(%dma_start3A_956 : memref<8x128xf32, #tpu.memory_space<vmem>>) target_semaphore(%arg16 : memref<!tpu.dma_semaphore, #tpu.memory_space<semaphore_mem>>)
      %dma_start3A_959 = arith.constant 16 : i32
      %dma_start3A_960 = arith.constant 0 : i32
      %dma_start3A_961 = tpu.memref_slice %arg12[%dma_start3A_959, %dma_start3A_960] : memref<32x512xf32, #tpu.memory_space<vmem>> -> memref<8x128xf32, #tpu.memory_space<vmem>>
      %dma_start3A_962 = arith.constant 16 : i32
      %dma_start3A_963 = tpu.memref_slice %arg5[%dma_start3A_962, %multiple_of3A_908] : memref<32x1000000xf32, #tpu.memory_space<hbm>> -> memref<8x128xf32, #tpu.memory_space<hbm>>
      %dma_start3A_964 = arith.constant 16 : i32
      %dma_start3A_965 = arith.constant 0 : i32
      %dma_start3A_966 = tpu.memref_slice %arg12[%dma_start3A_964, %dma_start3A_965] : memref<32x512xf32, #tpu.memory_space<vmem>> -> memref<8x128xf32, #tpu.memory_space<vmem>>
      %dma_start3A_967 = arith.constant 16 : i32
      %dma_start3A_968 = tpu.memref_slice %arg5[%dma_start3A_967, %multiple_of3A_908] : memref<32x1000000xf32, #tpu.memory_space<hbm>> -> memref<8x128xf32, #tpu.memory_space<hbm>>
      tpu.enqueue_dma source(%dma_start3A_968 : memref<8x128xf32, #tpu.memory_space<hbm>>) target(%dma_start3A_966 : memref<8x128xf32, #tpu.memory_space<vmem>>) target_semaphore(%arg16 : memref<!tpu.dma_semaphore, #tpu.memory_space<semaphore_mem>>)
      %dma_start3A_969 = arith.constant 24 : i32
      %dma_start3A_970 = arith.constant 0 : i32
      %dma_start3A_971 = tpu.memref_slice %arg10[%dma_start3A_969, %dma_start3A_970] : memref<32x512xf32, #tpu.memory_space<vmem>> -> memref<8x128xf32, #tpu.memory_space<vmem>>
      %dma_start3A_972 = arith.constant 24 : i32
      %dma_start3A_973 = tpu.memref_slice %arg4[%dma_start3A_972, %multiple_of3A_903] : memref<32x1000000xf32, #tpu.memory_space<hbm>> -> memref<8x128xf32, #tpu.memory_space<hbm>>
      %dma_start3A_974 = arith.constant 24 : i32
      %dma_start3A_975 = arith.constant 0 : i32
      %dma_start3A_976 = tpu.memref_slice %arg10[%dma_start3A_974, %dma_start3A_975] : memref<32x512xf32, #tpu.memory_space<vmem>> -> memref<8x128xf32, #tpu.memory_space<vmem>>
      %dma_start3A_977 = arith.constant 24 : i32
      %dma_start3A_978 = tpu.memref_slice %arg4[%dma_start3A_977, %multiple_of3A_903] : memref<32x1000000xf32, #tpu.memory_space<hbm>> -> memref<8x128xf32, #tpu.memory_space<hbm>>
      tpu.enqueue_dma source(%dma_start3A_978 : memref<8x128xf32, #tpu.memory_space<hbm>>) target(%dma_start3A_976 : memref<8x128xf32, #tpu.memory_space<vmem>>) target_semaphore(%arg16 : memref<!tpu.dma_semaphore, #tpu.memory_space<semaphore_mem>>)
      %dma_start3A_979 = arith.constant 24 : i32
      %dma_start3A_980 = arith.constant 0 : i32
      %dma_start3A_981 = tpu.memref_slice %arg12[%dma_start3A_979, %dma_start3A_980] : memref<32x512xf32, #tpu.memory_space<vmem>> -> memref<8x128xf32, #tpu.memory_space<vmem>>
      %dma_start3A_982 = arith.constant 24 : i32
      %dma_start3A_983 = tpu.memref_slice %arg5[%dma_start3A_982, %multiple_of3A_908] : memref<32x1000000xf32, #tpu.memory_space<hbm>> -> memref<8x128xf32, #tpu.memory_space<hbm>>
      %dma_start3A_984 = arith.constant 24 : i32
      %dma_start3A_985 = arith.constant 0 : i32
      %dma_start3A_986 = tpu.memref_slice %arg12[%dma_start3A_984, %dma_start3A_985] : memref<32x512xf32, #tpu.memory_space<vmem>> -> memref<8x128xf32, #tpu.memory_space<vmem>>
      %dma_start3A_987 = arith.constant 24 : i32
      %dma_start3A_988 = tpu.memref_slice %arg5[%dma_start3A_987, %multiple_of3A_908] : memref<32x1000000xf32, #tpu.memory_space<hbm>> -> memref<8x128xf32, #tpu.memory_space<hbm>>
      tpu.enqueue_dma source(%dma_start3A_988 : memref<8x128xf32, #tpu.memory_space<hbm>>) target(%dma_start3A_986 : memref<8x128xf32, #tpu.memory_space<vmem>>) target_semaphore(%arg16 : memref<!tpu.dma_semaphore, #tpu.memory_space<semaphore_mem>>)
      %slice3A_989 = vector.extract_strided_slice %get3A_16 {offsets = [9], sizes = [1], strides = [1]} : vector<16xi32> to vector<1xi32>
      %squeeze3A_990 = vector.extract %slice3A_989[0] : i32 from vector<1xi32>
      %slice3A_991 = vector.extract_strided_slice %get3A_20 {offsets = [9], sizes = [1], strides = [1]} : vector<16xi32> to vector<1xi32>
      %squeeze3A_992 = vector.extract %slice3A_991[0] : i32 from vector<1xi32>
      %shift_right_arithmetic3A_993 = arith.constant 7 : i32
      %shift_right_arithmetic3A_994 = arith.shrsi %squeeze3A_990, %shift_right_arithmetic3A_993 : i32
      %mul3A_995 = arith.constant 128 : i32
      %mul3A_996 = arith.muli %shift_right_arithmetic3A_994, %mul3A_995 : i32
      %multiple_of3A_997 = tpu.assume_multiple %mul3A_996, 128 : i32
      %shift_right_arithmetic3A_998 = arith.constant 7 : i32
      %shift_right_arithmetic3A_999 = arith.shrsi %squeeze3A_992, %shift_right_arithmetic3A_998 : i32
      %mul3A_1000 = arith.constant 128 : i32
      %mul3A_1001 = arith.muli %shift_right_arithmetic3A_999, %mul3A_1000 : i32
      %multiple_of3A_1002 = tpu.assume_multiple %mul3A_1001, 128 : i32
      %dma_start3A_1003 = arith.constant 0 : i32
      %dma_start3A_1004 = arith.constant 128 : i32
      %dma_start3A_1005 = tpu.memref_slice %arg10[%dma_start3A_1003, %dma_start3A_1004] : memref<32x512xf32, #tpu.memory_space<vmem>> -> memref<8x128xf32, #tpu.memory_space<vmem>>
      %dma_start3A_1006 = arith.constant 0 : i32
      %dma_start3A_1007 = tpu.memref_slice %arg4[%dma_start3A_1006, %multiple_of3A_997] : memref<32x1000000xf32, #tpu.memory_space<hbm>> -> memref<8x128xf32, #tpu.memory_space<hbm>>
      %dma_start3A_1008 = arith.constant 0 : i32
      %dma_start3A_1009 = arith.constant 128 : i32
      %dma_start3A_1010 = tpu.memref_slice %arg10[%dma_start3A_1008, %dma_start3A_1009] : memref<32x512xf32, #tpu.memory_space<vmem>> -> memref<8x128xf32, #tpu.memory_space<vmem>>
      %dma_start3A_1011 = arith.constant 0 : i32
      %dma_start3A_1012 = tpu.memref_slice %arg4[%dma_start3A_1011, %multiple_of3A_997] : memref<32x1000000xf32, #tpu.memory_space<hbm>> -> memref<8x128xf32, #tpu.memory_space<hbm>>
      tpu.enqueue_dma source(%dma_start3A_1012 : memref<8x128xf32, #tpu.memory_space<hbm>>) target(%dma_start3A_1010 : memref<8x128xf32, #tpu.memory_space<vmem>>) target_semaphore(%arg16 : memref<!tpu.dma_semaphore, #tpu.memory_space<semaphore_mem>>)
      %dma_start3A_1013 = arith.constant 0 : i32
      %dma_start3A_1014 = arith.constant 128 : i32
      %dma_start3A_1015 = tpu.memref_slice %arg12[%dma_start3A_1013, %dma_start3A_1014] : memref<32x512xf32, #tpu.memory_space<vmem>> -> memref<8x128xf32, #tpu.memory_space<vmem>>
      %dma_start3A_1016 = arith.constant 0 : i32
      %dma_start3A_1017 = tpu.memref_slice %arg5[%dma_start3A_1016, %multiple_of3A_1002] : memref<32x1000000xf32, #tpu.memory_space<hbm>> -> memref<8x128xf32, #tpu.memory_space<hbm>>
      %dma_start3A_1018 = arith.constant 0 : i32
      %dma_start3A_1019 = arith.constant 128 : i32
      %dma_start3A_1020 = tpu.memref_slice %arg12[%dma_start3A_1018, %dma_start3A_1019] : memref<32x512xf32, #tpu.memory_space<vmem>> -> memref<8x128xf32, #tpu.memory_space<vmem>>
      %dma_start3A_1021 = arith.constant 0 : i32
      %dma_start3A_1022 = tpu.memref_slice %arg5[%dma_start3A_1021, %multiple_of3A_1002] : memref<32x1000000xf32, #tpu.memory_space<hbm>> -> memref<8x128xf32, #tpu.memory_space<hbm>>
      tpu.enqueue_dma source(%dma_start3A_1022 : memref<8x128xf32, #tpu.memory_space<hbm>>) target(%dma_start3A_1020 : memref<8x128xf32, #tpu.memory_space<vmem>>) target_semaphore(%arg16 : memref<!tpu.dma_semaphore, #tpu.memory_space<semaphore_mem>>)
      %dma_start3A_1023 = arith.constant 8 : i32
      %dma_start3A_1024 = arith.constant 128 : i32
      %dma_start3A_1025 = tpu.memref_slice %arg10[%dma_start3A_1023, %dma_start3A_1024] : memref<32x512xf32, #tpu.memory_space<vmem>> -> memref<8x128xf32, #tpu.memory_space<vmem>>
      %dma_start3A_1026 = arith.constant 8 : i32
      %dma_start3A_1027 = tpu.memref_slice %arg4[%dma_start3A_1026, %multiple_of3A_997] : memref<32x1000000xf32, #tpu.memory_space<hbm>> -> memref<8x128xf32, #tpu.memory_space<hbm>>
      %dma_start3A_1028 = arith.constant 8 : i32
      %dma_start3A_1029 = arith.constant 128 : i32
      %dma_start3A_1030 = tpu.memref_slice %arg10[%dma_start3A_1028, %dma_start3A_1029] : memref<32x512xf32, #tpu.memory_space<vmem>> -> memref<8x128xf32, #tpu.memory_space<vmem>>
      %dma_start3A_1031 = arith.constant 8 : i32
      %dma_start3A_1032 = tpu.memref_slice %arg4[%dma_start3A_1031, %multiple_of3A_997] : memref<32x1000000xf32, #tpu.memory_space<hbm>> -> memref<8x128xf32, #tpu.memory_space<hbm>>
      tpu.enqueue_dma source(%dma_start3A_1032 : memref<8x128xf32, #tpu.memory_space<hbm>>) target(%dma_start3A_1030 : memref<8x128xf32, #tpu.memory_space<vmem>>) target_semaphore(%arg16 : memref<!tpu.dma_semaphore, #tpu.memory_space<semaphore_mem>>)
      %dma_start3A_1033 = arith.constant 8 : i32
      %dma_start3A_1034 = arith.constant 128 : i32
      %dma_start3A_1035 = tpu.memref_slice %arg12[%dma_start3A_1033, %dma_start3A_1034] : memref<32x512xf32, #tpu.memory_space<vmem>> -> memref<8x128xf32, #tpu.memory_space<vmem>>
      %dma_start3A_1036 = arith.constant 8 : i32
      %dma_start3A_1037 = tpu.memref_slice %arg5[%dma_start3A_1036, %multiple_of3A_1002] : memref<32x1000000xf32, #tpu.memory_space<hbm>> -> memref<8x128xf32, #tpu.memory_space<hbm>>
      %dma_start3A_1038 = arith.constant 8 : i32
      %dma_start3A_1039 = arith.constant 128 : i32
      %dma_start3A_1040 = tpu.memref_slice %arg12[%dma_start3A_1038, %dma_start3A_1039] : memref<32x512xf32, #tpu.memory_space<vmem>> -> memref<8x128xf32, #tpu.memory_space<vmem>>
      %dma_start3A_1041 = arith.constant 8 : i32
      %dma_start3A_1042 = tpu.memref_slice %arg5[%dma_start3A_1041, %multiple_of3A_1002] : memref<32x1000000xf32, #tpu.memory_space<hbm>> -> memref<8x128xf32, #tpu.memory_space<hbm>>
      tpu.enqueue_dma source(%dma_start3A_1042 : memref<8x128xf32, #tpu.memory_space<hbm>>) target(%dma_start3A_1040 : memref<8x128xf32, #tpu.memory_space<vmem>>) target_semaphore(%arg16 : memref<!tpu.dma_semaphore, #tpu.memory_space<semaphore_mem>>)
      %dma_start3A_1043 = arith.constant 16 : i32
      %dma_start3A_1044 = arith.constant 128 : i32
      %dma_start3A_1045 = tpu.memref_slice %arg10[%dma_start3A_1043, %dma_start3A_1044] : memref<32x512xf32, #tpu.memory_space<vmem>> -> memref<8x128xf32, #tpu.memory_space<vmem>>
      %dma_start3A_1046 = arith.constant 16 : i32
      %dma_start3A_1047 = tpu.memref_slice %arg4[%dma_start3A_1046, %multiple_of3A_997] : memref<32x1000000xf32, #tpu.memory_space<hbm>> -> memref<8x128xf32, #tpu.memory_space<hbm>>
      %dma_start3A_1048 = arith.constant 16 : i32
      %dma_start3A_1049 = arith.constant 128 : i32
      %dma_start3A_1050 = tpu.memref_slice %arg10[%dma_start3A_1048, %dma_start3A_1049] : memref<32x512xf32, #tpu.memory_space<vmem>> -> memref<8x128xf32, #tpu.memory_space<vmem>>
      %dma_start3A_1051 = arith.constant 16 : i32
      %dma_start3A_1052 = tpu.memref_slice %arg4[%dma_start3A_1051, %multiple_of3A_997] : memref<32x1000000xf32, #tpu.memory_space<hbm>> -> memref<8x128xf32, #tpu.memory_space<hbm>>
      tpu.enqueue_dma source(%dma_start3A_1052 : memref<8x128xf32, #tpu.memory_space<hbm>>) target(%dma_start3A_1050 : memref<8x128xf32, #tpu.memory_space<vmem>>) target_semaphore(%arg16 : memref<!tpu.dma_semaphore, #tpu.memory_space<semaphore_mem>>)
      %dma_start3A_1053 = arith.constant 16 : i32
      %dma_start3A_1054 = arith.constant 128 : i32
      %dma_start3A_1055 = tpu.memref_slice %arg12[%dma_start3A_1053, %dma_start3A_1054] : memref<32x512xf32, #tpu.memory_space<vmem>> -> memref<8x128xf32, #tpu.memory_space<vmem>>
      %dma_start3A_1056 = arith.constant 16 : i32
      %dma_start3A_1057 = tpu.memref_slice %arg5[%dma_start3A_1056, %multiple_of3A_1002] : memref<32x1000000xf32, #tpu.memory_space<hbm>> -> memref<8x128xf32, #tpu.memory_space<hbm>>
      %dma_start3A_1058 = arith.constant 16 : i32
      %dma_start3A_1059 = arith.constant 128 : i32
      %dma_start3A_1060 = tpu.memref_slice %arg12[%dma_start3A_1058, %dma_start3A_1059] : memref<32x512xf32, #tpu.memory_space<vmem>> -> memref<8x128xf32, #tpu.memory_space<vmem>>
      %dma_start3A_1061 = arith.constant 16 : i32
      %dma_start3A_1062 = tpu.memref_slice %arg5[%dma_start3A_1061, %multiple_of3A_1002] : memref<32x1000000xf32, #tpu.memory_space<hbm>> -> memref<8x128xf32, #tpu.memory_space<hbm>>
      tpu.enqueue_dma source(%dma_start3A_1062 : memref<8x128xf32, #tpu.memory_space<hbm>>) target(%dma_start3A_1060 : memref<8x128xf32, #tpu.memory_space<vmem>>) target_semaphore(%arg16 : memref<!tpu.dma_semaphore, #tpu.memory_space<semaphore_mem>>)
      %dma_start3A_1063 = arith.constant 24 : i32
      %dma_start3A_1064 = arith.constant 128 : i32
      %dma_start3A_1065 = tpu.memref_slice %arg10[%dma_start3A_1063, %dma_start3A_1064] : memref<32x512xf32, #tpu.memory_space<vmem>> -> memref<8x128xf32, #tpu.memory_space<vmem>>
      %dma_start3A_1066 = arith.constant 24 : i32
      %dma_start3A_1067 = tpu.memref_slice %arg4[%dma_start3A_1066, %multiple_of3A_997] : memref<32x1000000xf32, #tpu.memory_space<hbm>> -> memref<8x128xf32, #tpu.memory_space<hbm>>
      %dma_start3A_1068 = arith.constant 24 : i32
      %dma_start3A_1069 = arith.constant 128 : i32
      %dma_start3A_1070 = tpu.memref_slice %arg10[%dma_start3A_1068, %dma_start3A_1069] : memref<32x512xf32, #tpu.memory_space<vmem>> -> memref<8x128xf32, #tpu.memory_space<vmem>>
      %dma_start3A_1071 = arith.constant 24 : i32
      %dma_start3A_1072 = tpu.memref_slice %arg4[%dma_start3A_1071, %multiple_of3A_997] : memref<32x1000000xf32, #tpu.memory_space<hbm>> -> memref<8x128xf32, #tpu.memory_space<hbm>>
      tpu.enqueue_dma source(%dma_start3A_1072 : memref<8x128xf32, #tpu.memory_space<hbm>>) target(%dma_start3A_1070 : memref<8x128xf32, #tpu.memory_space<vmem>>) target_semaphore(%arg16 : memref<!tpu.dma_semaphore, #tpu.memory_space<semaphore_mem>>)
      %dma_start3A_1073 = arith.constant 24 : i32
      %dma_start3A_1074 = arith.constant 128 : i32
      %dma_start3A_1075 = tpu.memref_slice %arg12[%dma_start3A_1073, %dma_start3A_1074] : memref<32x512xf32, #tpu.memory_space<vmem>> -> memref<8x128xf32, #tpu.memory_space<vmem>>
      %dma_start3A_1076 = arith.constant 24 : i32
      %dma_start3A_1077 = tpu.memref_slice %arg5[%dma_start3A_1076, %multiple_of3A_1002] : memref<32x1000000xf32, #tpu.memory_space<hbm>> -> memref<8x128xf32, #tpu.memory_space<hbm>>
      %dma_start3A_1078 = arith.constant 24 : i32
      %dma_start3A_1079 = arith.constant 128 : i32
      %dma_start3A_1080 = tpu.memref_slice %arg12[%dma_start3A_1078, %dma_start3A_1079] : memref<32x512xf32, #tpu.memory_space<vmem>> -> memref<8x128xf32, #tpu.memory_space<vmem>>
      %dma_start3A_1081 = arith.constant 24 : i32
      %dma_start3A_1082 = tpu.memref_slice %arg5[%dma_start3A_1081, %multiple_of3A_1002] : memref<32x1000000xf32, #tpu.memory_space<hbm>> -> memref<8x128xf32, #tpu.memory_space<hbm>>
      tpu.enqueue_dma source(%dma_start3A_1082 : memref<8x128xf32, #tpu.memory_space<hbm>>) target(%dma_start3A_1080 : memref<8x128xf32, #tpu.memory_space<vmem>>) target_semaphore(%arg16 : memref<!tpu.dma_semaphore, #tpu.memory_space<semaphore_mem>>)
      %slice3A_1083 = vector.extract_strided_slice %get3A_16 {offsets = [10], sizes = [1], strides = [1]} : vector<16xi32> to vector<1xi32>
      %squeeze3A_1084 = vector.extract %slice3A_1083[0] : i32 from vector<1xi32>
      %slice3A_1085 = vector.extract_strided_slice %get3A_20 {offsets = [10], sizes = [1], strides = [1]} : vector<16xi32> to vector<1xi32>
      %squeeze3A_1086 = vector.extract %slice3A_1085[0] : i32 from vector<1xi32>
      %shift_right_arithmetic3A_1087 = arith.constant 7 : i32
      %shift_right_arithmetic3A_1088 = arith.shrsi %squeeze3A_1084, %shift_right_arithmetic3A_1087 : i32
      %mul3A_1089 = arith.constant 128 : i32
      %mul3A_1090 = arith.muli %shift_right_arithmetic3A_1088, %mul3A_1089 : i32
      %multiple_of3A_1091 = tpu.assume_multiple %mul3A_1090, 128 : i32
      %shift_right_arithmetic3A_1092 = arith.constant 7 : i32
      %shift_right_arithmetic3A_1093 = arith.shrsi %squeeze3A_1086, %shift_right_arithmetic3A_1092 : i32
      %mul3A_1094 = arith.constant 128 : i32
      %mul3A_1095 = arith.muli %shift_right_arithmetic3A_1093, %mul3A_1094 : i32
      %multiple_of3A_1096 = tpu.assume_multiple %mul3A_1095, 128 : i32
      %dma_start3A_1097 = arith.constant 0 : i32
      %dma_start3A_1098 = arith.constant 256 : i32
      %dma_start3A_1099 = tpu.memref_slice %arg10[%dma_start3A_1097, %dma_start3A_1098] : memref<32x512xf32, #tpu.memory_space<vmem>> -> memref<8x128xf32, #tpu.memory_space<vmem>>
      %dma_start3A_1100 = arith.constant 0 : i32
      %dma_start3A_1101 = tpu.memref_slice %arg4[%dma_start3A_1100, %multiple_of3A_1091] : memref<32x1000000xf32, #tpu.memory_space<hbm>> -> memref<8x128xf32, #tpu.memory_space<hbm>>
      %dma_start3A_1102 = arith.constant 0 : i32
      %dma_start3A_1103 = arith.constant 256 : i32
      %dma_start3A_1104 = tpu.memref_slice %arg10[%dma_start3A_1102, %dma_start3A_1103] : memref<32x512xf32, #tpu.memory_space<vmem>> -> memref<8x128xf32, #tpu.memory_space<vmem>>
      %dma_start3A_1105 = arith.constant 0 : i32
      %dma_start3A_1106 = tpu.memref_slice %arg4[%dma_start3A_1105, %multiple_of3A_1091] : memref<32x1000000xf32, #tpu.memory_space<hbm>> -> memref<8x128xf32, #tpu.memory_space<hbm>>
      tpu.enqueue_dma source(%dma_start3A_1106 : memref<8x128xf32, #tpu.memory_space<hbm>>) target(%dma_start3A_1104 : memref<8x128xf32, #tpu.memory_space<vmem>>) target_semaphore(%arg16 : memref<!tpu.dma_semaphore, #tpu.memory_space<semaphore_mem>>)
      %dma_start3A_1107 = arith.constant 0 : i32
      %dma_start3A_1108 = arith.constant 256 : i32
      %dma_start3A_1109 = tpu.memref_slice %arg12[%dma_start3A_1107, %dma_start3A_1108] : memref<32x512xf32, #tpu.memory_space<vmem>> -> memref<8x128xf32, #tpu.memory_space<vmem>>
      %dma_start3A_1110 = arith.constant 0 : i32
      %dma_start3A_1111 = tpu.memref_slice %arg5[%dma_start3A_1110, %multiple_of3A_1096] : memref<32x1000000xf32, #tpu.memory_space<hbm>> -> memref<8x128xf32, #tpu.memory_space<hbm>>
      %dma_start3A_1112 = arith.constant 0 : i32
      %dma_start3A_1113 = arith.constant 256 : i32
      %dma_start3A_1114 = tpu.memref_slice %arg12[%dma_start3A_1112, %dma_start3A_1113] : memref<32x512xf32, #tpu.memory_space<vmem>> -> memref<8x128xf32, #tpu.memory_space<vmem>>
      %dma_start3A_1115 = arith.constant 0 : i32
      %dma_start3A_1116 = tpu.memref_slice %arg5[%dma_start3A_1115, %multiple_of3A_1096] : memref<32x1000000xf32, #tpu.memory_space<hbm>> -> memref<8x128xf32, #tpu.memory_space<hbm>>
      tpu.enqueue_dma source(%dma_start3A_1116 : memref<8x128xf32, #tpu.memory_space<hbm>>) target(%dma_start3A_1114 : memref<8x128xf32, #tpu.memory_space<vmem>>) target_semaphore(%arg16 : memref<!tpu.dma_semaphore, #tpu.memory_space<semaphore_mem>>)
      %dma_start3A_1117 = arith.constant 8 : i32
      %dma_start3A_1118 = arith.constant 256 : i32
      %dma_start3A_1119 = tpu.memref_slice %arg10[%dma_start3A_1117, %dma_start3A_1118] : memref<32x512xf32, #tpu.memory_space<vmem>> -> memref<8x128xf32, #tpu.memory_space<vmem>>
      %dma_start3A_1120 = arith.constant 8 : i32
      %dma_start3A_1121 = tpu.memref_slice %arg4[%dma_start3A_1120, %multiple_of3A_1091] : memref<32x1000000xf32, #tpu.memory_space<hbm>> -> memref<8x128xf32, #tpu.memory_space<hbm>>
      %dma_start3A_1122 = arith.constant 8 : i32
      %dma_start3A_1123 = arith.constant 256 : i32
      %dma_start3A_1124 = tpu.memref_slice %arg10[%dma_start3A_1122, %dma_start3A_1123] : memref<32x512xf32, #tpu.memory_space<vmem>> -> memref<8x128xf32, #tpu.memory_space<vmem>>
      %dma_start3A_1125 = arith.constant 8 : i32
      %dma_start3A_1126 = tpu.memref_slice %arg4[%dma_start3A_1125, %multiple_of3A_1091] : memref<32x1000000xf32, #tpu.memory_space<hbm>> -> memref<8x128xf32, #tpu.memory_space<hbm>>
      tpu.enqueue_dma source(%dma_start3A_1126 : memref<8x128xf32, #tpu.memory_space<hbm>>) target(%dma_start3A_1124 : memref<8x128xf32, #tpu.memory_space<vmem>>) target_semaphore(%arg16 : memref<!tpu.dma_semaphore, #tpu.memory_space<semaphore_mem>>)
      %dma_start3A_1127 = arith.constant 8 : i32
      %dma_start3A_1128 = arith.constant 256 : i32
      %dma_start3A_1129 = tpu.memref_slice %arg12[%dma_start3A_1127, %dma_start3A_1128] : memref<32x512xf32, #tpu.memory_space<vmem>> -> memref<8x128xf32, #tpu.memory_space<vmem>>
      %dma_start3A_1130 = arith.constant 8 : i32
      %dma_start3A_1131 = tpu.memref_slice %arg5[%dma_start3A_1130, %multiple_of3A_1096] : memref<32x1000000xf32, #tpu.memory_space<hbm>> -> memref<8x128xf32, #tpu.memory_space<hbm>>
      %dma_start3A_1132 = arith.constant 8 : i32
      %dma_start3A_1133 = arith.constant 256 : i32
      %dma_start3A_1134 = tpu.memref_slice %arg12[%dma_start3A_1132, %dma_start3A_1133] : memref<32x512xf32, #tpu.memory_space<vmem>> -> memref<8x128xf32, #tpu.memory_space<vmem>>
      %dma_start3A_1135 = arith.constant 8 : i32
      %dma_start3A_1136 = tpu.memref_slice %arg5[%dma_start3A_1135, %multiple_of3A_1096] : memref<32x1000000xf32, #tpu.memory_space<hbm>> -> memref<8x128xf32, #tpu.memory_space<hbm>>
      tpu.enqueue_dma source(%dma_start3A_1136 : memref<8x128xf32, #tpu.memory_space<hbm>>) target(%dma_start3A_1134 : memref<8x128xf32, #tpu.memory_space<vmem>>) target_semaphore(%arg16 : memref<!tpu.dma_semaphore, #tpu.memory_space<semaphore_mem>>)
      %dma_start3A_1137 = arith.constant 16 : i32
      %dma_start3A_1138 = arith.constant 256 : i32
      %dma_start3A_1139 = tpu.memref_slice %arg10[%dma_start3A_1137, %dma_start3A_1138] : memref<32x512xf32, #tpu.memory_space<vmem>> -> memref<8x128xf32, #tpu.memory_space<vmem>>
      %dma_start3A_1140 = arith.constant 16 : i32
      %dma_start3A_1141 = tpu.memref_slice %arg4[%dma_start3A_1140, %multiple_of3A_1091] : memref<32x1000000xf32, #tpu.memory_space<hbm>> -> memref<8x128xf32, #tpu.memory_space<hbm>>
      %dma_start3A_1142 = arith.constant 16 : i32
      %dma_start3A_1143 = arith.constant 256 : i32
      %dma_start3A_1144 = tpu.memref_slice %arg10[%dma_start3A_1142, %dma_start3A_1143] : memref<32x512xf32, #tpu.memory_space<vmem>> -> memref<8x128xf32, #tpu.memory_space<vmem>>
      %dma_start3A_1145 = arith.constant 16 : i32
      %dma_start3A_1146 = tpu.memref_slice %arg4[%dma_start3A_1145, %multiple_of3A_1091] : memref<32x1000000xf32, #tpu.memory_space<hbm>> -> memref<8x128xf32, #tpu.memory_space<hbm>>
      tpu.enqueue_dma source(%dma_start3A_1146 : memref<8x128xf32, #tpu.memory_space<hbm>>) target(%dma_start3A_1144 : memref<8x128xf32, #tpu.memory_space<vmem>>) target_semaphore(%arg16 : memref<!tpu.dma_semaphore, #tpu.memory_space<semaphore_mem>>)
      %dma_start3A_1147 = arith.constant 16 : i32
      %dma_start3A_1148 = arith.constant 256 : i32
      %dma_start3A_1149 = tpu.memref_slice %arg12[%dma_start3A_1147, %dma_start3A_1148] : memref<32x512xf32, #tpu.memory_space<vmem>> -> memref<8x128xf32, #tpu.memory_space<vmem>>
      %dma_start3A_1150 = arith.constant 16 : i32
      %dma_start3A_1151 = tpu.memref_slice %arg5[%dma_start3A_1150, %multiple_of3A_1096] : memref<32x1000000xf32, #tpu.memory_space<hbm>> -> memref<8x128xf32, #tpu.memory_space<hbm>>
      %dma_start3A_1152 = arith.constant 16 : i32
      %dma_start3A_1153 = arith.constant 256 : i32
      %dma_start3A_1154 = tpu.memref_slice %arg12[%dma_start3A_1152, %dma_start3A_1153] : memref<32x512xf32, #tpu.memory_space<vmem>> -> memref<8x128xf32, #tpu.memory_space<vmem>>
      %dma_start3A_1155 = arith.constant 16 : i32
      %dma_start3A_1156 = tpu.memref_slice %arg5[%dma_start3A_1155, %multiple_of3A_1096] : memref<32x1000000xf32, #tpu.memory_space<hbm>> -> memref<8x128xf32, #tpu.memory_space<hbm>>
      tpu.enqueue_dma source(%dma_start3A_1156 : memref<8x128xf32, #tpu.memory_space<hbm>>) target(%dma_start3A_1154 : memref<8x128xf32, #tpu.memory_space<vmem>>) target_semaphore(%arg16 : memref<!tpu.dma_semaphore, #tpu.memory_space<semaphore_mem>>)
      %dma_start3A_1157 = arith.constant 24 : i32
      %dma_start3A_1158 = arith.constant 256 : i32
      %dma_start3A_1159 = tpu.memref_slice %arg10[%dma_start3A_1157, %dma_start3A_1158] : memref<32x512xf32, #tpu.memory_space<vmem>> -> memref<8x128xf32, #tpu.memory_space<vmem>>
      %dma_start3A_1160 = arith.constant 24 : i32
      %dma_start3A_1161 = tpu.memref_slice %arg4[%dma_start3A_1160, %multiple_of3A_1091] : memref<32x1000000xf32, #tpu.memory_space<hbm>> -> memref<8x128xf32, #tpu.memory_space<hbm>>
      %dma_start3A_1162 = arith.constant 24 : i32
      %dma_start3A_1163 = arith.constant 256 : i32
      %dma_start3A_1164 = tpu.memref_slice %arg10[%dma_start3A_1162, %dma_start3A_1163] : memref<32x512xf32, #tpu.memory_space<vmem>> -> memref<8x128xf32, #tpu.memory_space<vmem>>
      %dma_start3A_1165 = arith.constant 24 : i32
      %dma_start3A_1166 = tpu.memref_slice %arg4[%dma_start3A_1165, %multiple_of3A_1091] : memref<32x1000000xf32, #tpu.memory_space<hbm>> -> memref<8x128xf32, #tpu.memory_space<hbm>>
      tpu.enqueue_dma source(%dma_start3A_1166 : memref<8x128xf32, #tpu.memory_space<hbm>>) target(%dma_start3A_1164 : memref<8x128xf32, #tpu.memory_space<vmem>>) target_semaphore(%arg16 : memref<!tpu.dma_semaphore, #tpu.memory_space<semaphore_mem>>)
      %dma_start3A_1167 = arith.constant 24 : i32
      %dma_start3A_1168 = arith.constant 256 : i32
      %dma_start3A_1169 = tpu.memref_slice %arg12[%dma_start3A_1167, %dma_start3A_1168] : memref<32x512xf32, #tpu.memory_space<vmem>> -> memref<8x128xf32, #tpu.memory_space<vmem>>
      %dma_start3A_1170 = arith.constant 24 : i32
      %dma_start3A_1171 = tpu.memref_slice %arg5[%dma_start3A_1170, %multiple_of3A_1096] : memref<32x1000000xf32, #tpu.memory_space<hbm>> -> memref<8x128xf32, #tpu.memory_space<hbm>>
      %dma_start3A_1172 = arith.constant 24 : i32
      %dma_start3A_1173 = arith.constant 256 : i32
      %dma_start3A_1174 = tpu.memref_slice %arg12[%dma_start3A_1172, %dma_start3A_1173] : memref<32x512xf32, #tpu.memory_space<vmem>> -> memref<8x128xf32, #tpu.memory_space<vmem>>
      %dma_start3A_1175 = arith.constant 24 : i32
      %dma_start3A_1176 = tpu.memref_slice %arg5[%dma_start3A_1175, %multiple_of3A_1096] : memref<32x1000000xf32, #tpu.memory_space<hbm>> -> memref<8x128xf32, #tpu.memory_space<hbm>>
      tpu.enqueue_dma source(%dma_start3A_1176 : memref<8x128xf32, #tpu.memory_space<hbm>>) target(%dma_start3A_1174 : memref<8x128xf32, #tpu.memory_space<vmem>>) target_semaphore(%arg16 : memref<!tpu.dma_semaphore, #tpu.memory_space<semaphore_mem>>)
      %slice3A_1177 = vector.extract_strided_slice %get3A_16 {offsets = [11], sizes = [1], strides = [1]} : vector<16xi32> to vector<1xi32>
      %squeeze3A_1178 = vector.extract %slice3A_1177[0] : i32 from vector<1xi32>
      %slice3A_1179 = vector.extract_strided_slice %get3A_20 {offsets = [11], sizes = [1], strides = [1]} : vector<16xi32> to vector<1xi32>
      %squeeze3A_1180 = vector.extract %slice3A_1179[0] : i32 from vector<1xi32>
      %shift_right_arithmetic3A_1181 = arith.constant 7 : i32
      %shift_right_arithmetic3A_1182 = arith.shrsi %squeeze3A_1178, %shift_right_arithmetic3A_1181 : i32
      %mul3A_1183 = arith.constant 128 : i32
      %mul3A_1184 = arith.muli %shift_right_arithmetic3A_1182, %mul3A_1183 : i32
      %multiple_of3A_1185 = tpu.assume_multiple %mul3A_1184, 128 : i32
      %shift_right_arithmetic3A_1186 = arith.constant 7 : i32
      %shift_right_arithmetic3A_1187 = arith.shrsi %squeeze3A_1180, %shift_right_arithmetic3A_1186 : i32
      %mul3A_1188 = arith.constant 128 : i32
      %mul3A_1189 = arith.muli %shift_right_arithmetic3A_1187, %mul3A_1188 : i32
      %multiple_of3A_1190 = tpu.assume_multiple %mul3A_1189, 128 : i32
      %dma_start3A_1191 = arith.constant 0 : i32
      %dma_start3A_1192 = arith.constant 384 : i32
      %dma_start3A_1193 = tpu.memref_slice %arg10[%dma_start3A_1191, %dma_start3A_1192] : memref<32x512xf32, #tpu.memory_space<vmem>> -> memref<8x128xf32, #tpu.memory_space<vmem>>
      %dma_start3A_1194 = arith.constant 0 : i32
      %dma_start3A_1195 = tpu.memref_slice %arg4[%dma_start3A_1194, %multiple_of3A_1185] : memref<32x1000000xf32, #tpu.memory_space<hbm>> -> memref<8x128xf32, #tpu.memory_space<hbm>>
      %dma_start3A_1196 = arith.constant 0 : i32
      %dma_start3A_1197 = arith.constant 384 : i32
      %dma_start3A_1198 = tpu.memref_slice %arg10[%dma_start3A_1196, %dma_start3A_1197] : memref<32x512xf32, #tpu.memory_space<vmem>> -> memref<8x128xf32, #tpu.memory_space<vmem>>
      %dma_start3A_1199 = arith.constant 0 : i32
      %dma_start3A_1200 = tpu.memref_slice %arg4[%dma_start3A_1199, %multiple_of3A_1185] : memref<32x1000000xf32, #tpu.memory_space<hbm>> -> memref<8x128xf32, #tpu.memory_space<hbm>>
      tpu.enqueue_dma source(%dma_start3A_1200 : memref<8x128xf32, #tpu.memory_space<hbm>>) target(%dma_start3A_1198 : memref<8x128xf32, #tpu.memory_space<vmem>>) target_semaphore(%arg16 : memref<!tpu.dma_semaphore, #tpu.memory_space<semaphore_mem>>)
      %dma_start3A_1201 = arith.constant 0 : i32
      %dma_start3A_1202 = arith.constant 384 : i32
      %dma_start3A_1203 = tpu.memref_slice %arg12[%dma_start3A_1201, %dma_start3A_1202] : memref<32x512xf32, #tpu.memory_space<vmem>> -> memref<8x128xf32, #tpu.memory_space<vmem>>
      %dma_start3A_1204 = arith.constant 0 : i32
      %dma_start3A_1205 = tpu.memref_slice %arg5[%dma_start3A_1204, %multiple_of3A_1190] : memref<32x1000000xf32, #tpu.memory_space<hbm>> -> memref<8x128xf32, #tpu.memory_space<hbm>>
      %dma_start3A_1206 = arith.constant 0 : i32
      %dma_start3A_1207 = arith.constant 384 : i32
      %dma_start3A_1208 = tpu.memref_slice %arg12[%dma_start3A_1206, %dma_start3A_1207] : memref<32x512xf32, #tpu.memory_space<vmem>> -> memref<8x128xf32, #tpu.memory_space<vmem>>
      %dma_start3A_1209 = arith.constant 0 : i32
      %dma_start3A_1210 = tpu.memref_slice %arg5[%dma_start3A_1209, %multiple_of3A_1190] : memref<32x1000000xf32, #tpu.memory_space<hbm>> -> memref<8x128xf32, #tpu.memory_space<hbm>>
      tpu.enqueue_dma source(%dma_start3A_1210 : memref<8x128xf32, #tpu.memory_space<hbm>>) target(%dma_start3A_1208 : memref<8x128xf32, #tpu.memory_space<vmem>>) target_semaphore(%arg16 : memref<!tpu.dma_semaphore, #tpu.memory_space<semaphore_mem>>)
      %dma_start3A_1211 = arith.constant 8 : i32
      %dma_start3A_1212 = arith.constant 384 : i32
      %dma_start3A_1213 = tpu.memref_slice %arg10[%dma_start3A_1211, %dma_start3A_1212] : memref<32x512xf32, #tpu.memory_space<vmem>> -> memref<8x128xf32, #tpu.memory_space<vmem>>
      %dma_start3A_1214 = arith.constant 8 : i32
      %dma_start3A_1215 = tpu.memref_slice %arg4[%dma_start3A_1214, %multiple_of3A_1185] : memref<32x1000000xf32, #tpu.memory_space<hbm>> -> memref<8x128xf32, #tpu.memory_space<hbm>>
      %dma_start3A_1216 = arith.constant 8 : i32
      %dma_start3A_1217 = arith.constant 384 : i32
      %dma_start3A_1218 = tpu.memref_slice %arg10[%dma_start3A_1216, %dma_start3A_1217] : memref<32x512xf32, #tpu.memory_space<vmem>> -> memref<8x128xf32, #tpu.memory_space<vmem>>
      %dma_start3A_1219 = arith.constant 8 : i32
      %dma_start3A_1220 = tpu.memref_slice %arg4[%dma_start3A_1219, %multiple_of3A_1185] : memref<32x1000000xf32, #tpu.memory_space<hbm>> -> memref<8x128xf32, #tpu.memory_space<hbm>>
      tpu.enqueue_dma source(%dma_start3A_1220 : memref<8x128xf32, #tpu.memory_space<hbm>>) target(%dma_start3A_1218 : memref<8x128xf32, #tpu.memory_space<vmem>>) target_semaphore(%arg16 : memref<!tpu.dma_semaphore, #tpu.memory_space<semaphore_mem>>)
      %dma_start3A_1221 = arith.constant 8 : i32
      %dma_start3A_1222 = arith.constant 384 : i32
      %dma_start3A_1223 = tpu.memref_slice %arg12[%dma_start3A_1221, %dma_start3A_1222] : memref<32x512xf32, #tpu.memory_space<vmem>> -> memref<8x128xf32, #tpu.memory_space<vmem>>
      %dma_start3A_1224 = arith.constant 8 : i32
      %dma_start3A_1225 = tpu.memref_slice %arg5[%dma_start3A_1224, %multiple_of3A_1190] : memref<32x1000000xf32, #tpu.memory_space<hbm>> -> memref<8x128xf32, #tpu.memory_space<hbm>>
      %dma_start3A_1226 = arith.constant 8 : i32
      %dma_start3A_1227 = arith.constant 384 : i32
      %dma_start3A_1228 = tpu.memref_slice %arg12[%dma_start3A_1226, %dma_start3A_1227] : memref<32x512xf32, #tpu.memory_space<vmem>> -> memref<8x128xf32, #tpu.memory_space<vmem>>
      %dma_start3A_1229 = arith.constant 8 : i32
      %dma_start3A_1230 = tpu.memref_slice %arg5[%dma_start3A_1229, %multiple_of3A_1190] : memref<32x1000000xf32, #tpu.memory_space<hbm>> -> memref<8x128xf32, #tpu.memory_space<hbm>>
      tpu.enqueue_dma source(%dma_start3A_1230 : memref<8x128xf32, #tpu.memory_space<hbm>>) target(%dma_start3A_1228 : memref<8x128xf32, #tpu.memory_space<vmem>>) target_semaphore(%arg16 : memref<!tpu.dma_semaphore, #tpu.memory_space<semaphore_mem>>)
      %dma_start3A_1231 = arith.constant 16 : i32
      %dma_start3A_1232 = arith.constant 384 : i32
      %dma_start3A_1233 = tpu.memref_slice %arg10[%dma_start3A_1231, %dma_start3A_1232] : memref<32x512xf32, #tpu.memory_space<vmem>> -> memref<8x128xf32, #tpu.memory_space<vmem>>
      %dma_start3A_1234 = arith.constant 16 : i32
      %dma_start3A_1235 = tpu.memref_slice %arg4[%dma_start3A_1234, %multiple_of3A_1185] : memref<32x1000000xf32, #tpu.memory_space<hbm>> -> memref<8x128xf32, #tpu.memory_space<hbm>>
      %dma_start3A_1236 = arith.constant 16 : i32
      %dma_start3A_1237 = arith.constant 384 : i32
      %dma_start3A_1238 = tpu.memref_slice %arg10[%dma_start3A_1236, %dma_start3A_1237] : memref<32x512xf32, #tpu.memory_space<vmem>> -> memref<8x128xf32, #tpu.memory_space<vmem>>
      %dma_start3A_1239 = arith.constant 16 : i32
      %dma_start3A_1240 = tpu.memref_slice %arg4[%dma_start3A_1239, %multiple_of3A_1185] : memref<32x1000000xf32, #tpu.memory_space<hbm>> -> memref<8x128xf32, #tpu.memory_space<hbm>>
      tpu.enqueue_dma source(%dma_start3A_1240 : memref<8x128xf32, #tpu.memory_space<hbm>>) target(%dma_start3A_1238 : memref<8x128xf32, #tpu.memory_space<vmem>>) target_semaphore(%arg16 : memref<!tpu.dma_semaphore, #tpu.memory_space<semaphore_mem>>)
      %dma_start3A_1241 = arith.constant 16 : i32
      %dma_start3A_1242 = arith.constant 384 : i32
      %dma_start3A_1243 = tpu.memref_slice %arg12[%dma_start3A_1241, %dma_start3A_1242] : memref<32x512xf32, #tpu.memory_space<vmem>> -> memref<8x128xf32, #tpu.memory_space<vmem>>
      %dma_start3A_1244 = arith.constant 16 : i32
      %dma_start3A_1245 = tpu.memref_slice %arg5[%dma_start3A_1244, %multiple_of3A_1190] : memref<32x1000000xf32, #tpu.memory_space<hbm>> -> memref<8x128xf32, #tpu.memory_space<hbm>>
      %dma_start3A_1246 = arith.constant 16 : i32
      %dma_start3A_1247 = arith.constant 384 : i32
      %dma_start3A_1248 = tpu.memref_slice %arg12[%dma_start3A_1246, %dma_start3A_1247] : memref<32x512xf32, #tpu.memory_space<vmem>> -> memref<8x128xf32, #tpu.memory_space<vmem>>
      %dma_start3A_1249 = arith.constant 16 : i32
      %dma_start3A_1250 = tpu.memref_slice %arg5[%dma_start3A_1249, %multiple_of3A_1190] : memref<32x1000000xf32, #tpu.memory_space<hbm>> -> memref<8x128xf32, #tpu.memory_space<hbm>>
      tpu.enqueue_dma source(%dma_start3A_1250 : memref<8x128xf32, #tpu.memory_space<hbm>>) target(%dma_start3A_1248 : memref<8x128xf32, #tpu.memory_space<vmem>>) target_semaphore(%arg16 : memref<!tpu.dma_semaphore, #tpu.memory_space<semaphore_mem>>)
      %dma_start3A_1251 = arith.constant 24 : i32
      %dma_start3A_1252 = arith.constant 384 : i32
      %dma_start3A_1253 = tpu.memref_slice %arg10[%dma_start3A_1251, %dma_start3A_1252] : memref<32x512xf32, #tpu.memory_space<vmem>> -> memref<8x128xf32, #tpu.memory_space<vmem>>
      %dma_start3A_1254 = arith.constant 24 : i32
      %dma_start3A_1255 = tpu.memref_slice %arg4[%dma_start3A_1254, %multiple_of3A_1185] : memref<32x1000000xf32, #tpu.memory_space<hbm>> -> memref<8x128xf32, #tpu.memory_space<hbm>>
      %dma_start3A_1256 = arith.constant 24 : i32
      %dma_start3A_1257 = arith.constant 384 : i32
      %dma_start3A_1258 = tpu.memref_slice %arg10[%dma_start3A_1256, %dma_start3A_1257] : memref<32x512xf32, #tpu.memory_space<vmem>> -> memref<8x128xf32, #tpu.memory_space<vmem>>
      %dma_start3A_1259 = arith.constant 24 : i32
      %dma_start3A_1260 = tpu.memref_slice %arg4[%dma_start3A_1259, %multiple_of3A_1185] : memref<32x1000000xf32, #tpu.memory_space<hbm>> -> memref<8x128xf32, #tpu.memory_space<hbm>>
      tpu.enqueue_dma source(%dma_start3A_1260 : memref<8x128xf32, #tpu.memory_space<hbm>>) target(%dma_start3A_1258 : memref<8x128xf32, #tpu.memory_space<vmem>>) target_semaphore(%arg16 : memref<!tpu.dma_semaphore, #tpu.memory_space<semaphore_mem>>)
      %dma_start3A_1261 = arith.constant 24 : i32
      %dma_start3A_1262 = arith.constant 384 : i32
      %dma_start3A_1263 = tpu.memref_slice %arg12[%dma_start3A_1261, %dma_start3A_1262] : memref<32x512xf32, #tpu.memory_space<vmem>> -> memref<8x128xf32, #tpu.memory_space<vmem>>
      %dma_start3A_1264 = arith.constant 24 : i32
      %dma_start3A_1265 = tpu.memref_slice %arg5[%dma_start3A_1264, %multiple_of3A_1190] : memref<32x1000000xf32, #tpu.memory_space<hbm>> -> memref<8x128xf32, #tpu.memory_space<hbm>>
      %dma_start3A_1266 = arith.constant 24 : i32
      %dma_start3A_1267 = arith.constant 384 : i32
      %dma_start3A_1268 = tpu.memref_slice %arg12[%dma_start3A_1266, %dma_start3A_1267] : memref<32x512xf32, #tpu.memory_space<vmem>> -> memref<8x128xf32, #tpu.memory_space<vmem>>
      %dma_start3A_1269 = arith.constant 24 : i32
      %dma_start3A_1270 = tpu.memref_slice %arg5[%dma_start3A_1269, %multiple_of3A_1190] : memref<32x1000000xf32, #tpu.memory_space<hbm>> -> memref<8x128xf32, #tpu.memory_space<hbm>>
      tpu.enqueue_dma source(%dma_start3A_1270 : memref<8x128xf32, #tpu.memory_space<hbm>>) target(%dma_start3A_1268 : memref<8x128xf32, #tpu.memory_space<vmem>>) target_semaphore(%arg16 : memref<!tpu.dma_semaphore, #tpu.memory_space<semaphore_mem>>)
      %dma_wait3A_1271 = arith.constant 0 : i32
      %dma_wait3A_1272 = arith.constant 0 : i32
      %dma_wait3A_1273 = tpu.memref_slice %arg4[%dma_wait3A_1271, %dma_wait3A_1272] : memref<32x1000000xf32, #tpu.memory_space<hbm>> -> memref<32x512xf32, #tpu.memory_space<hbm>>
      %dma_wait3A_1274 = arith.constant 0 : i32
      %dma_wait3A_1275 = arith.constant 0 : i32
      %dma_wait3A_1276 = tpu.memref_slice %arg4[%dma_wait3A_1274, %dma_wait3A_1275] : memref<32x1000000xf32, #tpu.memory_space<hbm>> -> memref<32x512xf32, #tpu.memory_space<hbm>>
      tpu.wait_dma2 semaphore(%arg17 : memref<!tpu.dma_semaphore, #tpu.memory_space<semaphore_mem>>) src(%dma_wait3A_1276 : memref<32x512xf32, #tpu.memory_space<hbm>>) dst(%arg11 : memref<32x512xf32, #tpu.memory_space<vmem>>)
      %dma_wait3A_1277 = arith.constant 0 : i32
      %dma_wait3A_1278 = arith.constant 0 : i32
      %dma_wait3A_1279 = tpu.memref_slice %arg5[%dma_wait3A_1277, %dma_wait3A_1278] : memref<32x1000000xf32, #tpu.memory_space<hbm>> -> memref<32x512xf32, #tpu.memory_space<hbm>>
      %dma_wait3A_1280 = arith.constant 0 : i32
      %dma_wait3A_1281 = arith.constant 0 : i32
      %dma_wait3A_1282 = tpu.memref_slice %arg5[%dma_wait3A_1280, %dma_wait3A_1281] : memref<32x1000000xf32, #tpu.memory_space<hbm>> -> memref<32x512xf32, #tpu.memory_space<hbm>>
      tpu.wait_dma2 semaphore(%arg17 : memref<!tpu.dma_semaphore, #tpu.memory_space<semaphore_mem>>) src(%dma_wait3A_1282 : memref<32x512xf32, #tpu.memory_space<hbm>>) dst(%arg13 : memref<32x512xf32, #tpu.memory_space<vmem>>)
      %slice3A_1283 = vector.extract_strided_slice %get3A_16 {offsets = [4], sizes = [1], strides = [1]} : vector<16xi32> to vector<1xi32>
      %squeeze3A_1284 = vector.extract %slice3A_1283[0] : i32 from vector<1xi32>
      %and3A_1285 = arith.constant 127 : i32
      %and3A_1286 = arith.andi %squeeze3A_1284, %and3A_1285 : i32
      %add3A_1287 = arith.constant 0 : i32
      %add3A_1288 = arith.addi %and3A_1286, %add3A_1287 : i32
      %slice3A_1289 = vector.extract_strided_slice %get3A_20 {offsets = [4], sizes = [1], strides = [1]} : vector<16xi32> to vector<1xi32>
      %squeeze3A_1290 = vector.extract %slice3A_1289[0] : i32 from vector<1xi32>
      %and3A_1291 = arith.constant 127 : i32
      %and3A_1292 = arith.andi %squeeze3A_1290, %and3A_1291 : i32
      %add3A_1293 = arith.constant 0 : i32
      %add3A_1294 = arith.addi %and3A_1292, %add3A_1293 : i32
      %broadcast_in_dim3A_1295 = vector.broadcast %add3A_1288 : i32 to vector<16xi32>
      %broadcast_in_dim3A_1296 = vector.broadcast %add3A_1294 : i32 to vector<16xi32>
      %gather3A_1297 = tpu.vector_load_idx %arg11[%iota3A, %broadcast_in_dim3A_1295] : memref<32x512xf32, #tpu.memory_space<vmem>>[vector<16xi32>, vector<16xi32>], vector<16xf32>,
      %gather3A_1298 = tpu.vector_load_idx %arg11[%add3A_5, %broadcast_in_dim3A_1295] : memref<32x512xf32, #tpu.memory_space<vmem>>[vector<16xi32>, vector<16xi32>], vector<16xf32>,
      %gather3A_1299 = tpu.vector_load_idx %arg13[%iota3A, %broadcast_in_dim3A_1296] : memref<32x512xf32, #tpu.memory_space<vmem>>[vector<16xi32>, vector<16xi32>], vector<16xf32>,
      %gather3A_1300 = tpu.vector_load_idx %arg13[%add3A_5, %broadcast_in_dim3A_1296] : memref<32x512xf32, #tpu.memory_space<vmem>>[vector<16xi32>, vector<16xi32>], vector<16xf32>,
      %mul3A_1301 = arith.mulf %gather3A_1297, %gather3A_1299 : vector<16xf32>
      %mul3A_1302 = arith.mulf %gather3A_1298, %gather3A_1300 : vector<16xf32>
      %add3A_1303 = arith.addf %mul3A_1301, %mul3A_1302 : vector<16xf32>
      %reduce_sum3A_1304 = arith.constant true
      %reduce_sum3A_1305 = vector.broadcast %reduce_sum3A_1304 : i1 to vector<16xi1>
      %reduce_sum3A_1306 = tpu.scan <sum>, %add3A_1303 masked %reduce_sum3A_1305 : vector<16xf32>, vector<16xi1> -> vector<16xf32>
      %reduce_sum3A_1307 = vector.extract %reduce_sum3A_1306[15] : f32 from vector<16xf32>
      %eq3A_1308 = arith.constant 4 : i32
      %eq3A_1309 = vector.broadcast %eq3A_1308 : i32 to vector<16xi32>
      %eq3A_1310 = arith.cmpi eq, %iota3A, %eq3A_1309 : vector<16xi32>
      %broadcast_in_dim3A_1311 = vector.broadcast %reduce_sum3A_1307 : f32 to vector<16xf32>
      %select_n3A_1312 = arith.select %eq3A_1310, %broadcast_in_dim3A_1311, %select_n3A_894 : vector<16xi1>, vector<16xf32>
      %slice3A_1313 = vector.extract_strided_slice %get3A_16 {offsets = [5], sizes = [1], strides = [1]} : vector<16xi32> to vector<1xi32>
      %squeeze3A_1314 = vector.extract %slice3A_1313[0] : i32 from vector<1xi32>
      %and3A_1315 = arith.constant 127 : i32
      %and3A_1316 = arith.andi %squeeze3A_1314, %and3A_1315 : i32
      %add3A_1317 = arith.constant 128 : i32
      %add3A_1318 = arith.addi %and3A_1316, %add3A_1317 : i32
      %slice3A_1319 = vector.extract_strided_slice %get3A_20 {offsets = [5], sizes = [1], strides = [1]} : vector<16xi32> to vector<1xi32>
      %squeeze3A_1320 = vector.extract %slice3A_1319[0] : i32 from vector<1xi32>
      %and3A_1321 = arith.constant 127 : i32
      %and3A_1322 = arith.andi %squeeze3A_1320, %and3A_1321 : i32
      %add3A_1323 = arith.constant 128 : i32
      %add3A_1324 = arith.addi %and3A_1322, %add3A_1323 : i32
      %broadcast_in_dim3A_1325 = vector.broadcast %add3A_1318 : i32 to vector<16xi32>
      %broadcast_in_dim3A_1326 = vector.broadcast %add3A_1324 : i32 to vector<16xi32>
      %gather3A_1327 = tpu.vector_load_idx %arg11[%iota3A, %broadcast_in_dim3A_1325] : memref<32x512xf32, #tpu.memory_space<vmem>>[vector<16xi32>, vector<16xi32>], vector<16xf32>,
      %gather3A_1328 = tpu.vector_load_idx %arg11[%add3A_5, %broadcast_in_dim3A_1325] : memref<32x512xf32, #tpu.memory_space<vmem>>[vector<16xi32>, vector<16xi32>], vector<16xf32>,
      %gather3A_1329 = tpu.vector_load_idx %arg13[%iota3A, %broadcast_in_dim3A_1326] : memref<32x512xf32, #tpu.memory_space<vmem>>[vector<16xi32>, vector<16xi32>], vector<16xf32>,
      %gather3A_1330 = tpu.vector_load_idx %arg13[%add3A_5, %broadcast_in_dim3A_1326] : memref<32x512xf32, #tpu.memory_space<vmem>>[vector<16xi32>, vector<16xi32>], vector<16xf32>,
      %mul3A_1331 = arith.mulf %gather3A_1327, %gather3A_1329 : vector<16xf32>
      %mul3A_1332 = arith.mulf %gather3A_1328, %gather3A_1330 : vector<16xf32>
      %add3A_1333 = arith.addf %mul3A_1331, %mul3A_1332 : vector<16xf32>
      %reduce_sum3A_1334 = arith.constant true
      %reduce_sum3A_1335 = vector.broadcast %reduce_sum3A_1334 : i1 to vector<16xi1>
      %reduce_sum3A_1336 = tpu.scan <sum>, %add3A_1333 masked %reduce_sum3A_1335 : vector<16xf32>, vector<16xi1> -> vector<16xf32>
      %reduce_sum3A_1337 = vector.extract %reduce_sum3A_1336[15] : f32 from vector<16xf32>
      %eq3A_1338 = arith.constant 5 : i32
      %eq3A_1339 = vector.broadcast %eq3A_1338 : i32 to vector<16xi32>
      %eq3A_1340 = arith.cmpi eq, %iota3A, %eq3A_1339 : vector<16xi32>
      %broadcast_in_dim3A_1341 = vector.broadcast %reduce_sum3A_1337 : f32 to vector<16xf32>
      %select_n3A_1342 = arith.select %eq3A_1340, %broadcast_in_dim3A_1341, %select_n3A_1312 : vector<16xi1>, vector<16xf32>
      %slice3A_1343 = vector.extract_strided_slice %get3A_16 {offsets = [6], sizes = [1], strides = [1]} : vector<16xi32> to vector<1xi32>
      %squeeze3A_1344 = vector.extract %slice3A_1343[0] : i32 from vector<1xi32>
      %and3A_1345 = arith.constant 127 : i32
      %and3A_1346 = arith.andi %squeeze3A_1344, %and3A_1345 : i32
      %add3A_1347 = arith.constant 256 : i32
      %add3A_1348 = arith.addi %and3A_1346, %add3A_1347 : i32
      %slice3A_1349 = vector.extract_strided_slice %get3A_20 {offsets = [6], sizes = [1], strides = [1]} : vector<16xi32> to vector<1xi32>
      %squeeze3A_1350 = vector.extract %slice3A_1349[0] : i32 from vector<1xi32>
      %and3A_1351 = arith.constant 127 : i32
      %and3A_1352 = arith.andi %squeeze3A_1350, %and3A_1351 : i32
      %add3A_1353 = arith.constant 256 : i32
      %add3A_1354 = arith.addi %and3A_1352, %add3A_1353 : i32
      %broadcast_in_dim3A_1355 = vector.broadcast %add3A_1348 : i32 to vector<16xi32>
      %broadcast_in_dim3A_1356 = vector.broadcast %add3A_1354 : i32 to vector<16xi32>
      %gather3A_1357 = tpu.vector_load_idx %arg11[%iota3A, %broadcast_in_dim3A_1355] : memref<32x512xf32, #tpu.memory_space<vmem>>[vector<16xi32>, vector<16xi32>], vector<16xf32>,
      %gather3A_1358 = tpu.vector_load_idx %arg11[%add3A_5, %broadcast_in_dim3A_1355] : memref<32x512xf32, #tpu.memory_space<vmem>>[vector<16xi32>, vector<16xi32>], vector<16xf32>,
      %gather3A_1359 = tpu.vector_load_idx %arg13[%iota3A, %broadcast_in_dim3A_1356] : memref<32x512xf32, #tpu.memory_space<vmem>>[vector<16xi32>, vector<16xi32>], vector<16xf32>,
      %gather3A_1360 = tpu.vector_load_idx %arg13[%add3A_5, %broadcast_in_dim3A_1356] : memref<32x512xf32, #tpu.memory_space<vmem>>[vector<16xi32>, vector<16xi32>], vector<16xf32>,
      %mul3A_1361 = arith.mulf %gather3A_1357, %gather3A_1359 : vector<16xf32>
      %mul3A_1362 = arith.mulf %gather3A_1358, %gather3A_1360 : vector<16xf32>
      %add3A_1363 = arith.addf %mul3A_1361, %mul3A_1362 : vector<16xf32>
      %reduce_sum3A_1364 = arith.constant true
      %reduce_sum3A_1365 = vector.broadcast %reduce_sum3A_1364 : i1 to vector<16xi1>
      %reduce_sum3A_1366 = tpu.scan <sum>, %add3A_1363 masked %reduce_sum3A_1365 : vector<16xf32>, vector<16xi1> -> vector<16xf32>
      %reduce_sum3A_1367 = vector.extract %reduce_sum3A_1366[15] : f32 from vector<16xf32>
      %eq3A_1368 = arith.constant 6 : i32
      %eq3A_1369 = vector.broadcast %eq3A_1368 : i32 to vector<16xi32>
      %eq3A_1370 = arith.cmpi eq, %iota3A, %eq3A_1369 : vector<16xi32>
      %broadcast_in_dim3A_1371 = vector.broadcast %reduce_sum3A_1367 : f32 to vector<16xf32>
      %select_n3A_1372 = arith.select %eq3A_1370, %broadcast_in_dim3A_1371, %select_n3A_1342 : vector<16xi1>, vector<16xf32>
      %slice3A_1373 = vector.extract_strided_slice %get3A_16 {offsets = [7], sizes = [1], strides = [1]} : vector<16xi32> to vector<1xi32>
      %squeeze3A_1374 = vector.extract %slice3A_1373[0] : i32 from vector<1xi32>
      %and3A_1375 = arith.constant 127 : i32
      %and3A_1376 = arith.andi %squeeze3A_1374, %and3A_1375 : i32
      %add3A_1377 = arith.constant 384 : i32
      %add3A_1378 = arith.addi %and3A_1376, %add3A_1377 : i32
      %slice3A_1379 = vector.extract_strided_slice %get3A_20 {offsets = [7], sizes = [1], strides = [1]} : vector<16xi32> to vector<1xi32>
      %squeeze3A_1380 = vector.extract %slice3A_1379[0] : i32 from vector<1xi32>
      %and3A_1381 = arith.constant 127 : i32
      %and3A_1382 = arith.andi %squeeze3A_1380, %and3A_1381 : i32
      %add3A_1383 = arith.constant 384 : i32
      %add3A_1384 = arith.addi %and3A_1382, %add3A_1383 : i32
      %broadcast_in_dim3A_1385 = vector.broadcast %add3A_1378 : i32 to vector<16xi32>
      %broadcast_in_dim3A_1386 = vector.broadcast %add3A_1384 : i32 to vector<16xi32>
      %gather3A_1387 = tpu.vector_load_idx %arg11[%iota3A, %broadcast_in_dim3A_1385] : memref<32x512xf32, #tpu.memory_space<vmem>>[vector<16xi32>, vector<16xi32>], vector<16xf32>,
      %gather3A_1388 = tpu.vector_load_idx %arg11[%add3A_5, %broadcast_in_dim3A_1385] : memref<32x512xf32, #tpu.memory_space<vmem>>[vector<16xi32>, vector<16xi32>], vector<16xf32>,
      %gather3A_1389 = tpu.vector_load_idx %arg13[%iota3A, %broadcast_in_dim3A_1386] : memref<32x512xf32, #tpu.memory_space<vmem>>[vector<16xi32>, vector<16xi32>], vector<16xf32>,
      %gather3A_1390 = tpu.vector_load_idx %arg13[%add3A_5, %broadcast_in_dim3A_1386] : memref<32x512xf32, #tpu.memory_space<vmem>>[vector<16xi32>, vector<16xi32>], vector<16xf32>,
      %mul3A_1391 = arith.mulf %gather3A_1387, %gather3A_1389 : vector<16xf32>
      %mul3A_1392 = arith.mulf %gather3A_1388, %gather3A_1390 : vector<16xf32>
      %add3A_1393 = arith.addf %mul3A_1391, %mul3A_1392 : vector<16xf32>
      %reduce_sum3A_1394 = arith.constant true
      %reduce_sum3A_1395 = vector.broadcast %reduce_sum3A_1394 : i1 to vector<16xi1>
      %reduce_sum3A_1396 = tpu.scan <sum>, %add3A_1393 masked %reduce_sum3A_1395 : vector<16xf32>, vector<16xi1> -> vector<16xf32>
      %reduce_sum3A_1397 = vector.extract %reduce_sum3A_1396[15] : f32 from vector<16xf32>
      %eq3A_1398 = arith.constant 7 : i32
      %eq3A_1399 = vector.broadcast %eq3A_1398 : i32 to vector<16xi32>
      %eq3A_1400 = arith.cmpi eq, %iota3A, %eq3A_1399 : vector<16xi32>
      %broadcast_in_dim3A_1401 = vector.broadcast %reduce_sum3A_1397 : f32 to vector<16xf32>
      %select_n3A_1402 = arith.select %eq3A_1400, %broadcast_in_dim3A_1401, %select_n3A_1372 : vector<16xi1>, vector<16xf32>
      %slice3A_1403 = vector.extract_strided_slice %get3A_16 {offsets = [12], sizes = [1], strides = [1]} : vector<16xi32> to vector<1xi32>
      %squeeze3A_1404 = vector.extract %slice3A_1403[0] : i32 from vector<1xi32>
      %slice3A_1405 = vector.extract_strided_slice %get3A_20 {offsets = [12], sizes = [1], strides = [1]} : vector<16xi32> to vector<1xi32>
      %squeeze3A_1406 = vector.extract %slice3A_1405[0] : i32 from vector<1xi32>
      %shift_right_arithmetic3A_1407 = arith.constant 7 : i32
      %shift_right_arithmetic3A_1408 = arith.shrsi %squeeze3A_1404, %shift_right_arithmetic3A_1407 : i32
      %mul3A_1409 = arith.constant 128 : i32
      %mul3A_1410 = arith.muli %shift_right_arithmetic3A_1408, %mul3A_1409 : i32
      %multiple_of3A_1411 = tpu.assume_multiple %mul3A_1410, 128 : i32
      %shift_right_arithmetic3A_1412 = arith.constant 7 : i32
      %shift_right_arithmetic3A_1413 = arith.shrsi %squeeze3A_1406, %shift_right_arithmetic3A_1412 : i32
      %mul3A_1414 = arith.constant 128 : i32
      %mul3A_1415 = arith.muli %shift_right_arithmetic3A_1413, %mul3A_1414 : i32
      %multiple_of3A_1416 = tpu.assume_multiple %mul3A_1415, 128 : i32
      %dma_start3A_1417 = arith.constant 0 : i32
      %dma_start3A_1418 = arith.constant 0 : i32
      %dma_start3A_1419 = tpu.memref_slice %arg11[%dma_start3A_1417, %dma_start3A_1418] : memref<32x512xf32, #tpu.memory_space<vmem>> -> memref<8x128xf32, #tpu.memory_space<vmem>>
      %dma_start3A_1420 = arith.constant 0 : i32
      %dma_start3A_1421 = tpu.memref_slice %arg4[%dma_start3A_1420, %multiple_of3A_1411] : memref<32x1000000xf32, #tpu.memory_space<hbm>> -> memref<8x128xf32, #tpu.memory_space<hbm>>
      %dma_start3A_1422 = arith.constant 0 : i32
      %dma_start3A_1423 = arith.constant 0 : i32
      %dma_start3A_1424 = tpu.memref_slice %arg11[%dma_start3A_1422, %dma_start3A_1423] : memref<32x512xf32, #tpu.memory_space<vmem>> -> memref<8x128xf32, #tpu.memory_space<vmem>>
      %dma_start3A_1425 = arith.constant 0 : i32
      %dma_start3A_1426 = tpu.memref_slice %arg4[%dma_start3A_1425, %multiple_of3A_1411] : memref<32x1000000xf32, #tpu.memory_space<hbm>> -> memref<8x128xf32, #tpu.memory_space<hbm>>
      tpu.enqueue_dma source(%dma_start3A_1426 : memref<8x128xf32, #tpu.memory_space<hbm>>) target(%dma_start3A_1424 : memref<8x128xf32, #tpu.memory_space<vmem>>) target_semaphore(%arg17 : memref<!tpu.dma_semaphore, #tpu.memory_space<semaphore_mem>>)
      %dma_start3A_1427 = arith.constant 0 : i32
      %dma_start3A_1428 = arith.constant 0 : i32
      %dma_start3A_1429 = tpu.memref_slice %arg13[%dma_start3A_1427, %dma_start3A_1428] : memref<32x512xf32, #tpu.memory_space<vmem>> -> memref<8x128xf32, #tpu.memory_space<vmem>>
      %dma_start3A_1430 = arith.constant 0 : i32
      %dma_start3A_1431 = tpu.memref_slice %arg5[%dma_start3A_1430, %multiple_of3A_1416] : memref<32x1000000xf32, #tpu.memory_space<hbm>> -> memref<8x128xf32, #tpu.memory_space<hbm>>
      %dma_start3A_1432 = arith.constant 0 : i32
      %dma_start3A_1433 = arith.constant 0 : i32
      %dma_start3A_1434 = tpu.memref_slice %arg13[%dma_start3A_1432, %dma_start3A_1433] : memref<32x512xf32, #tpu.memory_space<vmem>> -> memref<8x128xf32, #tpu.memory_space<vmem>>
      %dma_start3A_1435 = arith.constant 0 : i32
      %dma_start3A_1436 = tpu.memref_slice %arg5[%dma_start3A_1435, %multiple_of3A_1416] : memref<32x1000000xf32, #tpu.memory_space<hbm>> -> memref<8x128xf32, #tpu.memory_space<hbm>>
      tpu.enqueue_dma source(%dma_start3A_1436 : memref<8x128xf32, #tpu.memory_space<hbm>>) target(%dma_start3A_1434 : memref<8x128xf32, #tpu.memory_space<vmem>>) target_semaphore(%arg17 : memref<!tpu.dma_semaphore, #tpu.memory_space<semaphore_mem>>)
      %dma_start3A_1437 = arith.constant 8 : i32
      %dma_start3A_1438 = arith.constant 0 : i32
      %dma_start3A_1439 = tpu.memref_slice %arg11[%dma_start3A_1437, %dma_start3A_1438] : memref<32x512xf32, #tpu.memory_space<vmem>> -> memref<8x128xf32, #tpu.memory_space<vmem>>
      %dma_start3A_1440 = arith.constant 8 : i32
      %dma_start3A_1441 = tpu.memref_slice %arg4[%dma_start3A_1440, %multiple_of3A_1411] : memref<32x1000000xf32, #tpu.memory_space<hbm>> -> memref<8x128xf32, #tpu.memory_space<hbm>>
      %dma_start3A_1442 = arith.constant 8 : i32
      %dma_start3A_1443 = arith.constant 0 : i32
      %dma_start3A_1444 = tpu.memref_slice %arg11[%dma_start3A_1442, %dma_start3A_1443] : memref<32x512xf32, #tpu.memory_space<vmem>> -> memref<8x128xf32, #tpu.memory_space<vmem>>
      %dma_start3A_1445 = arith.constant 8 : i32
      %dma_start3A_1446 = tpu.memref_slice %arg4[%dma_start3A_1445, %multiple_of3A_1411] : memref<32x1000000xf32, #tpu.memory_space<hbm>> -> memref<8x128xf32, #tpu.memory_space<hbm>>
      tpu.enqueue_dma source(%dma_start3A_1446 : memref<8x128xf32, #tpu.memory_space<hbm>>) target(%dma_start3A_1444 : memref<8x128xf32, #tpu.memory_space<vmem>>) target_semaphore(%arg17 : memref<!tpu.dma_semaphore, #tpu.memory_space<semaphore_mem>>)
      %dma_start3A_1447 = arith.constant 8 : i32
      %dma_start3A_1448 = arith.constant 0 : i32
      %dma_start3A_1449 = tpu.memref_slice %arg13[%dma_start3A_1447, %dma_start3A_1448] : memref<32x512xf32, #tpu.memory_space<vmem>> -> memref<8x128xf32, #tpu.memory_space<vmem>>
      %dma_start3A_1450 = arith.constant 8 : i32
      %dma_start3A_1451 = tpu.memref_slice %arg5[%dma_start3A_1450, %multiple_of3A_1416] : memref<32x1000000xf32, #tpu.memory_space<hbm>> -> memref<8x128xf32, #tpu.memory_space<hbm>>
      %dma_start3A_1452 = arith.constant 8 : i32
      %dma_start3A_1453 = arith.constant 0 : i32
      %dma_start3A_1454 = tpu.memref_slice %arg13[%dma_start3A_1452, %dma_start3A_1453] : memref<32x512xf32, #tpu.memory_space<vmem>> -> memref<8x128xf32, #tpu.memory_space<vmem>>
      %dma_start3A_1455 = arith.constant 8 : i32
      %dma_start3A_1456 = tpu.memref_slice %arg5[%dma_start3A_1455, %multiple_of3A_1416] : memref<32x1000000xf32, #tpu.memory_space<hbm>> -> memref<8x128xf32, #tpu.memory_space<hbm>>
      tpu.enqueue_dma source(%dma_start3A_1456 : memref<8x128xf32, #tpu.memory_space<hbm>>) target(%dma_start3A_1454 : memref<8x128xf32, #tpu.memory_space<vmem>>) target_semaphore(%arg17 : memref<!tpu.dma_semaphore, #tpu.memory_space<semaphore_mem>>)
      %dma_start3A_1457 = arith.constant 16 : i32
      %dma_start3A_1458 = arith.constant 0 : i32
      %dma_start3A_1459 = tpu.memref_slice %arg11[%dma_start3A_1457, %dma_start3A_1458] : memref<32x512xf32, #tpu.memory_space<vmem>> -> memref<8x128xf32, #tpu.memory_space<vmem>>
      %dma_start3A_1460 = arith.constant 16 : i32
      %dma_start3A_1461 = tpu.memref_slice %arg4[%dma_start3A_1460, %multiple_of3A_1411] : memref<32x1000000xf32, #tpu.memory_space<hbm>> -> memref<8x128xf32, #tpu.memory_space<hbm>>
      %dma_start3A_1462 = arith.constant 16 : i32
      %dma_start3A_1463 = arith.constant 0 : i32
      %dma_start3A_1464 = tpu.memref_slice %arg11[%dma_start3A_1462, %dma_start3A_1463] : memref<32x512xf32, #tpu.memory_space<vmem>> -> memref<8x128xf32, #tpu.memory_space<vmem>>
      %dma_start3A_1465 = arith.constant 16 : i32
      %dma_start3A_1466 = tpu.memref_slice %arg4[%dma_start3A_1465, %multiple_of3A_1411] : memref<32x1000000xf32, #tpu.memory_space<hbm>> -> memref<8x128xf32, #tpu.memory_space<hbm>>
      tpu.enqueue_dma source(%dma_start3A_1466 : memref<8x128xf32, #tpu.memory_space<hbm>>) target(%dma_start3A_1464 : memref<8x128xf32, #tpu.memory_space<vmem>>) target_semaphore(%arg17 : memref<!tpu.dma_semaphore, #tpu.memory_space<semaphore_mem>>)
      %dma_start3A_1467 = arith.constant 16 : i32
      %dma_start3A_1468 = arith.constant 0 : i32
      %dma_start3A_1469 = tpu.memref_slice %arg13[%dma_start3A_1467, %dma_start3A_1468] : memref<32x512xf32, #tpu.memory_space<vmem>> -> memref<8x128xf32, #tpu.memory_space<vmem>>
      %dma_start3A_1470 = arith.constant 16 : i32
      %dma_start3A_1471 = tpu.memref_slice %arg5[%dma_start3A_1470, %multiple_of3A_1416] : memref<32x1000000xf32, #tpu.memory_space<hbm>> -> memref<8x128xf32, #tpu.memory_space<hbm>>
      %dma_start3A_1472 = arith.constant 16 : i32
      %dma_start3A_1473 = arith.constant 0 : i32
      %dma_start3A_1474 = tpu.memref_slice %arg13[%dma_start3A_1472, %dma_start3A_1473] : memref<32x512xf32, #tpu.memory_space<vmem>> -> memref<8x128xf32, #tpu.memory_space<vmem>>
      %dma_start3A_1475 = arith.constant 16 : i32
      %dma_start3A_1476 = tpu.memref_slice %arg5[%dma_start3A_1475, %multiple_of3A_1416] : memref<32x1000000xf32, #tpu.memory_space<hbm>> -> memref<8x128xf32, #tpu.memory_space<hbm>>
      tpu.enqueue_dma source(%dma_start3A_1476 : memref<8x128xf32, #tpu.memory_space<hbm>>) target(%dma_start3A_1474 : memref<8x128xf32, #tpu.memory_space<vmem>>) target_semaphore(%arg17 : memref<!tpu.dma_semaphore, #tpu.memory_space<semaphore_mem>>)
      %dma_start3A_1477 = arith.constant 24 : i32
      %dma_start3A_1478 = arith.constant 0 : i32
      %dma_start3A_1479 = tpu.memref_slice %arg11[%dma_start3A_1477, %dma_start3A_1478] : memref<32x512xf32, #tpu.memory_space<vmem>> -> memref<8x128xf32, #tpu.memory_space<vmem>>
      %dma_start3A_1480 = arith.constant 24 : i32
      %dma_start3A_1481 = tpu.memref_slice %arg4[%dma_start3A_1480, %multiple_of3A_1411] : memref<32x1000000xf32, #tpu.memory_space<hbm>> -> memref<8x128xf32, #tpu.memory_space<hbm>>
      %dma_start3A_1482 = arith.constant 24 : i32
      %dma_start3A_1483 = arith.constant 0 : i32
      %dma_start3A_1484 = tpu.memref_slice %arg11[%dma_start3A_1482, %dma_start3A_1483] : memref<32x512xf32, #tpu.memory_space<vmem>> -> memref<8x128xf32, #tpu.memory_space<vmem>>
      %dma_start3A_1485 = arith.constant 24 : i32
      %dma_start3A_1486 = tpu.memref_slice %arg4[%dma_start3A_1485, %multiple_of3A_1411] : memref<32x1000000xf32, #tpu.memory_space<hbm>> -> memref<8x128xf32, #tpu.memory_space<hbm>>
      tpu.enqueue_dma source(%dma_start3A_1486 : memref<8x128xf32, #tpu.memory_space<hbm>>) target(%dma_start3A_1484 : memref<8x128xf32, #tpu.memory_space<vmem>>) target_semaphore(%arg17 : memref<!tpu.dma_semaphore, #tpu.memory_space<semaphore_mem>>)
      %dma_start3A_1487 = arith.constant 24 : i32
      %dma_start3A_1488 = arith.constant 0 : i32
      %dma_start3A_1489 = tpu.memref_slice %arg13[%dma_start3A_1487, %dma_start3A_1488] : memref<32x512xf32, #tpu.memory_space<vmem>> -> memref<8x128xf32, #tpu.memory_space<vmem>>
      %dma_start3A_1490 = arith.constant 24 : i32
      %dma_start3A_1491 = tpu.memref_slice %arg5[%dma_start3A_1490, %multiple_of3A_1416] : memref<32x1000000xf32, #tpu.memory_space<hbm>> -> memref<8x128xf32, #tpu.memory_space<hbm>>
      %dma_start3A_1492 = arith.constant 24 : i32
      %dma_start3A_1493 = arith.constant 0 : i32
      %dma_start3A_1494 = tpu.memref_slice %arg13[%dma_start3A_1492, %dma_start3A_1493] : memref<32x512xf32, #tpu.memory_space<vmem>> -> memref<8x128xf32, #tpu.memory_space<vmem>>
      %dma_start3A_1495 = arith.constant 24 : i32
      %dma_start3A_1496 = tpu.memref_slice %arg5[%dma_start3A_1495, %multiple_of3A_1416] : memref<32x1000000xf32, #tpu.memory_space<hbm>> -> memref<8x128xf32, #tpu.memory_space<hbm>>
      tpu.enqueue_dma source(%dma_start3A_1496 : memref<8x128xf32, #tpu.memory_space<hbm>>) target(%dma_start3A_1494 : memref<8x128xf32, #tpu.memory_space<vmem>>) target_semaphore(%arg17 : memref<!tpu.dma_semaphore, #tpu.memory_space<semaphore_mem>>)
      %slice3A_1497 = vector.extract_strided_slice %get3A_16 {offsets = [13], sizes = [1], strides = [1]} : vector<16xi32> to vector<1xi32>
      %squeeze3A_1498 = vector.extract %slice3A_1497[0] : i32 from vector<1xi32>
      %slice3A_1499 = vector.extract_strided_slice %get3A_20 {offsets = [13], sizes = [1], strides = [1]} : vector<16xi32> to vector<1xi32>
      %squeeze3A_1500 = vector.extract %slice3A_1499[0] : i32 from vector<1xi32>
      %shift_right_arithmetic3A_1501 = arith.constant 7 : i32
      %shift_right_arithmetic3A_1502 = arith.shrsi %squeeze3A_1498, %shift_right_arithmetic3A_1501 : i32
      %mul3A_1503 = arith.constant 128 : i32
      %mul3A_1504 = arith.muli %shift_right_arithmetic3A_1502, %mul3A_1503 : i32
      %multiple_of3A_1505 = tpu.assume_multiple %mul3A_1504, 128 : i32
      %shift_right_arithmetic3A_1506 = arith.constant 7 : i32
      %shift_right_arithmetic3A_1507 = arith.shrsi %squeeze3A_1500, %shift_right_arithmetic3A_1506 : i32
      %mul3A_1508 = arith.constant 128 : i32
      %mul3A_1509 = arith.muli %shift_right_arithmetic3A_1507, %mul3A_1508 : i32
      %multiple_of3A_1510 = tpu.assume_multiple %mul3A_1509, 128 : i32
      %dma_start3A_1511 = arith.constant 0 : i32
      %dma_start3A_1512 = arith.constant 128 : i32
      %dma_start3A_1513 = tpu.memref_slice %arg11[%dma_start3A_1511, %dma_start3A_1512] : memref<32x512xf32, #tpu.memory_space<vmem>> -> memref<8x128xf32, #tpu.memory_space<vmem>>
      %dma_start3A_1514 = arith.constant 0 : i32
      %dma_start3A_1515 = tpu.memref_slice %arg4[%dma_start3A_1514, %multiple_of3A_1505] : memref<32x1000000xf32, #tpu.memory_space<hbm>> -> memref<8x128xf32, #tpu.memory_space<hbm>>
      %dma_start3A_1516 = arith.constant 0 : i32
      %dma_start3A_1517 = arith.constant 128 : i32
      %dma_start3A_1518 = tpu.memref_slice %arg11[%dma_start3A_1516, %dma_start3A_1517] : memref<32x512xf32, #tpu.memory_space<vmem>> -> memref<8x128xf32, #tpu.memory_space<vmem>>
      %dma_start3A_1519 = arith.constant 0 : i32
      %dma_start3A_1520 = tpu.memref_slice %arg4[%dma_start3A_1519, %multiple_of3A_1505] : memref<32x1000000xf32, #tpu.memory_space<hbm>> -> memref<8x128xf32, #tpu.memory_space<hbm>>
      tpu.enqueue_dma source(%dma_start3A_1520 : memref<8x128xf32, #tpu.memory_space<hbm>>) target(%dma_start3A_1518 : memref<8x128xf32, #tpu.memory_space<vmem>>) target_semaphore(%arg17 : memref<!tpu.dma_semaphore, #tpu.memory_space<semaphore_mem>>)
      %dma_start3A_1521 = arith.constant 0 : i32
      %dma_start3A_1522 = arith.constant 128 : i32
      %dma_start3A_1523 = tpu.memref_slice %arg13[%dma_start3A_1521, %dma_start3A_1522] : memref<32x512xf32, #tpu.memory_space<vmem>> -> memref<8x128xf32, #tpu.memory_space<vmem>>
      %dma_start3A_1524 = arith.constant 0 : i32
      %dma_start3A_1525 = tpu.memref_slice %arg5[%dma_start3A_1524, %multiple_of3A_1510] : memref<32x1000000xf32, #tpu.memory_space<hbm>> -> memref<8x128xf32, #tpu.memory_space<hbm>>
      %dma_start3A_1526 = arith.constant 0 : i32
      %dma_start3A_1527 = arith.constant 128 : i32
      %dma_start3A_1528 = tpu.memref_slice %arg13[%dma_start3A_1526, %dma_start3A_1527] : memref<32x512xf32, #tpu.memory_space<vmem>> -> memref<8x128xf32, #tpu.memory_space<vmem>>
      %dma_start3A_1529 = arith.constant 0 : i32
      %dma_start3A_1530 = tpu.memref_slice %arg5[%dma_start3A_1529, %multiple_of3A_1510] : memref<32x1000000xf32, #tpu.memory_space<hbm>> -> memref<8x128xf32, #tpu.memory_space<hbm>>
      tpu.enqueue_dma source(%dma_start3A_1530 : memref<8x128xf32, #tpu.memory_space<hbm>>) target(%dma_start3A_1528 : memref<8x128xf32, #tpu.memory_space<vmem>>) target_semaphore(%arg17 : memref<!tpu.dma_semaphore, #tpu.memory_space<semaphore_mem>>)
      %dma_start3A_1531 = arith.constant 8 : i32
      %dma_start3A_1532 = arith.constant 128 : i32
      %dma_start3A_1533 = tpu.memref_slice %arg11[%dma_start3A_1531, %dma_start3A_1532] : memref<32x512xf32, #tpu.memory_space<vmem>> -> memref<8x128xf32, #tpu.memory_space<vmem>>
      %dma_start3A_1534 = arith.constant 8 : i32
      %dma_start3A_1535 = tpu.memref_slice %arg4[%dma_start3A_1534, %multiple_of3A_1505] : memref<32x1000000xf32, #tpu.memory_space<hbm>> -> memref<8x128xf32, #tpu.memory_space<hbm>>
      %dma_start3A_1536 = arith.constant 8 : i32
      %dma_start3A_1537 = arith.constant 128 : i32
      %dma_start3A_1538 = tpu.memref_slice %arg11[%dma_start3A_1536, %dma_start3A_1537] : memref<32x512xf32, #tpu.memory_space<vmem>> -> memref<8x128xf32, #tpu.memory_space<vmem>>
      %dma_start3A_1539 = arith.constant 8 : i32
      %dma_start3A_1540 = tpu.memref_slice %arg4[%dma_start3A_1539, %multiple_of3A_1505] : memref<32x1000000xf32, #tpu.memory_space<hbm>> -> memref<8x128xf32, #tpu.memory_space<hbm>>
      tpu.enqueue_dma source(%dma_start3A_1540 : memref<8x128xf32, #tpu.memory_space<hbm>>) target(%dma_start3A_1538 : memref<8x128xf32, #tpu.memory_space<vmem>>) target_semaphore(%arg17 : memref<!tpu.dma_semaphore, #tpu.memory_space<semaphore_mem>>)
      %dma_start3A_1541 = arith.constant 8 : i32
      %dma_start3A_1542 = arith.constant 128 : i32
      %dma_start3A_1543 = tpu.memref_slice %arg13[%dma_start3A_1541, %dma_start3A_1542] : memref<32x512xf32, #tpu.memory_space<vmem>> -> memref<8x128xf32, #tpu.memory_space<vmem>>
      %dma_start3A_1544 = arith.constant 8 : i32
      %dma_start3A_1545 = tpu.memref_slice %arg5[%dma_start3A_1544, %multiple_of3A_1510] : memref<32x1000000xf32, #tpu.memory_space<hbm>> -> memref<8x128xf32, #tpu.memory_space<hbm>>
      %dma_start3A_1546 = arith.constant 8 : i32
      %dma_start3A_1547 = arith.constant 128 : i32
      %dma_start3A_1548 = tpu.memref_slice %arg13[%dma_start3A_1546, %dma_start3A_1547] : memref<32x512xf32, #tpu.memory_space<vmem>> -> memref<8x128xf32, #tpu.memory_space<vmem>>
      %dma_start3A_1549 = arith.constant 8 : i32
      %dma_start3A_1550 = tpu.memref_slice %arg5[%dma_start3A_1549, %multiple_of3A_1510] : memref<32x1000000xf32, #tpu.memory_space<hbm>> -> memref<8x128xf32, #tpu.memory_space<hbm>>
      tpu.enqueue_dma source(%dma_start3A_1550 : memref<8x128xf32, #tpu.memory_space<hbm>>) target(%dma_start3A_1548 : memref<8x128xf32, #tpu.memory_space<vmem>>) target_semaphore(%arg17 : memref<!tpu.dma_semaphore, #tpu.memory_space<semaphore_mem>>)
      %dma_start3A_1551 = arith.constant 16 : i32
      %dma_start3A_1552 = arith.constant 128 : i32
      %dma_start3A_1553 = tpu.memref_slice %arg11[%dma_start3A_1551, %dma_start3A_1552] : memref<32x512xf32, #tpu.memory_space<vmem>> -> memref<8x128xf32, #tpu.memory_space<vmem>>
      %dma_start3A_1554 = arith.constant 16 : i32
      %dma_start3A_1555 = tpu.memref_slice %arg4[%dma_start3A_1554, %multiple_of3A_1505] : memref<32x1000000xf32, #tpu.memory_space<hbm>> -> memref<8x128xf32, #tpu.memory_space<hbm>>
      %dma_start3A_1556 = arith.constant 16 : i32
      %dma_start3A_1557 = arith.constant 128 : i32
      %dma_start3A_1558 = tpu.memref_slice %arg11[%dma_start3A_1556, %dma_start3A_1557] : memref<32x512xf32, #tpu.memory_space<vmem>> -> memref<8x128xf32, #tpu.memory_space<vmem>>
      %dma_start3A_1559 = arith.constant 16 : i32
      %dma_start3A_1560 = tpu.memref_slice %arg4[%dma_start3A_1559, %multiple_of3A_1505] : memref<32x1000000xf32, #tpu.memory_space<hbm>> -> memref<8x128xf32, #tpu.memory_space<hbm>>
      tpu.enqueue_dma source(%dma_start3A_1560 : memref<8x128xf32, #tpu.memory_space<hbm>>) target(%dma_start3A_1558 : memref<8x128xf32, #tpu.memory_space<vmem>>) target_semaphore(%arg17 : memref<!tpu.dma_semaphore, #tpu.memory_space<semaphore_mem>>)
      %dma_start3A_1561 = arith.constant 16 : i32
      %dma_start3A_1562 = arith.constant 128 : i32
      %dma_start3A_1563 = tpu.memref_slice %arg13[%dma_start3A_1561, %dma_start3A_1562] : memref<32x512xf32, #tpu.memory_space<vmem>> -> memref<8x128xf32, #tpu.memory_space<vmem>>
      %dma_start3A_1564 = arith.constant 16 : i32
      %dma_start3A_1565 = tpu.memref_slice %arg5[%dma_start3A_1564, %multiple_of3A_1510] : memref<32x1000000xf32, #tpu.memory_space<hbm>> -> memref<8x128xf32, #tpu.memory_space<hbm>>
      %dma_start3A_1566 = arith.constant 16 : i32
      %dma_start3A_1567 = arith.constant 128 : i32
      %dma_start3A_1568 = tpu.memref_slice %arg13[%dma_start3A_1566, %dma_start3A_1567] : memref<32x512xf32, #tpu.memory_space<vmem>> -> memref<8x128xf32, #tpu.memory_space<vmem>>
      %dma_start3A_1569 = arith.constant 16 : i32
      %dma_start3A_1570 = tpu.memref_slice %arg5[%dma_start3A_1569, %multiple_of3A_1510] : memref<32x1000000xf32, #tpu.memory_space<hbm>> -> memref<8x128xf32, #tpu.memory_space<hbm>>
      tpu.enqueue_dma source(%dma_start3A_1570 : memref<8x128xf32, #tpu.memory_space<hbm>>) target(%dma_start3A_1568 : memref<8x128xf32, #tpu.memory_space<vmem>>) target_semaphore(%arg17 : memref<!tpu.dma_semaphore, #tpu.memory_space<semaphore_mem>>)
      %dma_start3A_1571 = arith.constant 24 : i32
      %dma_start3A_1572 = arith.constant 128 : i32
      %dma_start3A_1573 = tpu.memref_slice %arg11[%dma_start3A_1571, %dma_start3A_1572] : memref<32x512xf32, #tpu.memory_space<vmem>> -> memref<8x128xf32, #tpu.memory_space<vmem>>
      %dma_start3A_1574 = arith.constant 24 : i32
      %dma_start3A_1575 = tpu.memref_slice %arg4[%dma_start3A_1574, %multiple_of3A_1505] : memref<32x1000000xf32, #tpu.memory_space<hbm>> -> memref<8x128xf32, #tpu.memory_space<hbm>>
      %dma_start3A_1576 = arith.constant 24 : i32
      %dma_start3A_1577 = arith.constant 128 : i32
      %dma_start3A_1578 = tpu.memref_slice %arg11[%dma_start3A_1576, %dma_start3A_1577] : memref<32x512xf32, #tpu.memory_space<vmem>> -> memref<8x128xf32, #tpu.memory_space<vmem>>
      %dma_start3A_1579 = arith.constant 24 : i32
      %dma_start3A_1580 = tpu.memref_slice %arg4[%dma_start3A_1579, %multiple_of3A_1505] : memref<32x1000000xf32, #tpu.memory_space<hbm>> -> memref<8x128xf32, #tpu.memory_space<hbm>>
      tpu.enqueue_dma source(%dma_start3A_1580 : memref<8x128xf32, #tpu.memory_space<hbm>>) target(%dma_start3A_1578 : memref<8x128xf32, #tpu.memory_space<vmem>>) target_semaphore(%arg17 : memref<!tpu.dma_semaphore, #tpu.memory_space<semaphore_mem>>)
      %dma_start3A_1581 = arith.constant 24 : i32
      %dma_start3A_1582 = arith.constant 128 : i32
      %dma_start3A_1583 = tpu.memref_slice %arg13[%dma_start3A_1581, %dma_start3A_1582] : memref<32x512xf32, #tpu.memory_space<vmem>> -> memref<8x128xf32, #tpu.memory_space<vmem>>
      %dma_start3A_1584 = arith.constant 24 : i32
      %dma_start3A_1585 = tpu.memref_slice %arg5[%dma_start3A_1584, %multiple_of3A_1510] : memref<32x1000000xf32, #tpu.memory_space<hbm>> -> memref<8x128xf32, #tpu.memory_space<hbm>>
      %dma_start3A_1586 = arith.constant 24 : i32
      %dma_start3A_1587 = arith.constant 128 : i32
      %dma_start3A_1588 = tpu.memref_slice %arg13[%dma_start3A_1586, %dma_start3A_1587] : memref<32x512xf32, #tpu.memory_space<vmem>> -> memref<8x128xf32, #tpu.memory_space<vmem>>
      %dma_start3A_1589 = arith.constant 24 : i32
      %dma_start3A_1590 = tpu.memref_slice %arg5[%dma_start3A_1589, %multiple_of3A_1510] : memref<32x1000000xf32, #tpu.memory_space<hbm>> -> memref<8x128xf32, #tpu.memory_space<hbm>>
      tpu.enqueue_dma source(%dma_start3A_1590 : memref<8x128xf32, #tpu.memory_space<hbm>>) target(%dma_start3A_1588 : memref<8x128xf32, #tpu.memory_space<vmem>>) target_semaphore(%arg17 : memref<!tpu.dma_semaphore, #tpu.memory_space<semaphore_mem>>)
      %slice3A_1591 = vector.extract_strided_slice %get3A_16 {offsets = [14], sizes = [1], strides = [1]} : vector<16xi32> to vector<1xi32>
      %squeeze3A_1592 = vector.extract %slice3A_1591[0] : i32 from vector<1xi32>
      %slice3A_1593 = vector.extract_strided_slice %get3A_20 {offsets = [14], sizes = [1], strides = [1]} : vector<16xi32> to vector<1xi32>
      %squeeze3A_1594 = vector.extract %slice3A_1593[0] : i32 from vector<1xi32>
      %shift_right_arithmetic3A_1595 = arith.constant 7 : i32
      %shift_right_arithmetic3A_1596 = arith.shrsi %squeeze3A_1592, %shift_right_arithmetic3A_1595 : i32
      %mul3A_1597 = arith.constant 128 : i32
      %mul3A_1598 = arith.muli %shift_right_arithmetic3A_1596, %mul3A_1597 : i32
      %multiple_of3A_1599 = tpu.assume_multiple %mul3A_1598, 128 : i32
      %shift_right_arithmetic3A_1600 = arith.constant 7 : i32
      %shift_right_arithmetic3A_1601 = arith.shrsi %squeeze3A_1594, %shift_right_arithmetic3A_1600 : i32
      %mul3A_1602 = arith.constant 128 : i32
      %mul3A_1603 = arith.muli %shift_right_arithmetic3A_1601, %mul3A_1602 : i32
      %multiple_of3A_1604 = tpu.assume_multiple %mul3A_1603, 128 : i32
      %dma_start3A_1605 = arith.constant 0 : i32
      %dma_start3A_1606 = arith.constant 256 : i32
      %dma_start3A_1607 = tpu.memref_slice %arg11[%dma_start3A_1605, %dma_start3A_1606] : memref<32x512xf32, #tpu.memory_space<vmem>> -> memref<8x128xf32, #tpu.memory_space<vmem>>
      %dma_start3A_1608 = arith.constant 0 : i32
      %dma_start3A_1609 = tpu.memref_slice %arg4[%dma_start3A_1608, %multiple_of3A_1599] : memref<32x1000000xf32, #tpu.memory_space<hbm>> -> memref<8x128xf32, #tpu.memory_space<hbm>>
      %dma_start3A_1610 = arith.constant 0 : i32
      %dma_start3A_1611 = arith.constant 256 : i32
      %dma_start3A_1612 = tpu.memref_slice %arg11[%dma_start3A_1610, %dma_start3A_1611] : memref<32x512xf32, #tpu.memory_space<vmem>> -> memref<8x128xf32, #tpu.memory_space<vmem>>
      %dma_start3A_1613 = arith.constant 0 : i32
      %dma_start3A_1614 = tpu.memref_slice %arg4[%dma_start3A_1613, %multiple_of3A_1599] : memref<32x1000000xf32, #tpu.memory_space<hbm>> -> memref<8x128xf32, #tpu.memory_space<hbm>>
      tpu.enqueue_dma source(%dma_start3A_1614 : memref<8x128xf32, #tpu.memory_space<hbm>>) target(%dma_start3A_1612 : memref<8x128xf32, #tpu.memory_space<vmem>>) target_semaphore(%arg17 : memref<!tpu.dma_semaphore, #tpu.memory_space<semaphore_mem>>)
      %dma_start3A_1615 = arith.constant 0 : i32
      %dma_start3A_1616 = arith.constant 256 : i32
      %dma_start3A_1617 = tpu.memref_slice %arg13[%dma_start3A_1615, %dma_start3A_1616] : memref<32x512xf32, #tpu.memory_space<vmem>> -> memref<8x128xf32, #tpu.memory_space<vmem>>
      %dma_start3A_1618 = arith.constant 0 : i32
      %dma_start3A_1619 = tpu.memref_slice %arg5[%dma_start3A_1618, %multiple_of3A_1604] : memref<32x1000000xf32, #tpu.memory_space<hbm>> -> memref<8x128xf32, #tpu.memory_space<hbm>>
      %dma_start3A_1620 = arith.constant 0 : i32
      %dma_start3A_1621 = arith.constant 256 : i32
      %dma_start3A_1622 = tpu.memref_slice %arg13[%dma_start3A_1620, %dma_start3A_1621] : memref<32x512xf32, #tpu.memory_space<vmem>> -> memref<8x128xf32, #tpu.memory_space<vmem>>
      %dma_start3A_1623 = arith.constant 0 : i32
      %dma_start3A_1624 = tpu.memref_slice %arg5[%dma_start3A_1623, %multiple_of3A_1604] : memref<32x1000000xf32, #tpu.memory_space<hbm>> -> memref<8x128xf32, #tpu.memory_space<hbm>>
      tpu.enqueue_dma source(%dma_start3A_1624 : memref<8x128xf32, #tpu.memory_space<hbm>>) target(%dma_start3A_1622 : memref<8x128xf32, #tpu.memory_space<vmem>>) target_semaphore(%arg17 : memref<!tpu.dma_semaphore, #tpu.memory_space<semaphore_mem>>)
      %dma_start3A_1625 = arith.constant 8 : i32
      %dma_start3A_1626 = arith.constant 256 : i32
      %dma_start3A_1627 = tpu.memref_slice %arg11[%dma_start3A_1625, %dma_start3A_1626] : memref<32x512xf32, #tpu.memory_space<vmem>> -> memref<8x128xf32, #tpu.memory_space<vmem>>
      %dma_start3A_1628 = arith.constant 8 : i32
      %dma_start3A_1629 = tpu.memref_slice %arg4[%dma_start3A_1628, %multiple_of3A_1599] : memref<32x1000000xf32, #tpu.memory_space<hbm>> -> memref<8x128xf32, #tpu.memory_space<hbm>>
      %dma_start3A_1630 = arith.constant 8 : i32
      %dma_start3A_1631 = arith.constant 256 : i32
      %dma_start3A_1632 = tpu.memref_slice %arg11[%dma_start3A_1630, %dma_start3A_1631] : memref<32x512xf32, #tpu.memory_space<vmem>> -> memref<8x128xf32, #tpu.memory_space<vmem>>
      %dma_start3A_1633 = arith.constant 8 : i32
      %dma_start3A_1634 = tpu.memref_slice %arg4[%dma_start3A_1633, %multiple_of3A_1599] : memref<32x1000000xf32, #tpu.memory_space<hbm>> -> memref<8x128xf32, #tpu.memory_space<hbm>>
      tpu.enqueue_dma source(%dma_start3A_1634 : memref<8x128xf32, #tpu.memory_space<hbm>>) target(%dma_start3A_1632 : memref<8x128xf32, #tpu.memory_space<vmem>>) target_semaphore(%arg17 : memref<!tpu.dma_semaphore, #tpu.memory_space<semaphore_mem>>)
      %dma_start3A_1635 = arith.constant 8 : i32
      %dma_start3A_1636 = arith.constant 256 : i32
      %dma_start3A_1637 = tpu.memref_slice %arg13[%dma_start3A_1635, %dma_start3A_1636] : memref<32x512xf32, #tpu.memory_space<vmem>> -> memref<8x128xf32, #tpu.memory_space<vmem>>
      %dma_start3A_1638 = arith.constant 8 : i32
      %dma_start3A_1639 = tpu.memref_slice %arg5[%dma_start3A_1638, %multiple_of3A_1604] : memref<32x1000000xf32, #tpu.memory_space<hbm>> -> memref<8x128xf32, #tpu.memory_space<hbm>>
      %dma_start3A_1640 = arith.constant 8 : i32
      %dma_start3A_1641 = arith.constant 256 : i32
      %dma_start3A_1642 = tpu.memref_slice %arg13[%dma_start3A_1640, %dma_start3A_1641] : memref<32x512xf32, #tpu.memory_space<vmem>> -> memref<8x128xf32, #tpu.memory_space<vmem>>
      %dma_start3A_1643 = arith.constant 8 : i32
      %dma_start3A_1644 = tpu.memref_slice %arg5[%dma_start3A_1643, %multiple_of3A_1604] : memref<32x1000000xf32, #tpu.memory_space<hbm>> -> memref<8x128xf32, #tpu.memory_space<hbm>>
      tpu.enqueue_dma source(%dma_start3A_1644 : memref<8x128xf32, #tpu.memory_space<hbm>>) target(%dma_start3A_1642 : memref<8x128xf32, #tpu.memory_space<vmem>>) target_semaphore(%arg17 : memref<!tpu.dma_semaphore, #tpu.memory_space<semaphore_mem>>)
      %dma_start3A_1645 = arith.constant 16 : i32
      %dma_start3A_1646 = arith.constant 256 : i32
      %dma_start3A_1647 = tpu.memref_slice %arg11[%dma_start3A_1645, %dma_start3A_1646] : memref<32x512xf32, #tpu.memory_space<vmem>> -> memref<8x128xf32, #tpu.memory_space<vmem>>
      %dma_start3A_1648 = arith.constant 16 : i32
      %dma_start3A_1649 = tpu.memref_slice %arg4[%dma_start3A_1648, %multiple_of3A_1599] : memref<32x1000000xf32, #tpu.memory_space<hbm>> -> memref<8x128xf32, #tpu.memory_space<hbm>>
      %dma_start3A_1650 = arith.constant 16 : i32
      %dma_start3A_1651 = arith.constant 256 : i32
      %dma_start3A_1652 = tpu.memref_slice %arg11[%dma_start3A_1650, %dma_start3A_1651] : memref<32x512xf32, #tpu.memory_space<vmem>> -> memref<8x128xf32, #tpu.memory_space<vmem>>
      %dma_start3A_1653 = arith.constant 16 : i32
      %dma_start3A_1654 = tpu.memref_slice %arg4[%dma_start3A_1653, %multiple_of3A_1599] : memref<32x1000000xf32, #tpu.memory_space<hbm>> -> memref<8x128xf32, #tpu.memory_space<hbm>>
      tpu.enqueue_dma source(%dma_start3A_1654 : memref<8x128xf32, #tpu.memory_space<hbm>>) target(%dma_start3A_1652 : memref<8x128xf32, #tpu.memory_space<vmem>>) target_semaphore(%arg17 : memref<!tpu.dma_semaphore, #tpu.memory_space<semaphore_mem>>)
      %dma_start3A_1655 = arith.constant 16 : i32
      %dma_start3A_1656 = arith.constant 256 : i32
      %dma_start3A_1657 = tpu.memref_slice %arg13[%dma_start3A_1655, %dma_start3A_1656] : memref<32x512xf32, #tpu.memory_space<vmem>> -> memref<8x128xf32, #tpu.memory_space<vmem>>
      %dma_start3A_1658 = arith.constant 16 : i32
      %dma_start3A_1659 = tpu.memref_slice %arg5[%dma_start3A_1658, %multiple_of3A_1604] : memref<32x1000000xf32, #tpu.memory_space<hbm>> -> memref<8x128xf32, #tpu.memory_space<hbm>>
      %dma_start3A_1660 = arith.constant 16 : i32
      %dma_start3A_1661 = arith.constant 256 : i32
      %dma_start3A_1662 = tpu.memref_slice %arg13[%dma_start3A_1660, %dma_start3A_1661] : memref<32x512xf32, #tpu.memory_space<vmem>> -> memref<8x128xf32, #tpu.memory_space<vmem>>
      %dma_start3A_1663 = arith.constant 16 : i32
      %dma_start3A_1664 = tpu.memref_slice %arg5[%dma_start3A_1663, %multiple_of3A_1604] : memref<32x1000000xf32, #tpu.memory_space<hbm>> -> memref<8x128xf32, #tpu.memory_space<hbm>>
      tpu.enqueue_dma source(%dma_start3A_1664 : memref<8x128xf32, #tpu.memory_space<hbm>>) target(%dma_start3A_1662 : memref<8x128xf32, #tpu.memory_space<vmem>>) target_semaphore(%arg17 : memref<!tpu.dma_semaphore, #tpu.memory_space<semaphore_mem>>)
      %dma_start3A_1665 = arith.constant 24 : i32
      %dma_start3A_1666 = arith.constant 256 : i32
      %dma_start3A_1667 = tpu.memref_slice %arg11[%dma_start3A_1665, %dma_start3A_1666] : memref<32x512xf32, #tpu.memory_space<vmem>> -> memref<8x128xf32, #tpu.memory_space<vmem>>
      %dma_start3A_1668 = arith.constant 24 : i32
      %dma_start3A_1669 = tpu.memref_slice %arg4[%dma_start3A_1668, %multiple_of3A_1599] : memref<32x1000000xf32, #tpu.memory_space<hbm>> -> memref<8x128xf32, #tpu.memory_space<hbm>>
      %dma_start3A_1670 = arith.constant 24 : i32
      %dma_start3A_1671 = arith.constant 256 : i32
      %dma_start3A_1672 = tpu.memref_slice %arg11[%dma_start3A_1670, %dma_start3A_1671] : memref<32x512xf32, #tpu.memory_space<vmem>> -> memref<8x128xf32, #tpu.memory_space<vmem>>
      %dma_start3A_1673 = arith.constant 24 : i32
      %dma_start3A_1674 = tpu.memref_slice %arg4[%dma_start3A_1673, %multiple_of3A_1599] : memref<32x1000000xf32, #tpu.memory_space<hbm>> -> memref<8x128xf32, #tpu.memory_space<hbm>>
      tpu.enqueue_dma source(%dma_start3A_1674 : memref<8x128xf32, #tpu.memory_space<hbm>>) target(%dma_start3A_1672 : memref<8x128xf32, #tpu.memory_space<vmem>>) target_semaphore(%arg17 : memref<!tpu.dma_semaphore, #tpu.memory_space<semaphore_mem>>)
      %dma_start3A_1675 = arith.constant 24 : i32
      %dma_start3A_1676 = arith.constant 256 : i32
      %dma_start3A_1677 = tpu.memref_slice %arg13[%dma_start3A_1675, %dma_start3A_1676] : memref<32x512xf32, #tpu.memory_space<vmem>> -> memref<8x128xf32, #tpu.memory_space<vmem>>
      %dma_start3A_1678 = arith.constant 24 : i32
      %dma_start3A_1679 = tpu.memref_slice %arg5[%dma_start3A_1678, %multiple_of3A_1604] : memref<32x1000000xf32, #tpu.memory_space<hbm>> -> memref<8x128xf32, #tpu.memory_space<hbm>>
      %dma_start3A_1680 = arith.constant 24 : i32
      %dma_start3A_1681 = arith.constant 256 : i32
      %dma_start3A_1682 = tpu.memref_slice %arg13[%dma_start3A_1680, %dma_start3A_1681] : memref<32x512xf32, #tpu.memory_space<vmem>> -> memref<8x128xf32, #tpu.memory_space<vmem>>
      %dma_start3A_1683 = arith.constant 24 : i32
      %dma_start3A_1684 = tpu.memref_slice %arg5[%dma_start3A_1683, %multiple_of3A_1604] : memref<32x1000000xf32, #tpu.memory_space<hbm>> -> memref<8x128xf32, #tpu.memory_space<hbm>>
      tpu.enqueue_dma source(%dma_start3A_1684 : memref<8x128xf32, #tpu.memory_space<hbm>>) target(%dma_start3A_1682 : memref<8x128xf32, #tpu.memory_space<vmem>>) target_semaphore(%arg17 : memref<!tpu.dma_semaphore, #tpu.memory_space<semaphore_mem>>)
      %slice3A_1685 = vector.extract_strided_slice %get3A_16 {offsets = [15], sizes = [1], strides = [1]} : vector<16xi32> to vector<1xi32>
      %squeeze3A_1686 = vector.extract %slice3A_1685[0] : i32 from vector<1xi32>
      %slice3A_1687 = vector.extract_strided_slice %get3A_20 {offsets = [15], sizes = [1], strides = [1]} : vector<16xi32> to vector<1xi32>
      %squeeze3A_1688 = vector.extract %slice3A_1687[0] : i32 from vector<1xi32>
      %shift_right_arithmetic3A_1689 = arith.constant 7 : i32
      %shift_right_arithmetic3A_1690 = arith.shrsi %squeeze3A_1686, %shift_right_arithmetic3A_1689 : i32
      %mul3A_1691 = arith.constant 128 : i32
      %mul3A_1692 = arith.muli %shift_right_arithmetic3A_1690, %mul3A_1691 : i32
      %multiple_of3A_1693 = tpu.assume_multiple %mul3A_1692, 128 : i32
      %shift_right_arithmetic3A_1694 = arith.constant 7 : i32
      %shift_right_arithmetic3A_1695 = arith.shrsi %squeeze3A_1688, %shift_right_arithmetic3A_1694 : i32
      %mul3A_1696 = arith.constant 128 : i32
      %mul3A_1697 = arith.muli %shift_right_arithmetic3A_1695, %mul3A_1696 : i32
      %multiple_of3A_1698 = tpu.assume_multiple %mul3A_1697, 128 : i32
      %dma_start3A_1699 = arith.constant 0 : i32
      %dma_start3A_1700 = arith.constant 384 : i32
      %dma_start3A_1701 = tpu.memref_slice %arg11[%dma_start3A_1699, %dma_start3A_1700] : memref<32x512xf32, #tpu.memory_space<vmem>> -> memref<8x128xf32, #tpu.memory_space<vmem>>
      %dma_start3A_1702 = arith.constant 0 : i32
      %dma_start3A_1703 = tpu.memref_slice %arg4[%dma_start3A_1702, %multiple_of3A_1693] : memref<32x1000000xf32, #tpu.memory_space<hbm>> -> memref<8x128xf32, #tpu.memory_space<hbm>>
      %dma_start3A_1704 = arith.constant 0 : i32
      %dma_start3A_1705 = arith.constant 384 : i32
      %dma_start3A_1706 = tpu.memref_slice %arg11[%dma_start3A_1704, %dma_start3A_1705] : memref<32x512xf32, #tpu.memory_space<vmem>> -> memref<8x128xf32, #tpu.memory_space<vmem>>
      %dma_start3A_1707 = arith.constant 0 : i32
      %dma_start3A_1708 = tpu.memref_slice %arg4[%dma_start3A_1707, %multiple_of3A_1693] : memref<32x1000000xf32, #tpu.memory_space<hbm>> -> memref<8x128xf32, #tpu.memory_space<hbm>>
      tpu.enqueue_dma source(%dma_start3A_1708 : memref<8x128xf32, #tpu.memory_space<hbm>>) target(%dma_start3A_1706 : memref<8x128xf32, #tpu.memory_space<vmem>>) target_semaphore(%arg17 : memref<!tpu.dma_semaphore, #tpu.memory_space<semaphore_mem>>)
      %dma_start3A_1709 = arith.constant 0 : i32
      %dma_start3A_1710 = arith.constant 384 : i32
      %dma_start3A_1711 = tpu.memref_slice %arg13[%dma_start3A_1709, %dma_start3A_1710] : memref<32x512xf32, #tpu.memory_space<vmem>> -> memref<8x128xf32, #tpu.memory_space<vmem>>
      %dma_start3A_1712 = arith.constant 0 : i32
      %dma_start3A_1713 = tpu.memref_slice %arg5[%dma_start3A_1712, %multiple_of3A_1698] : memref<32x1000000xf32, #tpu.memory_space<hbm>> -> memref<8x128xf32, #tpu.memory_space<hbm>>
      %dma_start3A_1714 = arith.constant 0 : i32
      %dma_start3A_1715 = arith.constant 384 : i32
      %dma_start3A_1716 = tpu.memref_slice %arg13[%dma_start3A_1714, %dma_start3A_1715] : memref<32x512xf32, #tpu.memory_space<vmem>> -> memref<8x128xf32, #tpu.memory_space<vmem>>
      %dma_start3A_1717 = arith.constant 0 : i32
      %dma_start3A_1718 = tpu.memref_slice %arg5[%dma_start3A_1717, %multiple_of3A_1698] : memref<32x1000000xf32, #tpu.memory_space<hbm>> -> memref<8x128xf32, #tpu.memory_space<hbm>>
      tpu.enqueue_dma source(%dma_start3A_1718 : memref<8x128xf32, #tpu.memory_space<hbm>>) target(%dma_start3A_1716 : memref<8x128xf32, #tpu.memory_space<vmem>>) target_semaphore(%arg17 : memref<!tpu.dma_semaphore, #tpu.memory_space<semaphore_mem>>)
      %dma_start3A_1719 = arith.constant 8 : i32
      %dma_start3A_1720 = arith.constant 384 : i32
      %dma_start3A_1721 = tpu.memref_slice %arg11[%dma_start3A_1719, %dma_start3A_1720] : memref<32x512xf32, #tpu.memory_space<vmem>> -> memref<8x128xf32, #tpu.memory_space<vmem>>
      %dma_start3A_1722 = arith.constant 8 : i32
      %dma_start3A_1723 = tpu.memref_slice %arg4[%dma_start3A_1722, %multiple_of3A_1693] : memref<32x1000000xf32, #tpu.memory_space<hbm>> -> memref<8x128xf32, #tpu.memory_space<hbm>>
      %dma_start3A_1724 = arith.constant 8 : i32
      %dma_start3A_1725 = arith.constant 384 : i32
      %dma_start3A_1726 = tpu.memref_slice %arg11[%dma_start3A_1724, %dma_start3A_1725] : memref<32x512xf32, #tpu.memory_space<vmem>> -> memref<8x128xf32, #tpu.memory_space<vmem>>
      %dma_start3A_1727 = arith.constant 8 : i32
      %dma_start3A_1728 = tpu.memref_slice %arg4[%dma_start3A_1727, %multiple_of3A_1693] : memref<32x1000000xf32, #tpu.memory_space<hbm>> -> memref<8x128xf32, #tpu.memory_space<hbm>>
      tpu.enqueue_dma source(%dma_start3A_1728 : memref<8x128xf32, #tpu.memory_space<hbm>>) target(%dma_start3A_1726 : memref<8x128xf32, #tpu.memory_space<vmem>>) target_semaphore(%arg17 : memref<!tpu.dma_semaphore, #tpu.memory_space<semaphore_mem>>)
      %dma_start3A_1729 = arith.constant 8 : i32
      %dma_start3A_1730 = arith.constant 384 : i32
      %dma_start3A_1731 = tpu.memref_slice %arg13[%dma_start3A_1729, %dma_start3A_1730] : memref<32x512xf32, #tpu.memory_space<vmem>> -> memref<8x128xf32, #tpu.memory_space<vmem>>
      %dma_start3A_1732 = arith.constant 8 : i32
      %dma_start3A_1733 = tpu.memref_slice %arg5[%dma_start3A_1732, %multiple_of3A_1698] : memref<32x1000000xf32, #tpu.memory_space<hbm>> -> memref<8x128xf32, #tpu.memory_space<hbm>>
      %dma_start3A_1734 = arith.constant 8 : i32
      %dma_start3A_1735 = arith.constant 384 : i32
      %dma_start3A_1736 = tpu.memref_slice %arg13[%dma_start3A_1734, %dma_start3A_1735] : memref<32x512xf32, #tpu.memory_space<vmem>> -> memref<8x128xf32, #tpu.memory_space<vmem>>
      %dma_start3A_1737 = arith.constant 8 : i32
      %dma_start3A_1738 = tpu.memref_slice %arg5[%dma_start3A_1737, %multiple_of3A_1698] : memref<32x1000000xf32, #tpu.memory_space<hbm>> -> memref<8x128xf32, #tpu.memory_space<hbm>>
      tpu.enqueue_dma source(%dma_start3A_1738 : memref<8x128xf32, #tpu.memory_space<hbm>>) target(%dma_start3A_1736 : memref<8x128xf32, #tpu.memory_space<vmem>>) target_semaphore(%arg17 : memref<!tpu.dma_semaphore, #tpu.memory_space<semaphore_mem>>)
      %dma_start3A_1739 = arith.constant 16 : i32
      %dma_start3A_1740 = arith.constant 384 : i32
      %dma_start3A_1741 = tpu.memref_slice %arg11[%dma_start3A_1739, %dma_start3A_1740] : memref<32x512xf32, #tpu.memory_space<vmem>> -> memref<8x128xf32, #tpu.memory_space<vmem>>
      %dma_start3A_1742 = arith.constant 16 : i32
      %dma_start3A_1743 = tpu.memref_slice %arg4[%dma_start3A_1742, %multiple_of3A_1693] : memref<32x1000000xf32, #tpu.memory_space<hbm>> -> memref<8x128xf32, #tpu.memory_space<hbm>>
      %dma_start3A_1744 = arith.constant 16 : i32
      %dma_start3A_1745 = arith.constant 384 : i32
      %dma_start3A_1746 = tpu.memref_slice %arg11[%dma_start3A_1744, %dma_start3A_1745] : memref<32x512xf32, #tpu.memory_space<vmem>> -> memref<8x128xf32, #tpu.memory_space<vmem>>
      %dma_start3A_1747 = arith.constant 16 : i32
      %dma_start3A_1748 = tpu.memref_slice %arg4[%dma_start3A_1747, %multiple_of3A_1693] : memref<32x1000000xf32, #tpu.memory_space<hbm>> -> memref<8x128xf32, #tpu.memory_space<hbm>>
      tpu.enqueue_dma source(%dma_start3A_1748 : memref<8x128xf32, #tpu.memory_space<hbm>>) target(%dma_start3A_1746 : memref<8x128xf32, #tpu.memory_space<vmem>>) target_semaphore(%arg17 : memref<!tpu.dma_semaphore, #tpu.memory_space<semaphore_mem>>)
      %dma_start3A_1749 = arith.constant 16 : i32
      %dma_start3A_1750 = arith.constant 384 : i32
      %dma_start3A_1751 = tpu.memref_slice %arg13[%dma_start3A_1749, %dma_start3A_1750] : memref<32x512xf32, #tpu.memory_space<vmem>> -> memref<8x128xf32, #tpu.memory_space<vmem>>
      %dma_start3A_1752 = arith.constant 16 : i32
      %dma_start3A_1753 = tpu.memref_slice %arg5[%dma_start3A_1752, %multiple_of3A_1698] : memref<32x1000000xf32, #tpu.memory_space<hbm>> -> memref<8x128xf32, #tpu.memory_space<hbm>>
      %dma_start3A_1754 = arith.constant 16 : i32
      %dma_start3A_1755 = arith.constant 384 : i32
      %dma_start3A_1756 = tpu.memref_slice %arg13[%dma_start3A_1754, %dma_start3A_1755] : memref<32x512xf32, #tpu.memory_space<vmem>> -> memref<8x128xf32, #tpu.memory_space<vmem>>
      %dma_start3A_1757 = arith.constant 16 : i32
      %dma_start3A_1758 = tpu.memref_slice %arg5[%dma_start3A_1757, %multiple_of3A_1698] : memref<32x1000000xf32, #tpu.memory_space<hbm>> -> memref<8x128xf32, #tpu.memory_space<hbm>>
      tpu.enqueue_dma source(%dma_start3A_1758 : memref<8x128xf32, #tpu.memory_space<hbm>>) target(%dma_start3A_1756 : memref<8x128xf32, #tpu.memory_space<vmem>>) target_semaphore(%arg17 : memref<!tpu.dma_semaphore, #tpu.memory_space<semaphore_mem>>)
      %dma_start3A_1759 = arith.constant 24 : i32
      %dma_start3A_1760 = arith.constant 384 : i32
      %dma_start3A_1761 = tpu.memref_slice %arg11[%dma_start3A_1759, %dma_start3A_1760] : memref<32x512xf32, #tpu.memory_space<vmem>> -> memref<8x128xf32, #tpu.memory_space<vmem>>
      %dma_start3A_1762 = arith.constant 24 : i32
      %dma_start3A_1763 = tpu.memref_slice %arg4[%dma_start3A_1762, %multiple_of3A_1693] : memref<32x1000000xf32, #tpu.memory_space<hbm>> -> memref<8x128xf32, #tpu.memory_space<hbm>>
      %dma_start3A_1764 = arith.constant 24 : i32
      %dma_start3A_1765 = arith.constant 384 : i32
      %dma_start3A_1766 = tpu.memref_slice %arg11[%dma_start3A_1764, %dma_start3A_1765] : memref<32x512xf32, #tpu.memory_space<vmem>> -> memref<8x128xf32, #tpu.memory_space<vmem>>
      %dma_start3A_1767 = arith.constant 24 : i32
      %dma_start3A_1768 = tpu.memref_slice %arg4[%dma_start3A_1767, %multiple_of3A_1693] : memref<32x1000000xf32, #tpu.memory_space<hbm>> -> memref<8x128xf32, #tpu.memory_space<hbm>>
      tpu.enqueue_dma source(%dma_start3A_1768 : memref<8x128xf32, #tpu.memory_space<hbm>>) target(%dma_start3A_1766 : memref<8x128xf32, #tpu.memory_space<vmem>>) target_semaphore(%arg17 : memref<!tpu.dma_semaphore, #tpu.memory_space<semaphore_mem>>)
      %dma_start3A_1769 = arith.constant 24 : i32
      %dma_start3A_1770 = arith.constant 384 : i32
      %dma_start3A_1771 = tpu.memref_slice %arg13[%dma_start3A_1769, %dma_start3A_1770] : memref<32x512xf32, #tpu.memory_space<vmem>> -> memref<8x128xf32, #tpu.memory_space<vmem>>
      %dma_start3A_1772 = arith.constant 24 : i32
      %dma_start3A_1773 = tpu.memref_slice %arg5[%dma_start3A_1772, %multiple_of3A_1698] : memref<32x1000000xf32, #tpu.memory_space<hbm>> -> memref<8x128xf32, #tpu.memory_space<hbm>>
      %dma_start3A_1774 = arith.constant 24 : i32
      %dma_start3A_1775 = arith.constant 384 : i32
      %dma_start3A_1776 = tpu.memref_slice %arg13[%dma_start3A_1774, %dma_start3A_1775] : memref<32x512xf32, #tpu.memory_space<vmem>> -> memref<8x128xf32, #tpu.memory_space<vmem>>
      %dma_start3A_1777 = arith.constant 24 : i32
      %dma_start3A_1778 = tpu.memref_slice %arg5[%dma_start3A_1777, %multiple_of3A_1698] : memref<32x1000000xf32, #tpu.memory_space<hbm>> -> memref<8x128xf32, #tpu.memory_space<hbm>>
      tpu.enqueue_dma source(%dma_start3A_1778 : memref<8x128xf32, #tpu.memory_space<hbm>>) target(%dma_start3A_1776 : memref<8x128xf32, #tpu.memory_space<vmem>>) target_semaphore(%arg17 : memref<!tpu.dma_semaphore, #tpu.memory_space<semaphore_mem>>)
      %dma_wait3A_1779 = arith.constant 0 : i32
      %dma_wait3A_1780 = arith.constant 0 : i32
      %dma_wait3A_1781 = tpu.memref_slice %arg4[%dma_wait3A_1779, %dma_wait3A_1780] : memref<32x1000000xf32, #tpu.memory_space<hbm>> -> memref<32x512xf32, #tpu.memory_space<hbm>>
      %dma_wait3A_1782 = arith.constant 0 : i32
      %dma_wait3A_1783 = arith.constant 0 : i32
      %dma_wait3A_1784 = tpu.memref_slice %arg4[%dma_wait3A_1782, %dma_wait3A_1783] : memref<32x1000000xf32, #tpu.memory_space<hbm>> -> memref<32x512xf32, #tpu.memory_space<hbm>>
      tpu.wait_dma2 semaphore(%arg16 : memref<!tpu.dma_semaphore, #tpu.memory_space<semaphore_mem>>) src(%dma_wait3A_1784 : memref<32x512xf32, #tpu.memory_space<hbm>>) dst(%arg10 : memref<32x512xf32, #tpu.memory_space<vmem>>)
      %dma_wait3A_1785 = arith.constant 0 : i32
      %dma_wait3A_1786 = arith.constant 0 : i32
      %dma_wait3A_1787 = tpu.memref_slice %arg5[%dma_wait3A_1785, %dma_wait3A_1786] : memref<32x1000000xf32, #tpu.memory_space<hbm>> -> memref<32x512xf32, #tpu.memory_space<hbm>>
      %dma_wait3A_1788 = arith.constant 0 : i32
      %dma_wait3A_1789 = arith.constant 0 : i32
      %dma_wait3A_1790 = tpu.memref_slice %arg5[%dma_wait3A_1788, %dma_wait3A_1789] : memref<32x1000000xf32, #tpu.memory_space<hbm>> -> memref<32x512xf32, #tpu.memory_space<hbm>>
      tpu.wait_dma2 semaphore(%arg16 : memref<!tpu.dma_semaphore, #tpu.memory_space<semaphore_mem>>) src(%dma_wait3A_1790 : memref<32x512xf32, #tpu.memory_space<hbm>>) dst(%arg12 : memref<32x512xf32, #tpu.memory_space<vmem>>)
      %slice3A_1791 = vector.extract_strided_slice %get3A_16 {offsets = [8], sizes = [1], strides = [1]} : vector<16xi32> to vector<1xi32>
      %squeeze3A_1792 = vector.extract %slice3A_1791[0] : i32 from vector<1xi32>
      %and3A_1793 = arith.constant 127 : i32
      %and3A_1794 = arith.andi %squeeze3A_1792, %and3A_1793 : i32
      %add3A_1795 = arith.constant 0 : i32
      %add3A_1796 = arith.addi %and3A_1794, %add3A_1795 : i32
      %slice3A_1797 = vector.extract_strided_slice %get3A_20 {offsets = [8], sizes = [1], strides = [1]} : vector<16xi32> to vector<1xi32>
      %squeeze3A_1798 = vector.extract %slice3A_1797[0] : i32 from vector<1xi32>
      %and3A_1799 = arith.constant 127 : i32
      %and3A_1800 = arith.andi %squeeze3A_1798, %and3A_1799 : i32
      %add3A_1801 = arith.constant 0 : i32
      %add3A_1802 = arith.addi %and3A_1800, %add3A_1801 : i32
      %broadcast_in_dim3A_1803 = vector.broadcast %add3A_1796 : i32 to vector<16xi32>
      %broadcast_in_dim3A_1804 = vector.broadcast %add3A_1802 : i32 to vector<16xi32>
      %gather3A_1805 = tpu.vector_load_idx %arg10[%iota3A, %broadcast_in_dim3A_1803] : memref<32x512xf32, #tpu.memory_space<vmem>>[vector<16xi32>, vector<16xi32>], vector<16xf32>,
      %gather3A_1806 = tpu.vector_load_idx %arg10[%add3A_5, %broadcast_in_dim3A_1803] : memref<32x512xf32, #tpu.memory_space<vmem>>[vector<16xi32>, vector<16xi32>], vector<16xf32>,
      %gather3A_1807 = tpu.vector_load_idx %arg12[%iota3A, %broadcast_in_dim3A_1804] : memref<32x512xf32, #tpu.memory_space<vmem>>[vector<16xi32>, vector<16xi32>], vector<16xf32>,
      %gather3A_1808 = tpu.vector_load_idx %arg12[%add3A_5, %broadcast_in_dim3A_1804] : memref<32x512xf32, #tpu.memory_space<vmem>>[vector<16xi32>, vector<16xi32>], vector<16xf32>,
      %mul3A_1809 = arith.mulf %gather3A_1805, %gather3A_1807 : vector<16xf32>
      %mul3A_1810 = arith.mulf %gather3A_1806, %gather3A_1808 : vector<16xf32>
      %add3A_1811 = arith.addf %mul3A_1809, %mul3A_1810 : vector<16xf32>
      %reduce_sum3A_1812 = arith.constant true
      %reduce_sum3A_1813 = vector.broadcast %reduce_sum3A_1812 : i1 to vector<16xi1>
      %reduce_sum3A_1814 = tpu.scan <sum>, %add3A_1811 masked %reduce_sum3A_1813 : vector<16xf32>, vector<16xi1> -> vector<16xf32>
      %reduce_sum3A_1815 = vector.extract %reduce_sum3A_1814[15] : f32 from vector<16xf32>
      %eq3A_1816 = arith.constant 8 : i32
      %eq3A_1817 = vector.broadcast %eq3A_1816 : i32 to vector<16xi32>
      %eq3A_1818 = arith.cmpi eq, %iota3A, %eq3A_1817 : vector<16xi32>
      %broadcast_in_dim3A_1819 = vector.broadcast %reduce_sum3A_1815 : f32 to vector<16xf32>
      %select_n3A_1820 = arith.select %eq3A_1818, %broadcast_in_dim3A_1819, %select_n3A_1402 : vector<16xi1>, vector<16xf32>
      %slice3A_1821 = vector.extract_strided_slice %get3A_16 {offsets = [9], sizes = [1], strides = [1]} : vector<16xi32> to vector<1xi32>
      %squeeze3A_1822 = vector.extract %slice3A_1821[0] : i32 from vector<1xi32>
      %and3A_1823 = arith.constant 127 : i32
      %and3A_1824 = arith.andi %squeeze3A_1822, %and3A_1823 : i32
      %add3A_1825 = arith.constant 128 : i32
      %add3A_1826 = arith.addi %and3A_1824, %add3A_1825 : i32
      %slice3A_1827 = vector.extract_strided_slice %get3A_20 {offsets = [9], sizes = [1], strides = [1]} : vector<16xi32> to vector<1xi32>
      %squeeze3A_1828 = vector.extract %slice3A_1827[0] : i32 from vector<1xi32>
      %and3A_1829 = arith.constant 127 : i32
      %and3A_1830 = arith.andi %squeeze3A_1828, %and3A_1829 : i32
      %add3A_1831 = arith.constant 128 : i32
      %add3A_1832 = arith.addi %and3A_1830, %add3A_1831 : i32
      %broadcast_in_dim3A_1833 = vector.broadcast %add3A_1826 : i32 to vector<16xi32>
      %broadcast_in_dim3A_1834 = vector.broadcast %add3A_1832 : i32 to vector<16xi32>
      %gather3A_1835 = tpu.vector_load_idx %arg10[%iota3A, %broadcast_in_dim3A_1833] : memref<32x512xf32, #tpu.memory_space<vmem>>[vector<16xi32>, vector<16xi32>], vector<16xf32>,
      %gather3A_1836 = tpu.vector_load_idx %arg10[%add3A_5, %broadcast_in_dim3A_1833] : memref<32x512xf32, #tpu.memory_space<vmem>>[vector<16xi32>, vector<16xi32>], vector<16xf32>,
      %gather3A_1837 = tpu.vector_load_idx %arg12[%iota3A, %broadcast_in_dim3A_1834] : memref<32x512xf32, #tpu.memory_space<vmem>>[vector<16xi32>, vector<16xi32>], vector<16xf32>,
      %gather3A_1838 = tpu.vector_load_idx %arg12[%add3A_5, %broadcast_in_dim3A_1834] : memref<32x512xf32, #tpu.memory_space<vmem>>[vector<16xi32>, vector<16xi32>], vector<16xf32>,
      %mul3A_1839 = arith.mulf %gather3A_1835, %gather3A_1837 : vector<16xf32>
      %mul3A_1840 = arith.mulf %gather3A_1836, %gather3A_1838 : vector<16xf32>
      %add3A_1841 = arith.addf %mul3A_1839, %mul3A_1840 : vector<16xf32>
      %reduce_sum3A_1842 = arith.constant true
      %reduce_sum3A_1843 = vector.broadcast %reduce_sum3A_1842 : i1 to vector<16xi1>
      %reduce_sum3A_1844 = tpu.scan <sum>, %add3A_1841 masked %reduce_sum3A_1843 : vector<16xf32>, vector<16xi1> -> vector<16xf32>
      %reduce_sum3A_1845 = vector.extract %reduce_sum3A_1844[15] : f32 from vector<16xf32>
      %eq3A_1846 = arith.constant 9 : i32
      %eq3A_1847 = vector.broadcast %eq3A_1846 : i32 to vector<16xi32>
      %eq3A_1848 = arith.cmpi eq, %iota3A, %eq3A_1847 : vector<16xi32>
      %broadcast_in_dim3A_1849 = vector.broadcast %reduce_sum3A_1845 : f32 to vector<16xf32>
      %select_n3A_1850 = arith.select %eq3A_1848, %broadcast_in_dim3A_1849, %select_n3A_1820 : vector<16xi1>, vector<16xf32>
      %slice3A_1851 = vector.extract_strided_slice %get3A_16 {offsets = [10], sizes = [1], strides = [1]} : vector<16xi32> to vector<1xi32>
      %squeeze3A_1852 = vector.extract %slice3A_1851[0] : i32 from vector<1xi32>
      %and3A_1853 = arith.constant 127 : i32
      %and3A_1854 = arith.andi %squeeze3A_1852, %and3A_1853 : i32
      %add3A_1855 = arith.constant 256 : i32
      %add3A_1856 = arith.addi %and3A_1854, %add3A_1855 : i32
      %slice3A_1857 = vector.extract_strided_slice %get3A_20 {offsets = [10], sizes = [1], strides = [1]} : vector<16xi32> to vector<1xi32>
      %squeeze3A_1858 = vector.extract %slice3A_1857[0] : i32 from vector<1xi32>
      %and3A_1859 = arith.constant 127 : i32
      %and3A_1860 = arith.andi %squeeze3A_1858, %and3A_1859 : i32
      %add3A_1861 = arith.constant 256 : i32
      %add3A_1862 = arith.addi %and3A_1860, %add3A_1861 : i32
      %broadcast_in_dim3A_1863 = vector.broadcast %add3A_1856 : i32 to vector<16xi32>
      %broadcast_in_dim3A_1864 = vector.broadcast %add3A_1862 : i32 to vector<16xi32>
      %gather3A_1865 = tpu.vector_load_idx %arg10[%iota3A, %broadcast_in_dim3A_1863] : memref<32x512xf32, #tpu.memory_space<vmem>>[vector<16xi32>, vector<16xi32>], vector<16xf32>,
      %gather3A_1866 = tpu.vector_load_idx %arg10[%add3A_5, %broadcast_in_dim3A_1863] : memref<32x512xf32, #tpu.memory_space<vmem>>[vector<16xi32>, vector<16xi32>], vector<16xf32>,
      %gather3A_1867 = tpu.vector_load_idx %arg12[%iota3A, %broadcast_in_dim3A_1864] : memref<32x512xf32, #tpu.memory_space<vmem>>[vector<16xi32>, vector<16xi32>], vector<16xf32>,
      %gather3A_1868 = tpu.vector_load_idx %arg12[%add3A_5, %broadcast_in_dim3A_1864] : memref<32x512xf32, #tpu.memory_space<vmem>>[vector<16xi32>, vector<16xi32>], vector<16xf32>,
      %mul3A_1869 = arith.mulf %gather3A_1865, %gather3A_1867 : vector<16xf32>
      %mul3A_1870 = arith.mulf %gather3A_1866, %gather3A_1868 : vector<16xf32>
      %add3A_1871 = arith.addf %mul3A_1869, %mul3A_1870 : vector<16xf32>
      %reduce_sum3A_1872 = arith.constant true
      %reduce_sum3A_1873 = vector.broadcast %reduce_sum3A_1872 : i1 to vector<16xi1>
      %reduce_sum3A_1874 = tpu.scan <sum>, %add3A_1871 masked %reduce_sum3A_1873 : vector<16xf32>, vector<16xi1> -> vector<16xf32>
      %reduce_sum3A_1875 = vector.extract %reduce_sum3A_1874[15] : f32 from vector<16xf32>
      %eq3A_1876 = arith.constant 10 : i32
      %eq3A_1877 = vector.broadcast %eq3A_1876 : i32 to vector<16xi32>
      %eq3A_1878 = arith.cmpi eq, %iota3A, %eq3A_1877 : vector<16xi32>
      %broadcast_in_dim3A_1879 = vector.broadcast %reduce_sum3A_1875 : f32 to vector<16xf32>
      %select_n3A_1880 = arith.select %eq3A_1878, %broadcast_in_dim3A_1879, %select_n3A_1850 : vector<16xi1>, vector<16xf32>
      %slice3A_1881 = vector.extract_strided_slice %get3A_16 {offsets = [11], sizes = [1], strides = [1]} : vector<16xi32> to vector<1xi32>
      %squeeze3A_1882 = vector.extract %slice3A_1881[0] : i32 from vector<1xi32>
      %and3A_1883 = arith.constant 127 : i32
      %and3A_1884 = arith.andi %squeeze3A_1882, %and3A_1883 : i32
      %add3A_1885 = arith.constant 384 : i32
      %add3A_1886 = arith.addi %and3A_1884, %add3A_1885 : i32
      %slice3A_1887 = vector.extract_strided_slice %get3A_20 {offsets = [11], sizes = [1], strides = [1]} : vector<16xi32> to vector<1xi32>
      %squeeze3A_1888 = vector.extract %slice3A_1887[0] : i32 from vector<1xi32>
      %and3A_1889 = arith.constant 127 : i32
      %and3A_1890 = arith.andi %squeeze3A_1888, %and3A_1889 : i32
      %add3A_1891 = arith.constant 384 : i32
      %add3A_1892 = arith.addi %and3A_1890, %add3A_1891 : i32
      %broadcast_in_dim3A_1893 = vector.broadcast %add3A_1886 : i32 to vector<16xi32>
      %broadcast_in_dim3A_1894 = vector.broadcast %add3A_1892 : i32 to vector<16xi32>
      %gather3A_1895 = tpu.vector_load_idx %arg10[%iota3A, %broadcast_in_dim3A_1893] : memref<32x512xf32, #tpu.memory_space<vmem>>[vector<16xi32>, vector<16xi32>], vector<16xf32>,
      %gather3A_1896 = tpu.vector_load_idx %arg10[%add3A_5, %broadcast_in_dim3A_1893] : memref<32x512xf32, #tpu.memory_space<vmem>>[vector<16xi32>, vector<16xi32>], vector<16xf32>,
      %gather3A_1897 = tpu.vector_load_idx %arg12[%iota3A, %broadcast_in_dim3A_1894] : memref<32x512xf32, #tpu.memory_space<vmem>>[vector<16xi32>, vector<16xi32>], vector<16xf32>,
      %gather3A_1898 = tpu.vector_load_idx %arg12[%add3A_5, %broadcast_in_dim3A_1894] : memref<32x512xf32, #tpu.memory_space<vmem>>[vector<16xi32>, vector<16xi32>], vector<16xf32>,
      %mul3A_1899 = arith.mulf %gather3A_1895, %gather3A_1897 : vector<16xf32>
      %mul3A_1900 = arith.mulf %gather3A_1896, %gather3A_1898 : vector<16xf32>
      %add3A_1901 = arith.addf %mul3A_1899, %mul3A_1900 : vector<16xf32>
      %reduce_sum3A_1902 = arith.constant true
      %reduce_sum3A_1903 = vector.broadcast %reduce_sum3A_1902 : i1 to vector<16xi1>
      %reduce_sum3A_1904 = tpu.scan <sum>, %add3A_1901 masked %reduce_sum3A_1903 : vector<16xf32>, vector<16xi1> -> vector<16xf32>
      %reduce_sum3A_1905 = vector.extract %reduce_sum3A_1904[15] : f32 from vector<16xf32>
      %eq3A_1906 = arith.constant 11 : i32
      %eq3A_1907 = vector.broadcast %eq3A_1906 : i32 to vector<16xi32>
      %eq3A_1908 = arith.cmpi eq, %iota3A, %eq3A_1907 : vector<16xi32>
      %broadcast_in_dim3A_1909 = vector.broadcast %reduce_sum3A_1905 : f32 to vector<16xf32>
      %select_n3A_1910 = arith.select %eq3A_1908, %broadcast_in_dim3A_1909, %select_n3A_1880 : vector<16xi1>, vector<16xf32>
      %dma_wait3A_1911 = arith.constant 0 : i32
      %dma_wait3A_1912 = arith.constant 0 : i32
      %dma_wait3A_1913 = tpu.memref_slice %arg4[%dma_wait3A_1911, %dma_wait3A_1912] : memref<32x1000000xf32, #tpu.memory_space<hbm>> -> memref<32x512xf32, #tpu.memory_space<hbm>>
      %dma_wait3A_1914 = arith.constant 0 : i32
      %dma_wait3A_1915 = arith.constant 0 : i32
      %dma_wait3A_1916 = tpu.memref_slice %arg4[%dma_wait3A_1914, %dma_wait3A_1915] : memref<32x1000000xf32, #tpu.memory_space<hbm>> -> memref<32x512xf32, #tpu.memory_space<hbm>>
      tpu.wait_dma2 semaphore(%arg17 : memref<!tpu.dma_semaphore, #tpu.memory_space<semaphore_mem>>) src(%dma_wait3A_1916 : memref<32x512xf32, #tpu.memory_space<hbm>>) dst(%arg11 : memref<32x512xf32, #tpu.memory_space<vmem>>)
      %dma_wait3A_1917 = arith.constant 0 : i32
      %dma_wait3A_1918 = arith.constant 0 : i32
      %dma_wait3A_1919 = tpu.memref_slice %arg5[%dma_wait3A_1917, %dma_wait3A_1918] : memref<32x1000000xf32, #tpu.memory_space<hbm>> -> memref<32x512xf32, #tpu.memory_space<hbm>>
      %dma_wait3A_1920 = arith.constant 0 : i32
      %dma_wait3A_1921 = arith.constant 0 : i32
      %dma_wait3A_1922 = tpu.memref_slice %arg5[%dma_wait3A_1920, %dma_wait3A_1921] : memref<32x1000000xf32, #tpu.memory_space<hbm>> -> memref<32x512xf32, #tpu.memory_space<hbm>>
      tpu.wait_dma2 semaphore(%arg17 : memref<!tpu.dma_semaphore, #tpu.memory_space<semaphore_mem>>) src(%dma_wait3A_1922 : memref<32x512xf32, #tpu.memory_space<hbm>>) dst(%arg13 : memref<32x512xf32, #tpu.memory_space<vmem>>)
      %slice3A_1923 = vector.extract_strided_slice %get3A_16 {offsets = [12], sizes = [1], strides = [1]} : vector<16xi32> to vector<1xi32>
      %squeeze3A_1924 = vector.extract %slice3A_1923[0] : i32 from vector<1xi32>
      %and3A_1925 = arith.constant 127 : i32
      %and3A_1926 = arith.andi %squeeze3A_1924, %and3A_1925 : i32
      %add3A_1927 = arith.constant 0 : i32
      %add3A_1928 = arith.addi %and3A_1926, %add3A_1927 : i32
      %slice3A_1929 = vector.extract_strided_slice %get3A_20 {offsets = [12], sizes = [1], strides = [1]} : vector<16xi32> to vector<1xi32>
      %squeeze3A_1930 = vector.extract %slice3A_1929[0] : i32 from vector<1xi32>
      %and3A_1931 = arith.constant 127 : i32
      %and3A_1932 = arith.andi %squeeze3A_1930, %and3A_1931 : i32
      %add3A_1933 = arith.constant 0 : i32
      %add3A_1934 = arith.addi %and3A_1932, %add3A_1933 : i32
      %broadcast_in_dim3A_1935 = vector.broadcast %add3A_1928 : i32 to vector<16xi32>
      %broadcast_in_dim3A_1936 = vector.broadcast %add3A_1934 : i32 to vector<16xi32>
      %gather3A_1937 = tpu.vector_load_idx %arg11[%iota3A, %broadcast_in_dim3A_1935] : memref<32x512xf32, #tpu.memory_space<vmem>>[vector<16xi32>, vector<16xi32>], vector<16xf32>,
      %gather3A_1938 = tpu.vector_load_idx %arg11[%add3A_5, %broadcast_in_dim3A_1935] : memref<32x512xf32, #tpu.memory_space<vmem>>[vector<16xi32>, vector<16xi32>], vector<16xf32>,
      %gather3A_1939 = tpu.vector_load_idx %arg13[%iota3A, %broadcast_in_dim3A_1936] : memref<32x512xf32, #tpu.memory_space<vmem>>[vector<16xi32>, vector<16xi32>], vector<16xf32>,
      %gather3A_1940 = tpu.vector_load_idx %arg13[%add3A_5, %broadcast_in_dim3A_1936] : memref<32x512xf32, #tpu.memory_space<vmem>>[vector<16xi32>, vector<16xi32>], vector<16xf32>,
      %mul3A_1941 = arith.mulf %gather3A_1937, %gather3A_1939 : vector<16xf32>
      %mul3A_1942 = arith.mulf %gather3A_1938, %gather3A_1940 : vector<16xf32>
      %add3A_1943 = arith.addf %mul3A_1941, %mul3A_1942 : vector<16xf32>
      %reduce_sum3A_1944 = arith.constant true
      %reduce_sum3A_1945 = vector.broadcast %reduce_sum3A_1944 : i1 to vector<16xi1>
      %reduce_sum3A_1946 = tpu.scan <sum>, %add3A_1943 masked %reduce_sum3A_1945 : vector<16xf32>, vector<16xi1> -> vector<16xf32>
      %reduce_sum3A_1947 = vector.extract %reduce_sum3A_1946[15] : f32 from vector<16xf32>
      %eq3A_1948 = arith.constant 12 : i32
      %eq3A_1949 = vector.broadcast %eq3A_1948 : i32 to vector<16xi32>
      %eq3A_1950 = arith.cmpi eq, %iota3A, %eq3A_1949 : vector<16xi32>
      %broadcast_in_dim3A_1951 = vector.broadcast %reduce_sum3A_1947 : f32 to vector<16xf32>
      %select_n3A_1952 = arith.select %eq3A_1950, %broadcast_in_dim3A_1951, %select_n3A_1910 : vector<16xi1>, vector<16xf32>
      %slice3A_1953 = vector.extract_strided_slice %get3A_16 {offsets = [13], sizes = [1], strides = [1]} : vector<16xi32> to vector<1xi32>
      %squeeze3A_1954 = vector.extract %slice3A_1953[0] : i32 from vector<1xi32>
      %and3A_1955 = arith.constant 127 : i32
      %and3A_1956 = arith.andi %squeeze3A_1954, %and3A_1955 : i32
      %add3A_1957 = arith.constant 128 : i32
      %add3A_1958 = arith.addi %and3A_1956, %add3A_1957 : i32
      %slice3A_1959 = vector.extract_strided_slice %get3A_20 {offsets = [13], sizes = [1], strides = [1]} : vector<16xi32> to vector<1xi32>
      %squeeze3A_1960 = vector.extract %slice3A_1959[0] : i32 from vector<1xi32>
      %and3A_1961 = arith.constant 127 : i32
      %and3A_1962 = arith.andi %squeeze3A_1960, %and3A_1961 : i32
      %add3A_1963 = arith.constant 128 : i32
      %add3A_1964 = arith.addi %and3A_1962, %add3A_1963 : i32
      %broadcast_in_dim3A_1965 = vector.broadcast %add3A_1958 : i32 to vector<16xi32>
      %broadcast_in_dim3A_1966 = vector.broadcast %add3A_1964 : i32 to vector<16xi32>
      %gather3A_1967 = tpu.vector_load_idx %arg11[%iota3A, %broadcast_in_dim3A_1965] : memref<32x512xf32, #tpu.memory_space<vmem>>[vector<16xi32>, vector<16xi32>], vector<16xf32>,
      %gather3A_1968 = tpu.vector_load_idx %arg11[%add3A_5, %broadcast_in_dim3A_1965] : memref<32x512xf32, #tpu.memory_space<vmem>>[vector<16xi32>, vector<16xi32>], vector<16xf32>,
      %gather3A_1969 = tpu.vector_load_idx %arg13[%iota3A, %broadcast_in_dim3A_1966] : memref<32x512xf32, #tpu.memory_space<vmem>>[vector<16xi32>, vector<16xi32>], vector<16xf32>,
      %gather3A_1970 = tpu.vector_load_idx %arg13[%add3A_5, %broadcast_in_dim3A_1966] : memref<32x512xf32, #tpu.memory_space<vmem>>[vector<16xi32>, vector<16xi32>], vector<16xf32>,
      %mul3A_1971 = arith.mulf %gather3A_1967, %gather3A_1969 : vector<16xf32>
      %mul3A_1972 = arith.mulf %gather3A_1968, %gather3A_1970 : vector<16xf32>
      %add3A_1973 = arith.addf %mul3A_1971, %mul3A_1972 : vector<16xf32>
      %reduce_sum3A_1974 = arith.constant true
      %reduce_sum3A_1975 = vector.broadcast %reduce_sum3A_1974 : i1 to vector<16xi1>
      %reduce_sum3A_1976 = tpu.scan <sum>, %add3A_1973 masked %reduce_sum3A_1975 : vector<16xf32>, vector<16xi1> -> vector<16xf32>
      %reduce_sum3A_1977 = vector.extract %reduce_sum3A_1976[15] : f32 from vector<16xf32>
      %eq3A_1978 = arith.constant 13 : i32
      %eq3A_1979 = vector.broadcast %eq3A_1978 : i32 to vector<16xi32>
      %eq3A_1980 = arith.cmpi eq, %iota3A, %eq3A_1979 : vector<16xi32>
      %broadcast_in_dim3A_1981 = vector.broadcast %reduce_sum3A_1977 : f32 to vector<16xf32>
      %select_n3A_1982 = arith.select %eq3A_1980, %broadcast_in_dim3A_1981, %select_n3A_1952 : vector<16xi1>, vector<16xf32>
      %slice3A_1983 = vector.extract_strided_slice %get3A_16 {offsets = [14], sizes = [1], strides = [1]} : vector<16xi32> to vector<1xi32>
      %squeeze3A_1984 = vector.extract %slice3A_1983[0] : i32 from vector<1xi32>
      %and3A_1985 = arith.constant 127 : i32
      %and3A_1986 = arith.andi %squeeze3A_1984, %and3A_1985 : i32
      %add3A_1987 = arith.constant 256 : i32
      %add3A_1988 = arith.addi %and3A_1986, %add3A_1987 : i32
      %slice3A_1989 = vector.extract_strided_slice %get3A_20 {offsets = [14], sizes = [1], strides = [1]} : vector<16xi32> to vector<1xi32>
      %squeeze3A_1990 = vector.extract %slice3A_1989[0] : i32 from vector<1xi32>
      %and3A_1991 = arith.constant 127 : i32
      %and3A_1992 = arith.andi %squeeze3A_1990, %and3A_1991 : i32
      %add3A_1993 = arith.constant 256 : i32
      %add3A_1994 = arith.addi %and3A_1992, %add3A_1993 : i32
      %broadcast_in_dim3A_1995 = vector.broadcast %add3A_1988 : i32 to vector<16xi32>
      %broadcast_in_dim3A_1996 = vector.broadcast %add3A_1994 : i32 to vector<16xi32>
      %gather3A_1997 = tpu.vector_load_idx %arg11[%iota3A, %broadcast_in_dim3A_1995] : memref<32x512xf32, #tpu.memory_space<vmem>>[vector<16xi32>, vector<16xi32>], vector<16xf32>,
      %gather3A_1998 = tpu.vector_load_idx %arg11[%add3A_5, %broadcast_in_dim3A_1995] : memref<32x512xf32, #tpu.memory_space<vmem>>[vector<16xi32>, vector<16xi32>], vector<16xf32>,
      %gather3A_1999 = tpu.vector_load_idx %arg13[%iota3A, %broadcast_in_dim3A_1996] : memref<32x512xf32, #tpu.memory_space<vmem>>[vector<16xi32>, vector<16xi32>], vector<16xf32>,
      %gather3A_2000 = tpu.vector_load_idx %arg13[%add3A_5, %broadcast_in_dim3A_1996] : memref<32x512xf32, #tpu.memory_space<vmem>>[vector<16xi32>, vector<16xi32>], vector<16xf32>,
      %mul3A_2001 = arith.mulf %gather3A_1997, %gather3A_1999 : vector<16xf32>
      %mul3A_2002 = arith.mulf %gather3A_1998, %gather3A_2000 : vector<16xf32>
      %add3A_2003 = arith.addf %mul3A_2001, %mul3A_2002 : vector<16xf32>
      %reduce_sum3A_2004 = arith.constant true
      %reduce_sum3A_2005 = vector.broadcast %reduce_sum3A_2004 : i1 to vector<16xi1>
      %reduce_sum3A_2006 = tpu.scan <sum>, %add3A_2003 masked %reduce_sum3A_2005 : vector<16xf32>, vector<16xi1> -> vector<16xf32>
      %reduce_sum3A_2007 = vector.extract %reduce_sum3A_2006[15] : f32 from vector<16xf32>
      %eq3A_2008 = arith.constant 14 : i32
      %eq3A_2009 = vector.broadcast %eq3A_2008 : i32 to vector<16xi32>
      %eq3A_2010 = arith.cmpi eq, %iota3A, %eq3A_2009 : vector<16xi32>
      %broadcast_in_dim3A_2011 = vector.broadcast %reduce_sum3A_2007 : f32 to vector<16xf32>
      %select_n3A_2012 = arith.select %eq3A_2010, %broadcast_in_dim3A_2011, %select_n3A_1982 : vector<16xi1>, vector<16xf32>
      %slice3A_2013 = vector.extract_strided_slice %get3A_16 {offsets = [15], sizes = [1], strides = [1]} : vector<16xi32> to vector<1xi32>
      %squeeze3A_2014 = vector.extract %slice3A_2013[0] : i32 from vector<1xi32>
      %and3A_2015 = arith.constant 127 : i32
      %and3A_2016 = arith.andi %squeeze3A_2014, %and3A_2015 : i32
      %add3A_2017 = arith.constant 384 : i32
      %add3A_2018 = arith.addi %and3A_2016, %add3A_2017 : i32
      %slice3A_2019 = vector.extract_strided_slice %get3A_20 {offsets = [15], sizes = [1], strides = [1]} : vector<16xi32> to vector<1xi32>
      %squeeze3A_2020 = vector.extract %slice3A_2019[0] : i32 from vector<1xi32>
      %and3A_2021 = arith.constant 127 : i32
      %and3A_2022 = arith.andi %squeeze3A_2020, %and3A_2021 : i32
      %add3A_2023 = arith.constant 384 : i32
      %add3A_2024 = arith.addi %and3A_2022, %add3A_2023 : i32
      %broadcast_in_dim3A_2025 = vector.broadcast %add3A_2018 : i32 to vector<16xi32>
      %broadcast_in_dim3A_2026 = vector.broadcast %add3A_2024 : i32 to vector<16xi32>
      %gather3A_2027 = tpu.vector_load_idx %arg11[%iota3A, %broadcast_in_dim3A_2025] : memref<32x512xf32, #tpu.memory_space<vmem>>[vector<16xi32>, vector<16xi32>], vector<16xf32>,
      %gather3A_2028 = tpu.vector_load_idx %arg11[%add3A_5, %broadcast_in_dim3A_2025] : memref<32x512xf32, #tpu.memory_space<vmem>>[vector<16xi32>, vector<16xi32>], vector<16xf32>,
      %gather3A_2029 = tpu.vector_load_idx %arg13[%iota3A, %broadcast_in_dim3A_2026] : memref<32x512xf32, #tpu.memory_space<vmem>>[vector<16xi32>, vector<16xi32>], vector<16xf32>,
      %gather3A_2030 = tpu.vector_load_idx %arg13[%add3A_5, %broadcast_in_dim3A_2026] : memref<32x512xf32, #tpu.memory_space<vmem>>[vector<16xi32>, vector<16xi32>], vector<16xf32>,
      %mul3A_2031 = arith.mulf %gather3A_2027, %gather3A_2029 : vector<16xf32>
      %mul3A_2032 = arith.mulf %gather3A_2028, %gather3A_2030 : vector<16xf32>
      %add3A_2033 = arith.addf %mul3A_2031, %mul3A_2032 : vector<16xf32>
      %reduce_sum3A_2034 = arith.constant true
      %reduce_sum3A_2035 = vector.broadcast %reduce_sum3A_2034 : i1 to vector<16xi1>
      %reduce_sum3A_2036 = tpu.scan <sum>, %add3A_2033 masked %reduce_sum3A_2035 : vector<16xf32>, vector<16xi1> -> vector<16xf32>
      %reduce_sum3A_2037 = vector.extract %reduce_sum3A_2036[15] : f32 from vector<16xf32>
      %eq3A_2038 = arith.constant 15 : i32
      %eq3A_2039 = vector.broadcast %eq3A_2038 : i32 to vector<16xi32>
      %eq3A_2040 = arith.cmpi eq, %iota3A, %eq3A_2039 : vector<16xi32>
      %broadcast_in_dim3A_2041 = vector.broadcast %reduce_sum3A_2037 : f32 to vector<16xf32>
      %select_n3A_2042 = arith.select %eq3A_2040, %broadcast_in_dim3A_2041, %select_n3A_2012 : vector<16xi1>, vector<16xf32>
      %add3A_2043 = arith.addf %select_n3A_2042, %get3A_6 : vector<16xf32>
      %neg3A = arith.constant 0.000000e+00 : f32
      %neg3A_2044 = vector.broadcast %neg3A : f32 to vector<16xf32>
      %neg3A_2045 = arith.subf %neg3A_2044, %add3A_2043 : vector<16xf32>
      %exp3A = math.exp %neg3A_2045 : vector<16xf32>
      %add3A_2046 = arith.constant 1.000000e+00 : f32
      %add3A_2047 = vector.broadcast %add3A_2046 : f32 to vector<16xf32>
      %add3A_2048 = arith.addf %add3A_2047, %exp3A : vector<16xf32>
      %div3A = arith.constant 1.000000e+00 : f32
      %div3A_2049 = vector.broadcast %div3A : f32 to vector<16xf32>
      %div3A_2050 = arith.divf %div3A_2049, %add3A_2048 : vector<16xf32>
      %mul3A_2051 = arith.constant 16 : i32
      %mul3A_2052 = arith.muli %scan3A_12, %mul3A_2051 : i32
      %swap3A = arith.index_cast %mul3A_2052 : i32 to index
      %swap3A_2053 = tpu.vector_load %arg14[%swap3A] {strides = array<i32>} : memref<512xf32, #tpu.memory_space<vmem>>, vector<16xf32>,
      tpu.vector_store %arg14[%swap3A], %div3A_2050 {strides = array<i32>} : memref<512xf32, #tpu.memory_space<vmem>>, vector<16xf32>,
    }
    %scan3A_11 = arith.constant 32 : i32
    "tpu.region"() ({
      %run_scoped3A = tpu.sem_alloc : memref<!tpu.dma_semaphore, #tpu.memory_space<semaphore_mem>>
      %dma_start3A = tpu.memref_slice %arg7[%mul3A_2] : memref<16384xf32, #tpu.memory_space<hbm>> -> memref<512xf32, #tpu.memory_space<hbm>>
      %dma_start3A_12 = tpu.memref_slice %arg7[%mul3A_2] : memref<16384xf32, #tpu.memory_space<hbm>> -> memref<512xf32, #tpu.memory_space<hbm>>
      tpu.enqueue_dma source(%arg14 : memref<512xf32, #tpu.memory_space<vmem>>) target(%dma_start3A_12 : memref<512xf32, #tpu.memory_space<hbm>>) target_semaphore(%run_scoped3A : memref<!tpu.dma_semaphore, #tpu.memory_space<semaphore_mem>>)
      %dma_wait3A = tpu.memref_slice %arg7[%mul3A_2] : memref<16384xf32, #tpu.memory_space<hbm>> -> memref<512xf32, #tpu.memory_space<hbm>>
      %dma_wait3A_13 = tpu.memref_slice %arg7[%mul3A_2] : memref<16384xf32, #tpu.memory_space<hbm>> -> memref<512xf32, #tpu.memory_space<hbm>>
      tpu.wait_dma2 semaphore(%run_scoped3A : memref<!tpu.dma_semaphore, #tpu.memory_space<semaphore_mem>>) src(%arg14 : memref<512xf32, #tpu.memory_space<vmem>>) dst(%dma_wait3A_13 : memref<512xf32, #tpu.memory_space<hbm>>)
      tpu.yield
    }) : () -> ()
    return
  }
}

</mosaic_0001>

<sc_bundles>
// kernel: kernel.3.cloned.1.call-start
scs
__scs_entry_jumppad:
0x0: {  	(pc) =	sbr.rel $0x88, $3  }
0x1: {  	(tag) =	ssettag $0x0;
	lr =	simm.s32 $0x1  }
0x2: {  	[smem:$0x3F9C] =	sst lr;
	_ =	strace $0xD0000000  }
0x3: {  	_ = 	snop  }
0x4: {  	_ = 	snop  }
0x5: {  	_ = 	snop  }
0x6: {  	_ = 	snop  }
0x7: {  	_ = 	snop  }
__scs_overlays_trampoline_lowered:
0x8: {  	[smem:$0x3FAB] =	sst s0  }
0x9: {  	[smem:$0x3FAC] =	sst s1  }
0xa: {  	[smem:$0x3FAD] =	sst s2  }
0xb: {  	[smem:$0x3FAE] =	sst s3  }
0xc: {  	[smem:$0x3FAF] =	sst s4  }
0xd: {  	[smem:$0x3FB0] =	sst s5  }
0xe: {  	[smem:$0x3FB1] =	sst s6  }
0xf: {  	[smem:$0x3FB2] =	sst s7  }
0x10: {  	[smem:$0x3FB3] =	sst s8  }
0x11: {  	[smem:$0x3FB4] =	sst s9;
	s0 =	simm.s32 @!p0 $0x0  }
0x12: {  	s1 =	sld [smem:$0x3F9A];
	s0 =	simm.s32 @p0 $0x1  }
0x13: {  	[smem:$0x3FB5] =	sst s0;
	s0 =	simm.s32 @!p1 $0x0  }
0x14: {  	s2 =	sld [smem:$0x3F99];
	s0 =	simm.s32 @p1 $0x1  }
0x15: {  	[smem:$0x3FB6] =	sst s0;
	s0 =	simm.s32 @!p2 $0x0  }
0x16: {  	s3 =	sld [smem:$0x3FDB];
	s0 =	simm.s32 @p2 $0x1  }
0x17: {  	s4 =	simm.s32 $0x1BF5;
	[smem:$0x3FB8] =	sst s0  }
0x18: {  	s0 =	sld [smem:$0x3F9B];
	_ =	swait.ge [sflag:s4], $0x0  }
0x19: {  	s7 =	sld [smem:$0x3F9C]  }
0x1a: {  	s8 =	sadd.s32 $0xFFFFE003, lr  }
0x1b: {  	s9 =	sadd.s32 $0xFFFFFEF7, lr;
	s5 =	simm.s32 $0xFFFFFFFF;
	p2 =	slt.u32 s8, $0xFFFFF086  }
0x1c: {  	p1 =	slt.u32 s9, $0xF7A;
	s5 =	simm.s32 @!p2 $0x0  }
0x1d: {  	s5 =	simm.s32 @p1 $0x1;
	p0 =	seq.s32 s7, s2  }
0x1e: {  	s7 =	smul.u32 @!p0 $0xF7A, s2;
	p2 =	seq.s32 @!p0 s5, $0x0  }
0x1f: {  	s9 =	smul.u32 $0xF7A, s1;
	s8 =	simm.s32 @!p0 $0x1BF5;
	p2 =	por !p2, p0  }
0x20: {  	[sflag:s8] =	ssyncset.s32 @!p0 $0xFFFFF086;
	s6 =	sadd.s32 @!p0 s3, s7;
	s7 =	simm.s32 @!p0 $0x108  }
0x21: {  	s3 =	sadd.s32 s3, s9;
	s6 =	sadd.s32 @!p0 $0x88, s6;
	s7 =	simm.s32 @p2 $0x1082  }
0x22: {  	[simem:s7], [sflag:s8] =	dma.local @!p0 [hbm:s6], $0xF7A  }
0x23: {  	s9 =	sor.u32 $0xD0000000, s2;
	s6 =	simm.s32 $0x108;
	_ =	swait.ge @!p0 [sflag:s8], $0x0  }
0x24: {  	s3 =	sadd.s32 $0x88, s3;
	s6 =	simm.s32 @!p1 $0x1082;
	[sflag:s4] =	ssyncset.s32 $0xFFFFF086  }
0x25: {  	[simem:s6], [sflag:s4] =	dma.local [hbm:s3], $0xF7A  }
0x26: {  	[smem:$0x3F9C] =	sst s1;
	(tag) =	ssettag s2;
	_ =	strace s9  }
0x27: {  	s1 =	sld [smem:$0x3FAC]  }
0x28: {  	s2 =	sld [smem:$0x3FAD]  }
0x29: {  	s4 =	sld [smem:$0x3FAF]  }
0x2a: {  	p0 =	seq.s32 s5, $0x0;
	s5 =	sld [smem:$0x3FB0]  }
0x2b: {  	s6 =	sld [smem:$0x3FB1]  }
0x2c: {  	s7 =	sld [smem:$0x3FB2]  }
0x2d: {  	s3 =	simm.s32 $0x108;
	s8 =	sld [smem:$0x3FB3]  }
0x2e: {  	s3 =	simm.s32 @!p0 $0x1082;
	s9 =	sld [smem:$0x3FB4]  }
0x2f: {  	lr =	sadd.s32 s0, s3;
	s0 =	sld [smem:$0x3FAB]  }
0x30: {  	s3 =	sld [smem:$0x3FAE]  }
0x31: {  	[smem:$0x3FB7] =	sst s10  }
0x32: {  	s10 =	sld [smem:$0x3FB5];
	_ =	sdelay $0x3  }
0x33: {  	p0 =	seq.s32 s10, $0x1;
	s10 =	sld [smem:$0x3FB7];
	_ =	sdelay $0x3  }
0x34: {  	[smem:$0x3FB7] =	sst s10  }
0x35: {  	s10 =	sld [smem:$0x3FB6];
	_ =	sdelay $0x3  }
0x36: {  	p1 =	seq.s32 s10, $0x1;
	s10 =	sld [smem:$0x3FB7];
	_ =	sdelay $0x3  }
0x37: {  	[smem:$0x3FB7] =	sst s10  }
0x38: {  	s10 =	sld [smem:$0x3FB8]  }
0x39: {  	_ = 	snop;
	(pc) =	sbr.ind lr, $3  }
0x3a: {  	_ = 	snop  }
0x3b: {  	_ = 	snop  }
0x3c: {  	p2 =	seq.s32 s10, $0x1;
	s10 =	sld [smem:$0x3FB7]  }
0x3d: {  	_ =	shalt  }
0x3e: {  	_ =	shalt  }
0x3f: {  	_ =	shalt  }
0x40: {  	_ =	shalt  }
0x41: {  	_ =	shalt  }
0x42: {  	_ =	shalt  }
0x43: {  	_ =	shalt  }
0x44: {  	_ =	shalt  }
0x45: {  	_ =	shalt  }
0x46: {  	_ =	shalt  }
0x47: {  	_ =	shalt  }
0x48: {  	_ =	shalt  }
0x49: {  	_ =	shalt  }
0x4a: {  	_ =	shalt  }
0x4b: {  	_ =	shalt  }
0x4c: {  	_ =	shalt  }
0x4d: {  	_ =	shalt  }
0x4e: {  	_ =	shalt  }
0x4f: {  	_ =	shalt  }
0x50: {  	_ =	shalt  }
0x51: {  	_ =	shalt  }
0x52: {  	_ =	shalt  }
0x53: {  	_ =	shalt  }
0x54: {  	_ =	shalt  }
0x55: {  	_ =	shalt  }
0x56: {  	_ =	shalt  }
0x57: {  	_ =	shalt  }
0x58: {  	_ =	shalt  }
0x59: {  	_ =	shalt  }
0x5a: {  	_ =	shalt  }
0x5b: {  	_ =	shalt  }
0x5c: {  	_ =	shalt  }
0x5d: {  	_ =	shalt  }
0x5e: {  	_ =	shalt  }
0x5f: {  	_ =	shalt  }
0x60: {  	_ =	shalt  }
0x61: {  	_ =	shalt  }
0x62: {  	_ =	shalt  }
0x63: {  	_ =	shalt  }
0x64: {  	_ =	shalt  }
0x65: {  	_ =	shalt  }
0x66: {  	_ =	shalt  }
0x67: {  	_ =	shalt  }
0x68: {  	_ =	shalt  }
0x69: {  	_ =	shalt  }
0x6a: {  	_ =	shalt  }
0x6b: {  	_ =	shalt  }
0x6c: {  	_ =	shalt  }
0x6d: {  	_ =	shalt  }
0x6e: {  	_ =	shalt  }
0x6f: {  	_ =	shalt  }
0x70: {  	_ =	shalt  }
0x71: {  	_ =	shalt  }
0x72: {  	_ =	shalt  }
0x73: {  	_ =	shalt  }
0x74: {  	_ =	shalt  }
0x75: {  	_ =	shalt  }
0x76: {  	_ =	shalt  }
0x77: {  	_ =	shalt  }
0x78: {  	_ =	shalt  }
0x79: {  	_ =	shalt  }
0x7a: {  	_ =	shalt  }
0x7b: {  	_ =	shalt  }
0x7c: {  	_ =	shalt  }
0x7d: {  	_ =	shalt  }
0x7e: {  	_ =	shalt  }
0x7f: {  	_ =	shalt  }
0x80: {  	_ =	shalt  }
0x81: {  	_ =	shalt  }
0x82: {  	_ =	shalt  }
0x83: {  	_ =	shalt  }
0x84: {  	_ =	shalt  }
0x85: {  	_ =	shalt  }
0x86: {  	_ =	shalt  }
0x87: {  	_ =	shalt  }
.Lfunc_end0:
.L_simem_size_0:
called_computation_lowered:
.L_overlay_start_0:
0x88: {  	s2 =	sld [smem:$0x3FD9]  }
0x89: {  	s3 =	sld [smem:$0x3FFE];
	_ =	sdelay $0x1  }
0x8a: {  	s1 =	srdreg.scid  }
0x8b: {  	s0 =	sand.u32 $0x1, s1  }
0x8c: {  	s17 =	sshll.u32 s0, $0xA;
	s2 =	sadd.s32 s3, s2  }
0x8d: {  	s2 =	sadd.s32 s2, s17  }
0x8e: {  	[smem:$0x3FC3] =	sst s2  }
0x8f: {  	_ = 	snop  }
0x90: {  	s2 =	sld [smem:$0x3FC9]  }
0x91: {  	s18 =	sld [smem:$0x3FC8]  }
0x92: {  	s4 =	sld [smem:$0x3FC7]  }
0x93: {  	s5 =	sld [smem:$0x3FC6]  }
0x94: {  	s6 =	sld [smem:$0x3FD0];
	(tm) =	ssettm $0x1  }
0x95: {  	s7 =	sld [smem:$0x3FFB];
	_ =	sdelay $0x3  }
0x96: {  	_ =	strace s7  }
0x97: {  	s7 =	sld [smem:$0x3FFC];
	_ =	sdelay $0x3  }
0x98: {  	_ =	strace s7  }
0x99: {  	s7 =	sld [smem:$0x3FFD];
	_ =	sdelay $0x3  }
0x9a: {  	_ =	strace s7  }
0x9b: {  	_ =	strace $0x8FFFFFFF  }
0x9c: {  	s19 =	sld [smem:$0x3FDB];
	_ =	sdelay $0x1  }
0x9d: {  	s8 =	simm.s32 $_scs_section_size  }
0x9e: {  	s9 =	simm.s32 $_size__tile_overlayer_lowered;
	s10 =	simm.s32 $_tile_overlayer_lowered  }
0x9f: {  	s22 =	simm.s32 $0x1BFF;
	s21 =	sshll.u32 s10, $0x1;
	s7 =	sadd.s32 s8, s19  }
0xa0: {  	s11 =	simm.s32 $0x0;
	s20 =	sshll.u32 s9, $0x1;
	s9 =	sadd.s32 s21, s7  }
0xa1: {  	[timem:s11], [sflag:s22] =	dma.local [hbm:s9], s20  }
0xa2: {  	_ =	swait.ge [sflag:s22], s20  }
0xa3: {  	s8 =	ssub.s32 $0x0, s20;
	[sflag:s22] =	ssyncset.done $0x0  }
0xa4: {  	[sflag:s22] =	ssyncadd.s32 s8;
	_ =	sdelay $0x1  }
0xa5: {  	s23 =	simm.s32 $0x1B8B  }
0xa6: {  	_ =	swait.ge [sflag:s23], $0x1  }
0xa7: {  	[sflag:s23] =	ssyncset.done $0x0  }
0xa8: {  	s25 =	simm.s32 $0x1B8E;
	s24 =	sld [smem:$0x3FFE];
	[sflag:s23] =	ssyncadd.s32 $0xFFFFFFFF  }
0xa9: {  	s26 =	simm.s32 $execute0_lowered;
	[smem:$0x3FD2] =	sst s25  }
0xaa: {  	s9 =	sshll.u32 s26, $0x1;
	_ =	strace $0x80000046;
	[dreg:$0x1] =	wrdreg $0xFFFFFFFF  }
0xab: {  	s28 =	simm.s32 $_size_execute0_lowered;
	s7 =	sadd.s32 s7, s9;
	[dreg:$0x0] =	wrdreg $0x0  }
0xac: {  	s9 =	sshll.u32 s28, $0x1;
	[dreg:$0x2] =	wrdreg s7  }
0xad: {  	[dreg:$0x3] =	wrdreg s9  }
0xae: {  	[dreg:$0x4] =	wrdreg $0xC0  }
0xaf: {  	_ =	task [dreg:s11], $0x5FFFF  }
0xb0: {  	[dreg:$0x1] =	wrdreg $0xFFFFFFFF  }
0xb1: {  	[dreg:$0x0] =	wrdreg $0x60  }
0xb2: {  	[dreg:$0x2] =	wrdreg s2  }
0xb3: {  	[dreg:$0x3] =	wrdreg s18  }
0xb4: {  	[dreg:$0x4] =	wrdreg s4  }
0xb5: {  	[dreg:$0x5] =	wrdreg s5  }
0xb6: {  	[dreg:$0x6] =	wrdreg s24  }
0xb7: {  	[dreg:$0x7] =	wrdreg s6  }
0xb8: {  	[dreg:$0x8] =	wrdreg $0x9  }
0xb9: {  	_ =	task.clear_ibuf [dreg:s11], $0x9FFFF;
	_ =	strace $0x90000046  }
0xba: {  	s29 =	simm.s32 $0x9;
	_ =	strace $0x80000048  }
0xbb: {  	_ =	swait.ge [sflag:s29], $0x1  }
0xbc: {  	[sflag:s29] =	ssyncadd.s32 $0xFFFFFFFF  }
0xbd: {  	_ =	strace $0x90000048  }
0xbe: {  	_ =	sfence  }
0xbf: {  	s30 =	sld [smem:$0x0];
	_ =	sdelay $0x2  }
0xc0: {  	s31 =	sshll.u32 s1, $0xD;
	s1 =	sshrl.u32 s1, $0x2  }
0xc1: {  	s3 =	sand.u32 $0x4000, s31;
	s1 =	sadd.s32 s1, s30  }
0xc2: {  	s0 =	sor.u32 s3, s0;
	s1 =	sshll.u32 s1, $0x11  }
0xc3: {  	s0 =	sor.u32 s1, s0  }
0xc4: {  	s0 =	sadd.s32 $0x8F2B, s0  }
0xc5: {  	[sflag:s0] =	ssyncadd.remote.s32 $0x1  }
0xc6: {  	_ =	sfence.sel $0xFFFF  }
0xc7: {  	[dreg:$0x0] =	wrdreg $0xFFFFFFFF;
	(pc) =	sbr.abs _section_cstart, $3  }
0xc8: {  	[dreg:$0x1] =	wrdreg $0xFFFFFFFF  }
0xc9: {  	_ =	task.clear_ibuf [dreg:s11], $0x2FFFF;
	_ =	strace $0x9FFFFFFF  }
0xca: {  	(tm) =	ssettm $0x7FFFFFFF  }
0xcb: {  	_ =	shalt  }
tec
execute0_lowered:
.L_overlay_start_1:
0x0: {  	(tag) =	ssettag $0x1  }
0x1: {  	v0 =	vimm.s32 $0x1380;
	vm0 =	vcmask $0x300  }
0x2: {  	vm14 =	vcmask $0x704;
	v1 =	vimm.s32 $0x3380;
	vm13 =	vcmask $0xB08  }
0x3: {  	vm12 =	vcmask $0xF0C;
	vm11 =	vcmask $0x1310;
	vm10 =	vcmask $0x1714  }
0x4: {  	vm9 =	vcmask $0x1B18;
	vm8 =	vcmask $0x1F1C;
	vm7 =	vcmask $0x2320  }
0x5: {  	vm6 =	vcmask $0x2724;
	vm5 =	vcmask $0x2B28;
	vm4 =	vcmask $0x2F2C  }
0x6: {  	vm1 =	vcmask $0x3330;
	vm3 =	vcmask $0x3734;
	vm2 =	vcmask $0x3B38  }
0x7: {  	v2 =	vimm.s32 $0x1780;
	v3 =	vimm.s32 $0x3780;
	v4 =	vimm.s32 $0x1B80  }
0x8: {  	v5 =	vimm.s32 $0x3B80;
	v6 =	vimm.s32 $0x1F80;
	v7 =	vimm.s32 $0x3F80  }
0x9: {  	v0 =	vsel vm0, $0x0, v0;
	v1 =	vsel vm0, $0x2000, v1;
	v2 =	vsel vm0, $0x400, v2  }
0xa: {  	v3 =	vsel vm0, $0x2400, v3;
	v4 =	vsel vm0, $0x800, v4;
	v5 =	vsel vm0, $0x2800, v5  }
0xb: {  	v6 =	vsel vm0, $0xC00, v6;
	v7 =	vsel vm0, $0x2C00, v7;
	vm0 =	vmmov $0x1  }
0xc: {  	v0 =	vsel vm14, $0x80, v0;
	v1 =	vsel vm14, $0x2080, v1;
	v2 =	vsel vm14, $0x480, v2  }
0xd: {  	v3 =	vsel vm14, $0x2480, v3;
	v4 =	vsel vm14, $0x880, v4;
	v5 =	vsel vm14, $0x2880, v5  }
0xe: {  	v6 =	vsel vm14, $0xC80, v6;
	v7 =	vsel vm14, $0x2C80, v7;
	vm14 =	vmmov $0x7fff  }
0xf: {  	v0 =	vsel vm13, $0x100, v0;
	v1 =	vsel vm13, $0x2100, v1;
	v2 =	vsel vm13, $0x500, v2  }
0x10: {  	v3 =	vsel vm13, $0x2500, v3;
	v4 =	vsel vm13, $0x900, v4;
	v5 =	vsel vm13, $0x2900, v5  }
0x11: {  	v6 =	vsel vm13, $0xD00, v6;
	v7 =	vsel vm13, $0x2D00, v7;
	vm13 =	vmmov $0x3fff  }
0x12: {  	v0 =	vsel vm12, $0x180, v0;
	v1 =	vsel vm12, $0x2180, v1;
	v2 =	vsel vm12, $0x580, v2  }
0x13: {  	v3 =	vsel vm12, $0x2580, v3;
	v4 =	vsel vm12, $0x980, v4;
	v5 =	vsel vm12, $0x2980, v5  }
0x14: {  	v6 =	vsel vm12, $0xD80, v6;
	v7 =	vsel vm12, $0x2D80, v7;
	vm12 =	vmmov $0x1fff  }
0x15: {  	v0 =	vsel vm11, $0x200, v0;
	v1 =	vsel vm11, $0x2200, v1;
	v2 =	vsel vm11, $0x600, v2  }
0x16: {  	v3 =	vsel vm11, $0x2600, v3;
	v4 =	vsel vm11, $0xA00, v4;
	v5 =	vsel vm11, $0x2A00, v5  }
0x17: {  	v6 =	vsel vm11, $0xE00, v6;
	v7 =	vsel vm11, $0x2E00, v7;
	vm11 =	vmmov $0xfff  }
0x18: {  	v0 =	vsel vm10, $0x280, v0;
	v1 =	vsel vm10, $0x2280, v1;
	v2 =	vsel vm10, $0x680, v2  }
0x19: {  	v3 =	vsel vm10, $0x2680, v3;
	v4 =	vsel vm10, $0xA80, v4;
	v5 =	vsel vm10, $0x2A80, v5  }
0x1a: {  	v6 =	vsel vm10, $0xE80, v6;
	v7 =	vsel vm10, $0x2E80, v7;
	vm10 =	vmmov $0x7ff  }
0x1b: {  	v0 =	vsel vm9, $0x300, v0;
	v1 =	vsel vm9, $0x2300, v1;
	v2 =	vsel vm9, $0x700, v2  }
0x1c: {  	v3 =	vsel vm9, $0x2700, v3;
	v4 =	vsel vm9, $0xB00, v4;
	v5 =	vsel vm9, $0x2B00, v5  }
0x1d: {  	v6 =	vsel vm9, $0xF00, v6;
	v7 =	vsel vm9, $0x2F00, v7;
	vm9 =	vmmov $0x3ff  }
0x1e: {  	v0 =	vsel vm8, $0x380, v0;
	v1 =	vsel vm8, $0x2380, v1;
	v2 =	vsel vm8, $0x780, v2  }
0x1f: {  	v3 =	vsel vm8, $0x2780, v3;
	v4 =	vsel vm8, $0xB80, v4;
	v5 =	vsel vm8, $0x2B80, v5  }
0x20: {  	v6 =	vsel vm8, $0xF80, v6;
	v7 =	vsel vm8, $0x2F80, v7;
	vm8 =	vmmov $0x1ff  }
0x21: {  	s2 =	rddreg [dreg:$0x0];
	v0 =	vsel vm7, $0x1000, v0;
	v1 =	vsel vm7, $0x3000, v1;
	v2 =	vsel vm7, $0x1400, v2  }
0x22: {  	s4 =	rddreg [dreg:$0x1];
	v3 =	vsel vm7, $0x3400, v3;
	v4 =	vsel vm7, $0x1800, v4;
	v5 =	vsel vm7, $0x3800, v5  }
0x23: {  	s0 =	rddreg [dreg:$0x2];
	v6 =	vsel vm7, $0x1C00, v6;
	v7 =	vsel vm7, $0x3C00, v7;
	vm7 =	vmmov $0xff  }
0x24: {  	s1 =	rddreg [dreg:$0x3];
	v0 =	vsel vm6, $0x1080, v0;
	v1 =	vsel vm6, $0x3080, v1;
	v2 =	vsel vm6, $0x1480, v2  }
0x25: {  	s5 =	rddreg [dreg:$0x4];
	v3 =	vsel vm6, $0x3480, v3;
	v4 =	vsel vm6, $0x1880, v4;
	v5 =	vsel vm6, $0x3880, v5  }
0x26: {  	s6 =	rddreg [dreg:$0x5];
	v6 =	vsel vm6, $0x1C80, v6;
	v7 =	vsel vm6, $0x3C80, v7;
	vm6 =	vmmov $0x7f  }
0x27: {  	s3 =	simm.s32 $0x0;
	s7 =	srdreg.scid;
	s10 =	stileid.u32;
	v0 =	vsel vm5, $0x1100, v0;
	v1 =	vsel vm5, $0x3100, v1;
	v2 =	vsel vm5, $0x1500, v2  }
0x28: {  	s13 =	simm.s32 $0x400;
	s14 =	simm.s32 $0x8400;
	s19 =	simm.s32 $0x4400;
	v3 =	vsel vm5, $0x3500, v3;
	v4 =	vsel vm5, $0x1900, v4;
	v5 =	vsel vm5, $0x3900, v5  }
0x29: {  	s20 =	simm.s32 $0xC400;
	s28 =	simm.s32 $0x1;
	s29 =	simm.s32 $0x2;
	v6 =	vsel vm5, $0x1D00, v6;
	v7 =	vsel vm5, $0x3D00, v7;
	vm5 =	vmmov $0x3f  }
0x2a: {  	s15 =	simm.s32 $0x3400;
	s16 =	simm.s32 $0xB400;
	s17 =	simm.s32 $0x800;
	v0 =	vsel vm4, $0x1180, v0;
	v1 =	vsel vm4, $0x3180, v1;
	v2 =	vsel vm4, $0x1580, v2  }
0x2b: {  	s18 =	simm.s32 $0x8800;
	s21 =	simm.s32 $0x1800;
	s22 =	simm.s32 $0x9800;
	v3 =	vsel vm4, $0x3580, v3;
	v4 =	vsel vm4, $0x1980, v4;
	v5 =	vsel vm4, $0x3980, v5  }
0x2c: {  	s23 =	simm.s32 $0x2800;
	s31 =	simm.s32 $0x8C00;
	[smem:$0x7FF] =	sst s3;
	v6 =	vsel vm4, $0x1D80, v6;
	v7 =	vsel vm4, $0x3D80, v7;
	vm4 =	vmmov $0x1f  }
0x2d: {  	s7 =	sand.u32 $0x1, s7;
	s10 =	sshll.u32 s10, $0x7;
	s5 =	sadd.s32 $0x400, s5;
	v0 =	vsel vm1, $0x1200, v0;
	v1 =	vsel vm1, $0x3200, v1;
	v2 =	vsel vm1, $0x1600, v2  }
0x2e: {  	_ =	strace $0x80000047;
	s8 =	ssub.s32 $0x2, s7;
	s7 =	sshll.u32 s7, $0x6;
	v3 =	vsel vm1, $0x3600, v3;
	v4 =	vsel vm1, $0x1A00, v4;
	v5 =	vsel vm1, $0x3A00, v5  }
0x2f: {  	[dreg:$0x7] =	wrdreg s5;
	s9 =	sshrl.u32 s8, $0x1;
	s7 =	sor.u32 s7, s10;
	v6 =	vsel vm1, $0x1E00, v6;
	v7 =	vsel vm1, $0x3E00, v7;
	vm1 =	vmmov $0x3  }
0x30: {  	s5 =	simm.s32 $0x0;
	s24 =	ssub.s32 s8, s9;
	s2 =	sadd.s32 s2, s7;
	v0 =	vsel vm3, $0x1280, v0;
	v1 =	vsel vm3, $0x3280, v1;
	v2 =	vsel vm3, $0x1680, v2  }
0x31: {  	s25 =	sadd.s32 s4, s7;
	s26 =	sadd.s32 s6, s7;
	s4 =	simm.s32 $0x3;
	v3 =	vsel vm3, $0x3680, v3;
	v4 =	vsel vm3, $0x1A80, v4;
	v5 =	vsel vm3, $0x3A80, v5  }
0x32: {  	s6 =	simm.s32 $0x1400;
	s8 =	simm.s32 $0x9400;
	[dreg:$0x8] =	wrdreg s2;
	v6 =	vsel vm3, $0x1E80, v6;
	v7 =	vsel vm3, $0x3E80, v7;
	vm3 =	vmmov $0xf  }
0x33: {  	s7 =	simm.s32 $0x2400;
	s9 =	simm.s32 $0xA400;
	[dreg:$0x9] =	wrdreg s25;
	v0 =	vsel vm2, $0x1300, v0;
	v1 =	vsel vm2, $0x3300, v1;
	v2 =	vsel vm2, $0x1700, v2  }
0x34: {  	[dreg:$0xa] =	wrdreg s26;
	s30 =	smax.u32 s24, $0x1;
	s24 =	simm.s32 $0xA800;
	v3 =	vsel vm2, $0x3700, v3;
	v4 =	vsel vm2, $0x1B00, v4;
	v5 =	vsel vm2, $0x3B00, v5  }
0x35: {  	s25 =	simm.s32 $0x3800;
	s26 =	simm.s32 $0xB800;
	[dreg:$0xb] =	wrdreg s30;
	v6 =	vsel vm2, $0x1F00, v6;
	v7 =	vsel vm2, $0x3F00, v7;
	vm2 =	vmmov $0x7  }
.LBB2_1:
0x36: {  	[dreg:$0xc] =	wrdreg s5  }
0x37: {  	s2 =	rddreg [dreg:$0x8]  }
0x38: {  	[tilespmem:s3], [sflag:$0x3] =	stream.linear.gather [hbm4b:s2+s3], $0x200, $0x38;
	[tilespmem:$0x10680] =	vst v63  }
0x39: {  	_ =	swait.ge [sflag:s4], $0x200  }
0x3a: {  	[sflag:s4] =	ssyncset.done $0x0  }
0x3b: {  	s10 =	simm.s32 $0x200;
	s5 =	rddreg [dreg:$0x9];
	[sflag:s4] =	ssyncadd.s32 $0xFFFFFE00  }
0x3c: {  	[tilespmem:s10], [sflag:$0x3] =	stream.linear.gather [hbm4b:s5+s3], $0x200, $0x38;
	[tilespmem:$0x10680] =	vst v63  }
0x3d: {  	_ =	swait.ge [sflag:s4], $0x200  }
0x3e: {  	[sflag:s4] =	ssyncset.done $0x0  }
0x3f: {  	s12 =	simm.s32 $0x10600;
	s11 =	rddreg [dreg:$0x7];
	[sflag:s4] =	ssyncadd.s32 $0xFFFFFE00  }
0x40: {  	[tilespmem:s12], [sflag:$0x3] =	stream.linear.gather [hbm4b:s11+s3], $0x80, $0x38;
	[tilespmem:$0x10680] =	vst v63  }
0x41: {  	_ =	swait.ge [sflag:s4], $0x80  }
0x42: {  	[sflag:s4] =	ssyncset.done $0x0  }
0x43: {  	[sflag:s4] =	ssyncadd.s32 $0xFFFFFF80  }
0x44: {  	s30 =	simm.s32 $0x0;
	v8 =	vld [tilespmem:$0x10600]  }
.LBB2_2:
0x45: {  	s2 =	sshra.s32 s30, $0x2  }
0x46: {  	v10 =	vld [tilespmem:s2+$0x0]  }
0x47: {  	v9 =	vld [tilespmem:s2+$0x200];
	_ =	sdelay $0x3  }
0x48: {  	(v2sf) =	vpush v10, $0x0  }
0x49: {  	(v2sf) =	vpush v9, $0x0;
	_ =	sdelay $0xd  }
0x4a: {  	s4 =	spop (v2sf)  }
0x4b: {  	[dreg:$0xd] =	wrdreg s2;
	(v2sf) =	vpush v10, $0x1;
	s11 =	sand.u32 $0xFFFFF80, s4;
	s2 =	spop (v2sf)  }
0x4c: {  	(v2sf) =	vpush v9, $0x1;
	s11 =	sadd.s32 s0, s11;
	s12 =	sand.u32 $0xFFFFF80, s2  }
0x4d: {  	[tilespmem:s13], [sflag:$0x1] =	stream.linear.gather [hbm4b:s11+s3], $0x400, $0x38;
	[tilespmem:$0x10680] =	vst v63  }
0x4e: {  	s12 =	sadd.s32 s1, s12  }
0x4f: {  	[tilespmem:s14], [sflag:$0x1] =	stream.linear.gather [hbm4b:s12+s3], $0x400, $0x38;
	[tilespmem:$0x10680] =	vst v63  }
0x50: {  	s5 =	sadd.s32 $0xF4280, s11  }
0x51: {  	[tilespmem:s6], [sflag:$0x1] =	stream.linear.gather [hbm4b:s5+s3], $0x400, $0x38;
	[tilespmem:$0x10680] =	vst v63  }
0x52: {  	s10 =	sadd.s32 $0xF4280, s12  }
0x53: {  	[tilespmem:s8], [sflag:$0x1] =	stream.linear.gather [hbm4b:s10+s3], $0x400, $0x38;
	[tilespmem:$0x10680] =	vst v63  }
0x54: {  	s6 =	sadd.s32 $0x1E8500, s11  }
0x55: {  	[tilespmem:s7], [sflag:$0x1] =	stream.linear.gather [hbm4b:s6+s3], $0x400, $0x38;
	[tilespmem:$0x10680] =	vst v63  }
0x56: {  	s8 =	sadd.s32 $0x1E8500, s12  }
0x57: {  	[tilespmem:s9], [sflag:$0x1] =	stream.linear.gather [hbm4b:s8+s3], $0x400, $0x38;
	[tilespmem:$0x10680] =	vst v63  }
0x58: {  	s9 =	sadd.s32 $0x2DC780, s11  }
0x59: {  	[tilespmem:s15], [sflag:$0x1] =	stream.linear.gather [hbm4b:s9+s3], $0x400, $0x38;
	[tilespmem:$0x10680] =	vst v63  }
0x5a: {  	s11 =	spop (v2sf);
	(v2sf) =	vpush v10, $0x2  }
0x5b: {  	s10 =	sadd.s32 $0x2DC780, s12;
	s5 =	sand.u32 $0xFFFFF80, s11;
	s12 =	spop (v2sf)  }
0x5c: {  	(v2sf) =	vpush v9, $0x2;
	[tilespmem:s16], [sflag:$0x1] =	stream.linear.gather [hbm4b:s10+s3], $0x400, $0x38;
	[tilespmem:$0x10680] =	vst v63  }
0x5d: {  	s5 =	sadd.s32 s0, s5;
	s11 =	sand.u32 $0xFFFFF80, s12  }
0x5e: {  	[tilespmem:s17], [sflag:$0x1] =	stream.linear.gather [hbm4b:s5+s3], $0x400, $0x38;
	[tilespmem:$0x10680] =	vst v63  }
0x5f: {  	s11 =	sadd.s32 s1, s11  }
0x60: {  	[tilespmem:s18], [sflag:$0x1] =	stream.linear.gather [hbm4b:s11+s3], $0x400, $0x38;
	[tilespmem:$0x10680] =	vst v63  }
0x61: {  	s6 =	sadd.s32 $0xF4280, s5  }
0x62: {  	[tilespmem:s21], [sflag:$0x1] =	stream.linear.gather [hbm4b:s6+s3], $0x400, $0x38;
	[tilespmem:$0x10680] =	vst v63  }
0x63: {  	s7 =	sadd.s32 $0xF4280, s11  }
0x64: {  	[tilespmem:s22], [sflag:$0x1] =	stream.linear.gather [hbm4b:s7+s3], $0x400, $0x38;
	[tilespmem:$0x10680] =	vst v63  }
0x65: {  	s8 =	sadd.s32 $0x1E8500, s5  }
0x66: {  	[tilespmem:s23], [sflag:$0x1] =	stream.linear.gather [hbm4b:s8+s3], $0x400, $0x38;
	[tilespmem:$0x10680] =	vst v63  }
0x67: {  	s9 =	sadd.s32 $0x1E8500, s11  }
0x68: {  	[tilespmem:s24], [sflag:$0x1] =	stream.linear.gather [hbm4b:s9+s3], $0x400, $0x38;
	[tilespmem:$0x10680] =	vst v63  }
0x69: {  	s5 =	sadd.s32 $0x2DC780, s5;
	s10 =	sadd.s32 $0x2DC780, s11;
	s11 =	spop (v2sf)  }
0x6a: {  	(v2sf) =	vpush v10, $0x3;
	[tilespmem:s25], [sflag:$0x1] =	stream.linear.gather [hbm4b:s5+s3], $0x400, $0x38;
	[tilespmem:$0x10680] =	vst v63  }
0x6b: {  	s5 =	sand.u32 $0xFFFFF80, s11;
	s12 =	spop (v2sf)  }
0x6c: {  	(v2sf) =	vpush v9, $0x3;
	[tilespmem:s26], [sflag:$0x1] =	stream.linear.gather [hbm4b:s10+s3], $0x400, $0x38;
	[tilespmem:$0x10680] =	vst v63  }
0x6d: {  	s5 =	sadd.s32 s0, s5;
	s11 =	sand.u32 $0xFFFFF80, s12;
	s10 =	simm.s32 $0xC00  }
0x6e: {  	[tilespmem:s10], [sflag:$0x1] =	stream.linear.gather [hbm4b:s5+s3], $0x400, $0x38;
	[tilespmem:$0x10680] =	vst v63  }
0x6f: {  	s11 =	sadd.s32 s1, s11  }
0x70: {  	[tilespmem:s31], [sflag:$0x1] =	stream.linear.gather [hbm4b:s11+s3], $0x400, $0x38;
	[tilespmem:$0x10680] =	vst v63  }
0x71: {  	s7 =	simm.s32 $0x1C00;
	s6 =	sadd.s32 $0xF4280, s5  }
0x72: {  	[tilespmem:s7], [sflag:$0x1] =	stream.linear.gather [hbm4b:s6+s3], $0x400, $0x38;
	[tilespmem:$0x10680] =	vst v63  }
0x73: {  	s9 =	simm.s32 $0x9C00;
	s8 =	sadd.s32 $0xF4280, s11  }
0x74: {  	[tilespmem:s9], [sflag:$0x1] =	stream.linear.gather [hbm4b:s8+s3], $0x400, $0x38;
	[tilespmem:$0x10680] =	vst v63  }
0x75: {  	s6 =	sadd.s32 $0x1E8500, s5;
	s7 =	simm.s32 $0x2C00  }
0x76: {  	[tilespmem:s7], [sflag:$0x1] =	stream.linear.gather [hbm4b:s6+s3], $0x400, $0x38;
	[tilespmem:$0x10680] =	vst v63  }
0x77: {  	s12 =	simm.s32 $0x3C00;
	s8 =	sadd.s32 $0x1E8500, s11;
	s9 =	simm.s32 $0xAC00  }
0x78: {  	[tilespmem:s9], [sflag:$0x1] =	stream.linear.gather [hbm4b:s8+s3], $0x400, $0x38;
	[tilespmem:$0x10680] =	vst v63  }
0x79: {  	s5 =	sadd.s32 $0x2DC780, s5;
	s6 =	sadd.s32 $0x2DC780, s11;
	s8 =	spop (v2sf)  }
0x7a: {  	[tilespmem:s12], [sflag:$0x1] =	stream.linear.gather [hbm4b:s5+s3], $0x400, $0x38;
	[tilespmem:$0x10680] =	vst v63  }
0x7b: {  	s7 =	simm.s32 $0xBC00;
	s9 =	spop (v2sf);
	s5 =	sand.u32 $0xFFFFF80, s8  }
0x7c: {  	[tilespmem:s7], [sflag:$0x1] =	stream.linear.gather [hbm4b:s6+s3], $0x400, $0x38;
	[tilespmem:$0x10680] =	vst v63  }
0x7d: {  	s12 =	simm.s32 $0x1000;
	s11 =	sand.u32 $0xFFFFF80, s9;
	s5 =	sadd.s32 s0, s5  }
0x7e: {  	(v2sf) =	vpush v10, $0x4;
	[tilespmem:s12], [sflag:$0x1] =	stream.linear.gather [hbm4b:s5+s3], $0x400, $0x38;
	[tilespmem:$0x10680] =	vst v63  }
0x7f: {  	(v2sf) =	vpush v9, $0x4;
	s11 =	sadd.s32 s1, s11;
	s7 =	simm.s32 $0x9000  }
0x80: {  	[tilespmem:s7], [sflag:$0x1] =	stream.linear.gather [hbm4b:s11+s3], $0x400, $0x38;
	[tilespmem:$0x10680] =	vst v63  }
0x81: {  	s9 =	simm.s32 $0x2000;
	s8 =	sadd.s32 $0xF4280, s5  }
0x82: {  	[tilespmem:s9], [sflag:$0x1] =	stream.linear.gather [hbm4b:s8+s3], $0x400, $0x38;
	[tilespmem:$0x10680] =	vst v63  }
0x83: {  	s6 =	sadd.s32 $0xF4280, s11;
	s7 =	simm.s32 $0xA000  }
0x84: {  	[tilespmem:s7], [sflag:$0x1] =	stream.linear.gather [hbm4b:s6+s3], $0x400, $0x38;
	[tilespmem:$0x10680] =	vst v63  }
0x85: {  	s8 =	sadd.s32 $0x1E8500, s5;
	s9 =	simm.s32 $0x3000  }
0x86: {  	[tilespmem:s9], [sflag:$0x1] =	stream.linear.gather [hbm4b:s8+s3], $0x400, $0x38;
	[tilespmem:$0x10680] =	vst v63  }
0x87: {  	s7 =	sadd.s32 $0x1E8500, s11;
	s8 =	simm.s32 $0xB000  }
0x88: {  	[tilespmem:s8], [sflag:$0x1] =	stream.linear.gather [hbm4b:s7+s3], $0x400, $0x38;
	[tilespmem:$0x10680] =	vst v63  }
0x89: {  	s5 =	sadd.s32 $0x2DC780, s5;
	s9 =	simm.s32 $0x4000  }
0x8a: {  	[tilespmem:s9], [sflag:$0x1] =	stream.linear.gather [hbm4b:s5+s3], $0x400, $0x38;
	[tilespmem:$0x10680] =	vst v63  }
0x8b: {  	s12 =	simm.s32 $0xC000;
	s11 =	sadd.s32 $0x2DC780, s11  }
0x8c: {  	[tilespmem:s12], [sflag:$0x1] =	stream.linear.gather [hbm4b:s11+s3], $0x400, $0x38;
	[tilespmem:$0x10680] =	vst v63  }
0x8d: {  	s12 =	spop (v2sf)  }
0x8e: {  	s6 =	sand.u32 $0xFFFFF80, s12;
	s11 =	spop (v2sf)  }
0x8f: {  	s5 =	sadd.s32 s0, s6;
	s7 =	sand.u32 $0xFFFFF80, s11  }
0x90: {  	(v2sf) =	vpush v10, $0x5;
	[tilespmem:s19], [sflag:$0x2] =	stream.linear.gather [hbm4b:s5+s3], $0x400, $0x38;
	[tilespmem:$0x10680] =	vst v63  }
0x91: {  	(v2sf) =	vpush v9, $0x5;
	s6 =	sadd.s32 s1, s7  }
0x92: {  	[tilespmem:s20], [sflag:$0x2] =	stream.linear.gather [hbm4b:s6+s3], $0x400, $0x38;
	[tilespmem:$0x10680] =	vst v63  }
0x93: {  	s8 =	simm.s32 $0x5400;
	s7 =	sadd.s32 $0xF4280, s5  }
0x94: {  	[tilespmem:s8], [sflag:$0x2] =	stream.linear.gather [hbm4b:s7+s3], $0x400, $0x38;
	[tilespmem:$0x10680] =	vst v63  }
0x95: {  	s7 =	sadd.s32 $0xF4280, s6;
	s8 =	simm.s32 $0xD400  }
0x96: {  	[tilespmem:s8], [sflag:$0x2] =	stream.linear.gather [hbm4b:s7+s3], $0x400, $0x38;
	[tilespmem:$0x10680] =	vst v63  }
0x97: {  	s7 =	sadd.s32 $0x1E8500, s5;
	s8 =	simm.s32 $0x6400  }
0x98: {  	[tilespmem:s8], [sflag:$0x2] =	stream.linear.gather [hbm4b:s7+s3], $0x400, $0x38;
	[tilespmem:$0x10680] =	vst v63  }
0x99: {  	s7 =	sadd.s32 $0x1E8500, s6;
	s8 =	simm.s32 $0xE400  }
0x9a: {  	[tilespmem:s8], [sflag:$0x2] =	stream.linear.gather [hbm4b:s7+s3], $0x400, $0x38;
	[tilespmem:$0x10680] =	vst v63  }
0x9b: {  	s5 =	sadd.s32 $0x2DC780, s5;
	s8 =	simm.s32 $0x7400  }
0x9c: {  	[tilespmem:s8], [sflag:$0x2] =	stream.linear.gather [hbm4b:s5+s3], $0x400, $0x38;
	[tilespmem:$0x10680] =	vst v63  }
0x9d: {  	s7 =	sadd.s32 $0x2DC780, s6;
	s8 =	simm.s32 $0xF400  }
0x9e: {  	[tilespmem:s8], [sflag:$0x2] =	stream.linear.gather [hbm4b:s7+s3], $0x400, $0x38;
	[tilespmem:$0x10680] =	vst v63  }
0x9f: {  	s7 =	spop (v2sf)  }
0xa0: {  	s5 =	sand.u32 $0xFFFFF80, s7;
	s6 =	spop (v2sf)  }
0xa1: {  	s8 =	simm.s32 $0x4800;
	s5 =	sadd.s32 s0, s5;
	s6 =	sand.u32 $0xFFFFF80, s6  }
0xa2: {  	(v2sf) =	vpush v10, $0x6;
	[tilespmem:s8], [sflag:$0x2] =	stream.linear.gather [hbm4b:s5+s3], $0x400, $0x38;
	[tilespmem:$0x10680] =	vst v63  }
0xa3: {  	(v2sf) =	vpush v9, $0x6;
	s6 =	sadd.s32 s1, s6;
	s8 =	simm.s32 $0xC800  }
0xa4: {  	[tilespmem:s8], [sflag:$0x2] =	stream.linear.gather [hbm4b:s6+s3], $0x400, $0x38;
	[tilespmem:$0x10680] =	vst v63  }
0xa5: {  	s7 =	sadd.s32 $0xF4280, s5;
	s8 =	simm.s32 $0x5800  }
0xa6: {  	[tilespmem:s8], [sflag:$0x2] =	stream.linear.gather [hbm4b:s7+s3], $0x400, $0x38;
	[tilespmem:$0x10680] =	vst v63  }
0xa7: {  	s7 =	sadd.s32 $0xF4280, s6;
	s8 =	simm.s32 $0xD800  }
0xa8: {  	[tilespmem:s8], [sflag:$0x2] =	stream.linear.gather [hbm4b:s7+s3], $0x400, $0x38;
	[tilespmem:$0x10680] =	vst v63  }
0xa9: {  	s7 =	sadd.s32 $0x1E8500, s5;
	s8 =	simm.s32 $0x6800  }
0xaa: {  	[tilespmem:s8], [sflag:$0x2] =	stream.linear.gather [hbm4b:s7+s3], $0x400, $0x38;
	[tilespmem:$0x10680] =	vst v63  }
0xab: {  	s7 =	sadd.s32 $0x1E8500, s6;
	s8 =	simm.s32 $0xE800  }
0xac: {  	[tilespmem:s8], [sflag:$0x2] =	stream.linear.gather [hbm4b:s7+s3], $0x400, $0x38;
	[tilespmem:$0x10680] =	vst v63  }
0xad: {  	s5 =	sadd.s32 $0x2DC780, s5;
	s8 =	simm.s32 $0x7800  }
0xae: {  	[tilespmem:s8], [sflag:$0x2] =	stream.linear.gather [hbm4b:s5+s3], $0x400, $0x38;
	[tilespmem:$0x10680] =	vst v63  }
0xaf: {  	s7 =	sadd.s32 $0x2DC780, s6;
	s8 =	simm.s32 $0xF800  }
0xb0: {  	[tilespmem:s8], [sflag:$0x2] =	stream.linear.gather [hbm4b:s7+s3], $0x400, $0x38;
	[tilespmem:$0x10680] =	vst v63  }
0xb1: {  	s7 =	spop (v2sf)  }
0xb2: {  	s5 =	sand.u32 $0xFFFFF80, s7;
	s6 =	spop (v2sf)  }
0xb3: {  	s8 =	simm.s32 $0x4C00;
	s5 =	sadd.s32 s0, s5;
	s6 =	sand.u32 $0xFFFFF80, s6  }
0xb4: {  	(v2sf) =	vpush v10, $0x7;
	[tilespmem:s8], [sflag:$0x2] =	stream.linear.gather [hbm4b:s5+s3], $0x400, $0x38;
	[tilespmem:$0x10680] =	vst v63  }
0xb5: {  	(v2sf) =	vpush v9, $0x7;
	s6 =	sadd.s32 s1, s6;
	s8 =	simm.s32 $0xCC00  }
0xb6: {  	[tilespmem:s8], [sflag:$0x2] =	stream.linear.gather [hbm4b:s6+s3], $0x400, $0x38;
	[tilespmem:$0x10680] =	vst v63  }
0xb7: {  	s7 =	sadd.s32 $0xF4280, s5;
	s8 =	simm.s32 $0x5C00  }
0xb8: {  	[tilespmem:s8], [sflag:$0x2] =	stream.linear.gather [hbm4b:s7+s3], $0x400, $0x38;
	[tilespmem:$0x10680] =	vst v63  }
0xb9: {  	s7 =	sadd.s32 $0xF4280, s6;
	s8 =	simm.s32 $0xDC00  }
0xba: {  	[tilespmem:s8], [sflag:$0x2] =	stream.linear.gather [hbm4b:s7+s3], $0x400, $0x38;
	[tilespmem:$0x10680] =	vst v63  }
0xbb: {  	s7 =	sadd.s32 $0x1E8500, s5;
	s8 =	simm.s32 $0x6C00  }
0xbc: {  	[tilespmem:s8], [sflag:$0x2] =	stream.linear.gather [hbm4b:s7+s3], $0x400, $0x38;
	[tilespmem:$0x10680] =	vst v63  }
0xbd: {  	s7 =	sadd.s32 $0x1E8500, s6;
	s8 =	simm.s32 $0xEC00  }
0xbe: {  	[tilespmem:s8], [sflag:$0x2] =	stream.linear.gather [hbm4b:s7+s3], $0x400, $0x38;
	[tilespmem:$0x10680] =	vst v63  }
0xbf: {  	s5 =	sadd.s32 $0x2DC780, s5;
	s8 =	simm.s32 $0x7C00  }
0xc0: {  	[tilespmem:s8], [sflag:$0x2] =	stream.linear.gather [hbm4b:s5+s3], $0x400, $0x38;
	[tilespmem:$0x10680] =	vst v63  }
0xc1: {  	s7 =	sadd.s32 $0x2DC780, s6;
	s8 =	simm.s32 $0xFC00  }
0xc2: {  	[tilespmem:s8], [sflag:$0x2] =	stream.linear.gather [hbm4b:s7+s3], $0x400, $0x38;
	[tilespmem:$0x10680] =	vst v63  }
0xc3: {  	s7 =	spop (v2sf)  }
0xc4: {  	s5 =	sand.u32 $0xFFFFF80, s7;
	s6 =	spop (v2sf)  }
0xc5: {  	s8 =	simm.s32 $0x5000;
	s5 =	sadd.s32 s0, s5;
	s6 =	sand.u32 $0xFFFFF80, s6  }
0xc6: {  	[tilespmem:s8], [sflag:$0x2] =	stream.linear.gather [hbm4b:s5+s3], $0x400, $0x38;
	[tilespmem:$0x10680] =	vst v63  }
0xc7: {  	s6 =	sadd.s32 s1, s6;
	s8 =	simm.s32 $0xD000  }
0xc8: {  	[tilespmem:s8], [sflag:$0x2] =	stream.linear.gather [hbm4b:s6+s3], $0x400, $0x38;
	[tilespmem:$0x10680] =	vst v63  }
0xc9: {  	s7 =	sadd.s32 $0xF4280, s5;
	s8 =	simm.s32 $0x6000  }
0xca: {  	[tilespmem:s8], [sflag:$0x2] =	stream.linear.gather [hbm4b:s7+s3], $0x400, $0x38;
	[tilespmem:$0x10680] =	vst v63  }
0xcb: {  	s7 =	sadd.s32 $0xF4280, s6;
	s8 =	simm.s32 $0xE000  }
0xcc: {  	[tilespmem:s8], [sflag:$0x2] =	stream.linear.gather [hbm4b:s7+s3], $0x400, $0x38;
	[tilespmem:$0x10680] =	vst v63  }
0xcd: {  	s7 =	sadd.s32 $0x1E8500, s5;
	s8 =	simm.s32 $0x7000  }
0xce: {  	[tilespmem:s8], [sflag:$0x2] =	stream.linear.gather [hbm4b:s7+s3], $0x400, $0x38;
	[tilespmem:$0x10680] =	vst v63  }
0xcf: {  	s7 =	sadd.s32 $0x1E8500, s6;
	s8 =	simm.s32 $0xF000  }
0xd0: {  	[tilespmem:s8], [sflag:$0x2] =	stream.linear.gather [hbm4b:s7+s3], $0x400, $0x38;
	[tilespmem:$0x10680] =	vst v63  }
0xd1: {  	s5 =	sadd.s32 $0x2DC780, s5;
	s8 =	simm.s32 $0x8000  }
0xd2: {  	[tilespmem:s8], [sflag:$0x2] =	stream.linear.gather [hbm4b:s5+s3], $0x400, $0x38;
	[tilespmem:$0x10680] =	vst v63  }
0xd3: {  	s7 =	sadd.s32 $0x2DC780, s6;
	s8 =	simm.s32 $0x10000  }
0xd4: {  	[tilespmem:s8], [sflag:$0x2] =	stream.linear.gather [hbm4b:s7+s3], $0x400, $0x38;
	[tilespmem:$0x10680] =	vst v63  }
0xd5: {  	_ =	swait.ge [sflag:s28], $0x4000  }
0xd6: {  	s4 =	sand.u32 $0x7F, s4;
	[sflag:s28] =	ssyncset.done $0x0  }
0xd7: {  	v13 =	vor.u32 s4, v0;
	[sflag:s28] =	ssyncadd.s32 $0xFFFFC000  }
0xd8: {  	v11 =	vand.u32 $0x7F, v10;
	s2 =	sand.u32 $0x7F, s2;
	v14 =	vor.u32 s4, v1;
	_ =	swait.ge [sflag:s28], $0x4000  }
0xd9: {  	v16 =	vbroadcast v11, $0x1;
	v15 =	vor.u32 s2, v0;
	(v2sf) =	vpush v10, $0x8  }
0xda: {  	v12 =	vand.u32 $0x7F, v9;
	v17 =	vor.u32 s2, v1;
	[sflag:s28] =	ssyncset.done $0x0;
	(v2sf) =	vpush v9, $0x8  }
0xdb: {  	v19 =	vbroadcast v12, $0x1;
	v18 =	vor.u32 v2, v16;
	[sflag:s28] =	ssyncadd.s32 $0xFFFFC000  }
0xdc: {  	v16 =	vor.u32 v3, v16;
	v13 =	vld.idx.msk [tilespmem:v13+s13+$0x0], $0xffff  }
0xdd: {  	v21 =	vbroadcast v11, $0x2;
	v20 =	vor.u32 v2, v19;
	v14 =	vld.idx.msk [tilespmem:v14+s13+$0x0], $0xffff  }
0xde: {  	v19 =	vor.u32 v3, v19;
	v15 =	vld.idx.msk [tilespmem:v15+s14+$0x0], $0xffff  }
0xdf: {  	v23 =	vbroadcast v12, $0x2;
	v22 =	vor.u32 v4, v21;
	v17 =	vld.idx.msk [tilespmem:v17+s14+$0x0], $0xffff  }
0xe0: {  	v21 =	vor.u32 v5, v21;
	v18 =	vld.idx.msk [tilespmem:v18+s13+$0x0], $0xffff  }
0xe1: {  	v25 =	vbroadcast v11, $0x3;
	v24 =	vor.u32 v4, v23;
	v16 =	vld.idx.msk [tilespmem:v16+s13+$0x0], $0xffff  }
0xe2: {  	v23 =	vor.u32 v5, v23;
	v20 =	vld.idx.msk [tilespmem:v20+s14+$0x0], $0xffff  }
0xe3: {  	v27 =	vbroadcast v12, $0x3;
	v26 =	vor.u32 v6, v25;
	v19 =	vld.idx.msk [tilespmem:v19+s14+$0x0], $0xffff  }
0xe4: {  	v25 =	vor.u32 v7, v25;
	v22 =	vld.idx.msk [tilespmem:v22+s13+$0x0], $0xffff  }
0xe5: {  	v28 =	vor.u32 v6, v27;
	v21 =	vld.idx.msk [tilespmem:v21+s13+$0x0], $0xffff  }
0xe6: {  	v27 =	vor.u32 v7, v27;
	v24 =	vld.idx.msk [tilespmem:v24+s14+$0x0], $0xffff  }
0xe7: {  	v23 =	vld.idx.msk [tilespmem:v23+s14+$0x0], $0xffff  }
0xe8: {  	v26 =	vld.idx.msk [tilespmem:v26+s13+$0x0], $0xffff;
	s4 =	spop (v2sf)  }
0xe9: {  	v25 =	vld.idx.msk [tilespmem:v25+s13+$0x0], $0xffff;
	(v2sf) =	vpush v10, $0x9;
	s7 =	sand.u32 $0xFFFFF80, s4;
	s2 =	spop (v2sf)  }
0xea: {  	v28 =	vld.idx.msk [tilespmem:v28+s14+$0x0], $0xffff;
	s5 =	sadd.s32 s0, s7;
	s8 =	sand.u32 $0xFFFFF80, s2  }
0xeb: {  	v27 =	vld.idx.msk [tilespmem:v27+s14+$0x0], $0xffff;
	(v2sf) =	vpush v9, $0x9;
	[tilespmem:s13], [sflag:$0x1] =	stream.linear.gather [hbm4b:s5+s3], $0x400, $0x38  }
0xec: {  	s6 =	sadd.s32 s1, s8  }
0xed: {  	[tilespmem:s14], [sflag:$0x1] =	stream.linear.gather [hbm4b:s6+s3], $0x400, $0x38;
	[tilespmem:$0x10680] =	vst v63  }
0xee: {  	s7 =	sadd.s32 $0xF4280, s5;
	s8 =	simm.s32 $0x1400  }
0xef: {  	[tilespmem:s8], [sflag:$0x1] =	stream.linear.gather [hbm4b:s7+s3], $0x400, $0x38;
	[tilespmem:$0x10680] =	vst v63  }
0xf0: {  	s8 =	simm.s32 $0x9400;
	s7 =	sadd.s32 $0xF4280, s6  }
0xf1: {  	[tilespmem:s8], [sflag:$0x1] =	stream.linear.gather [hbm4b:s7+s3], $0x400, $0x38;
	[tilespmem:$0x10680] =	vst v63  }
0xf2: {  	s9 =	simm.s32 $0x2400;
	s7 =	sadd.s32 $0x1E8500, s5  }
0xf3: {  	[tilespmem:s9], [sflag:$0x1] =	stream.linear.gather [hbm4b:s7+s3], $0x400, $0x38;
	[tilespmem:$0x10680] =	vst v63  }
0xf4: {  	s9 =	simm.s32 $0xA400;
	s7 =	sadd.s32 $0x1E8500, s6  }
0xf5: {  	[tilespmem:s9], [sflag:$0x1] =	stream.linear.gather [hbm4b:s7+s3], $0x400, $0x38;
	[tilespmem:$0x10680] =	vst v63  }
0xf6: {  	s5 =	sadd.s32 $0x2DC780, s5  }
0xf7: {  	[tilespmem:s15], [sflag:$0x1] =	stream.linear.gather [hbm4b:s5+s3], $0x400, $0x38;
	[tilespmem:$0x10680] =	vst v63  }
0xf8: {  	s7 =	sadd.s32 $0x2DC780, s6;
	s6 =	spop (v2sf)  }
0xf9: {  	[tilespmem:s16], [sflag:$0x1] =	stream.linear.gather [hbm4b:s7+s3], $0x400, $0x38;
	[tilespmem:$0x10680] =	vst v63  }
0xfa: {  	(v2sf) =	vpush v10, $0xA;
	s5 =	sand.u32 $0xFFFFF80, s6;
	s7 =	spop (v2sf)  }
0xfb: {  	s5 =	sadd.s32 s0, s5;
	s6 =	sand.u32 $0xFFFFF80, s7  }
0xfc: {  	(v2sf) =	vpush v9, $0xA;
	[tilespmem:s17], [sflag:$0x1] =	stream.linear.gather [hbm4b:s5+s3], $0x400, $0x38;
	[tilespmem:$0x10680] =	vst v63  }
0xfd: {  	s6 =	sadd.s32 s1, s6  }
0xfe: {  	[tilespmem:s18], [sflag:$0x1] =	stream.linear.gather [hbm4b:s6+s3], $0x400, $0x38;
	[tilespmem:$0x10680] =	vst v63  }
0xff: {  	s7 =	sadd.s32 $0xF4280, s5  }
0x100: {  	[tilespmem:s21], [sflag:$0x1] =	stream.linear.gather [hbm4b:s7+s3], $0x400, $0x38;
	[tilespmem:$0x10680] =	vst v63  }
0x101: {  	s7 =	sadd.s32 $0xF4280, s6  }
0x102: {  	[tilespmem:s22], [sflag:$0x1] =	stream.linear.gather [hbm4b:s7+s3], $0x400, $0x38;
	[tilespmem:$0x10680] =	vst v63  }
0x103: {  	s7 =	sadd.s32 $0x1E8500, s5  }
0x104: {  	[tilespmem:s23], [sflag:$0x1] =	stream.linear.gather [hbm4b:s7+s3], $0x400, $0x38;
	[tilespmem:$0x10680] =	vst v63  }
0x105: {  	s7 =	sadd.s32 $0x1E8500, s6  }
0x106: {  	[tilespmem:s24], [sflag:$0x1] =	stream.linear.gather [hbm4b:s7+s3], $0x400, $0x38;
	[tilespmem:$0x10680] =	vst v63  }
0x107: {  	s5 =	sadd.s32 $0x2DC780, s5  }
0x108: {  	[tilespmem:s25], [sflag:$0x1] =	stream.linear.gather [hbm4b:s5+s3], $0x400, $0x38;
	[tilespmem:$0x10680] =	vst v63  }
0x109: {  	s7 =	sadd.s32 $0x2DC780, s6;
	s6 =	spop (v2sf)  }
0x10a: {  	[tilespmem:s26], [sflag:$0x1] =	stream.linear.gather [hbm4b:s7+s3], $0x400, $0x38;
	[tilespmem:$0x10680] =	vst v63  }
0x10b: {  	s5 =	sand.u32 $0xFFFFF80, s6;
	s7 =	spop (v2sf)  }
0x10c: {  	s5 =	sadd.s32 s0, s5;
	s6 =	sand.u32 $0xFFFFF80, s7  }
0x10d: {  	(v2sf) =	vpush v10, $0xB;
	[tilespmem:s10], [sflag:$0x1] =	stream.linear.gather [hbm4b:s5+s3], $0x400, $0x38;
	[tilespmem:$0x10680] =	vst v63  }
0x10e: {  	(v2sf) =	vpush v9, $0xB;
	s6 =	sadd.s32 s1, s6  }
0x10f: {  	[tilespmem:s31], [sflag:$0x1] =	stream.linear.gather [hbm4b:s6+s3], $0x400, $0x38;
	[tilespmem:$0x10680] =	vst v63  }
0x110: {  	s7 =	sadd.s32 $0xF4280, s5;
	s10 =	simm.s32 $0x1C00  }
0x111: {  	[tilespmem:s10], [sflag:$0x1] =	stream.linear.gather [hbm4b:s7+s3], $0x400, $0x38;
	[tilespmem:$0x10680] =	vst v63  }
0x112: {  	s7 =	sadd.s32 $0xF4280, s6;
	s10 =	simm.s32 $0x9C00  }
0x113: {  	[tilespmem:s10], [sflag:$0x1] =	stream.linear.gather [hbm4b:s7+s3], $0x400, $0x38;
	[tilespmem:$0x10680] =	vst v63  }
0x114: {  	s7 =	sadd.s32 $0x1E8500, s5;
	s10 =	simm.s32 $0x2C00  }
0x115: {  	[tilespmem:s10], [sflag:$0x1] =	stream.linear.gather [hbm4b:s7+s3], $0x400, $0x38;
	[tilespmem:$0x10680] =	vst v63  }
0x116: {  	s7 =	sadd.s32 $0x1E8500, s6;
	s10 =	simm.s32 $0xAC00  }
0x117: {  	[tilespmem:s10], [sflag:$0x1] =	stream.linear.gather [hbm4b:s7+s3], $0x400, $0x38;
	[tilespmem:$0x10680] =	vst v63  }
0x118: {  	s5 =	sadd.s32 $0x2DC780, s5;
	s10 =	simm.s32 $0x3C00  }
0x119: {  	v13 =	vmul.f32 v15, v13;
	v14 =	vmul.f32 v17, v14;
	[tilespmem:s10], [sflag:$0x1] =	stream.linear.gather [hbm4b:s5+s3], $0x400, $0x38;
	[tilespmem:$0x10680] =	vst v63  }
0x11a: {  	v43 =	vmul.f32 v20, v18;
	v44 =	vmul.f32 v19, v16;
	s7 =	sadd.s32 $0x2DC780, s6;
	s10 =	simm.s32 $0xBC00  }
0x11b: {  	v13 =	vadd.f32 v14, v13;
	[tilespmem:s10], [sflag:$0x1] =	stream.linear.gather [hbm4b:s7+s3], $0x400, $0x38;
	[tilespmem:$0x10680] =	vst v63  }
0x11c: {  	v45 =	vmul.f32 v24, v22;
	v46 =	vmul.f32 v23, v21;
	v47 =	vadd.f32 v44, v43;
	s7 =	spop (v2sf)  }
0x11d: {  	(xrf2) =	vadd.scan.msk.f32 $0xffff, v13;
	s5 =	sand.u32 $0xFFFFF80, s7;
	s6 =	spop (v2sf)  }
0x11e: {  	v49 =	vmul.f32 v28, v26;
	v50 =	vmul.f32 v27, v25;
	v48 =	vadd.f32 v46, v45;
	(xrf2) =	vadd.scan.msk.f32 $0xffff, v47;
	s10 =	simm.s32 $0x1000;
	s5 =	sadd.s32 s0, s5;
	s6 =	sand.u32 $0xFFFFF80, s6  }
0x11f: {  	[tilespmem:s10], [sflag:$0x1] =	stream.linear.gather [hbm4b:s5+s3], $0x400, $0x38;
	[tilespmem:$0x10680] =	vst v63  }
0x120: {  	v51 =	vadd.f32 v50, v49;
	(xrf2) =	vadd.scan.msk.f32 $0xffff, v48;
	s6 =	sadd.s32 s1, s6;
	s10 =	simm.s32 $0x9000  }
0x121: {  	[tilespmem:s10], [sflag:$0x1] =	stream.linear.gather [hbm4b:s6+s3], $0x400, $0x38;
	[tilespmem:$0x10680] =	vst v63  }
0x122: {  	(xrf2) =	vadd.scan.msk.f32 $0xffff, v51;
	s7 =	sadd.s32 $0xF4280, s5;
	s10 =	simm.s32 $0x2000  }
0x123: {  	[tilespmem:s10], [sflag:$0x1] =	stream.linear.gather [hbm4b:s7+s3], $0x400, $0x38;
	[tilespmem:$0x10680] =	vst v63  }
0x124: {  	s7 =	sadd.s32 $0xF4280, s6;
	s10 =	simm.s32 $0xA000  }
0x125: {  	[tilespmem:s10], [sflag:$0x1] =	stream.linear.gather [hbm4b:s7+s3], $0x400, $0x38;
	[tilespmem:$0x10680] =	vst v63  }
0x126: {  	s7 =	sadd.s32 $0x1E8500, s5;
	s10 =	simm.s32 $0x3000  }
0x127: {  	[tilespmem:s10], [sflag:$0x1] =	stream.linear.gather [hbm4b:s7+s3], $0x400, $0x38;
	[tilespmem:$0x10680] =	vst v63  }
0x128: {  	s7 =	sadd.s32 $0x1E8500, s6;
	s10 =	simm.s32 $0xB000  }
0x129: {  	[tilespmem:s10], [sflag:$0x1] =	stream.linear.gather [hbm4b:s7+s3], $0x400, $0x38;
	[tilespmem:$0x10680] =	vst v63  }
0x12a: {  	v14, _, _ =	vpop (xrf2);
	s5 =	sadd.s32 $0x2DC780, s5;
	s10 =	simm.s32 $0x4000  }
0x12b: {  	v16, _, _ =	vpop (xrf2);
	[tilespmem:s10], [sflag:$0x1] =	stream.linear.gather [hbm4b:s5+s3], $0x400, $0x38;
	[tilespmem:$0x10680] =	vst v63  }
0x12c: {  	v15, _, _ =	vpop (xrf2);
	s6 =	sadd.s32 $0x2DC780, s6;
	s7 =	simm.s32 $0xC000  }
0x12d: {  	v13, _, _ =	vpop (xrf2);
	[tilespmem:s7], [sflag:$0x1] =	stream.linear.gather [hbm4b:s6+s3], $0x400, $0x38;
	[tilespmem:$0x10680] =	vst v63  }
0x12e: {  	_ =	swait.ge [sflag:s29], $0x4000  }
0x12f: {  	s10 =	sand.u32 $0x7F, s12;
	[sflag:s29] =	ssyncset.done $0x0  }
0x130: {  	v52 =	vor.u32 s10, v0;
	[sflag:s29] =	ssyncadd.s32 $0xFFFFC000  }
0x131: {  	s12 =	sand.u32 $0x7F, s11;
	v53 =	vor.u32 s10, v1;
	_ =	swait.ge [sflag:s29], $0x4000  }
0x132: {  	v55 =	vbroadcast v11, $0x5;
	v54 =	vor.u32 s12, v0;
	(v2sf) =	vpush v10, $0xC  }
0x133: {  	v56 =	vor.u32 s12, v1;
	[sflag:s29] =	ssyncset.done $0x0;
	(v2sf) =	vpush v9, $0xC  }
0x134: {  	v58 =	vbroadcast v12, $0x5;
	v57 =	vor.u32 v2, v55;
	[sflag:s29] =	ssyncadd.s32 $0xFFFFC000  }
0x135: {  	v20 =	vor.u32 v3, v55;
	v17 =	vld.idx.msk [tilespmem:v52+s19+$0x0], $0xffff  }
0x136: {  	v60 =	vbroadcast v11, $0x6;
	v59 =	vor.u32 v2, v58;
	v18 =	vld.idx.msk [tilespmem:v53+s19+$0x0], $0xffff  }
0x137: {  	v23 =	vor.u32 v3, v58;
	v19 =	vld.idx.msk [tilespmem:v54+s20+$0x0], $0xffff  }
0x138: {  	v62 =	vbroadcast v12, $0x6;
	v61 =	vor.u32 v4, v60;
	v21 =	vld.idx.msk [tilespmem:v56+s20+$0x0], $0xffff  }
0x139: {  	v25 =	vor.u32 v5, v60;
	v22 =	vld.idx.msk [tilespmem:v57+s19+$0x0], $0xffff  }
0x13a: {  	v29 =	vbroadcast v11, $0x7;
	v63 =	vor.u32 v4, v62;
	v20 =	vld.idx.msk [tilespmem:v20+s19+$0x0], $0xffff  }
0x13b: {  	v27 =	vor.u32 v5, v62;
	v24 =	vld.idx.msk [tilespmem:v59+s20+$0x0], $0xffff  }
0x13c: {  	v31 =	vbroadcast v12, $0x7;
	v30 =	vor.u32 v6, v29;
	v23 =	vld.idx.msk [tilespmem:v23+s20+$0x0], $0xffff  }
0x13d: {  	v29 =	vor.u32 v7, v29;
	v26 =	vld.idx.msk [tilespmem:v61+s19+$0x0], $0xffff  }
0x13e: {  	v32 =	vor.u32 v6, v31;
	v25 =	vld.idx.msk [tilespmem:v25+s19+$0x0], $0xffff  }
0x13f: {  	v31 =	vor.u32 v7, v31;
	v28 =	vld.idx.msk [tilespmem:v63+s20+$0x0], $0xffff  }
0x140: {  	v27 =	vld.idx.msk [tilespmem:v27+s20+$0x0], $0xffff  }
0x141: {  	v30 =	vld.idx.msk [tilespmem:v30+s19+$0x0], $0xffff;
	s12 =	spop (v2sf)  }
0x142: {  	v29 =	vld.idx.msk [tilespmem:v29+s19+$0x0], $0xffff;
	s6 =	sand.u32 $0xFFFFF80, s12;
	s11 =	spop (v2sf)  }
0x143: {  	v32 =	vld.idx.msk [tilespmem:v32+s20+$0x0], $0xffff;
	s5 =	sadd.s32 s0, s6;
	s7 =	sand.u32 $0xFFFFF80, s11  }
0x144: {  	v31 =	vld.idx.msk [tilespmem:v31+s20+$0x0], $0xffff;
	(v2sf) =	vpush v10, $0xD;
	[tilespmem:s19], [sflag:$0x2] =	stream.linear.gather [hbm4b:s5+s3], $0x400, $0x38  }
0x145: {  	(v2sf) =	vpush v9, $0xD;
	s6 =	sadd.s32 s1, s7  }
0x146: {  	[tilespmem:s20], [sflag:$0x2] =	stream.linear.gather [hbm4b:s6+s3], $0x400, $0x38;
	[tilespmem:$0x10680] =	vst v63  }
0x147: {  	s10 =	simm.s32 $0x5400;
	s7 =	sadd.s32 $0xF4280, s5  }
0x148: {  	[tilespmem:s10], [sflag:$0x2] =	stream.linear.gather [hbm4b:s7+s3], $0x400, $0x38;
	[tilespmem:$0x10680] =	vst v63  }
0x149: {  	s7 =	sadd.s32 $0xF4280, s6;
	s10 =	simm.s32 $0xD400  }
0x14a: {  	[tilespmem:s10], [sflag:$0x2] =	stream.linear.gather [hbm4b:s7+s3], $0x400, $0x38;
	[tilespmem:$0x10680] =	vst v63  }
0x14b: {  	s7 =	sadd.s32 $0x1E8500, s5;
	s10 =	simm.s32 $0x6400  }
0x14c: {  	[tilespmem:s10], [sflag:$0x2] =	stream.linear.gather [hbm4b:s7+s3], $0x400, $0x38;
	[tilespmem:$0x10680] =	vst v63  }
0x14d: {  	s7 =	sadd.s32 $0x1E8500, s6;
	s10 =	simm.s32 $0xE400  }
0x14e: {  	[tilespmem:s10], [sflag:$0x2] =	stream.linear.gather [hbm4b:s7+s3], $0x400, $0x38;
	[tilespmem:$0x10680] =	vst v63  }
0x14f: {  	s5 =	sadd.s32 $0x2DC780, s5;
	s10 =	simm.s32 $0x7400  }
0x150: {  	[tilespmem:s10], [sflag:$0x2] =	stream.linear.gather [hbm4b:s5+s3], $0x400, $0x38;
	[tilespmem:$0x10680] =	vst v63  }
0x151: {  	s7 =	sadd.s32 $0x2DC780, s6;
	s10 =	simm.s32 $0xF400  }
0x152: {  	[tilespmem:s10], [sflag:$0x2] =	stream.linear.gather [hbm4b:s7+s3], $0x400, $0x38;
	[tilespmem:$0x10680] =	vst v63  }
0x153: {  	s7 =	spop (v2sf)  }
0x154: {  	s5 =	sand.u32 $0xFFFFF80, s7;
	s6 =	spop (v2sf)  }
0x155: {  	s10 =	simm.s32 $0x4800;
	s5 =	sadd.s32 s0, s5;
	s6 =	sand.u32 $0xFFFFF80, s6  }
0x156: {  	(v2sf) =	vpush v10, $0xE;
	[tilespmem:s10], [sflag:$0x2] =	stream.linear.gather [hbm4b:s5+s3], $0x400, $0x38;
	[tilespmem:$0x10680] =	vst v63  }
0x157: {  	(v2sf) =	vpush v9, $0xE;
	s6 =	sadd.s32 s1, s6;
	s10 =	simm.s32 $0xC800  }
0x158: {  	[tilespmem:s10], [sflag:$0x2] =	stream.linear.gather [hbm4b:s6+s3], $0x400, $0x38;
	[tilespmem:$0x10680] =	vst v63  }
0x159: {  	s7 =	sadd.s32 $0xF4280, s5;
	s10 =	simm.s32 $0x5800  }
0x15a: {  	[tilespmem:s10], [sflag:$0x2] =	stream.linear.gather [hbm4b:s7+s3], $0x400, $0x38;
	[tilespmem:$0x10680] =	vst v63  }
0x15b: {  	s7 =	sadd.s32 $0xF4280, s6;
	s10 =	simm.s32 $0xD800  }
0x15c: {  	[tilespmem:s10], [sflag:$0x2] =	stream.linear.gather [hbm4b:s7+s3], $0x400, $0x38;
	[tilespmem:$0x10680] =	vst v63  }
0x15d: {  	s7 =	sadd.s32 $0x1E8500, s5;
	s10 =	simm.s32 $0x6800  }
0x15e: {  	[tilespmem:s10], [sflag:$0x2] =	stream.linear.gather [hbm4b:s7+s3], $0x400, $0x38;
	[tilespmem:$0x10680] =	vst v63  }
0x15f: {  	s7 =	sadd.s32 $0x1E8500, s6;
	s10 =	simm.s32 $0xE800  }
0x160: {  	[tilespmem:s10], [sflag:$0x2] =	stream.linear.gather [hbm4b:s7+s3], $0x400, $0x38;
	[tilespmem:$0x10680] =	vst v63  }
0x161: {  	s5 =	sadd.s32 $0x2DC780, s5;
	s10 =	simm.s32 $0x7800  }
0x162: {  	[tilespmem:s10], [sflag:$0x2] =	stream.linear.gather [hbm4b:s5+s3], $0x400, $0x38;
	[tilespmem:$0x10680] =	vst v63  }
0x163: {  	s7 =	sadd.s32 $0x2DC780, s6;
	s10 =	simm.s32 $0xF800  }
0x164: {  	[tilespmem:s10], [sflag:$0x2] =	stream.linear.gather [hbm4b:s7+s3], $0x400, $0x38;
	[tilespmem:$0x10680] =	vst v63  }
0x165: {  	s7 =	spop (v2sf)  }
0x166: {  	(v2sf) =	vpush v10, $0xF;
	s5 =	sand.u32 $0xFFFFF80, s7;
	s6 =	spop (v2sf)  }
0x167: {  	s10 =	simm.s32 $0x4C00;
	s5 =	sadd.s32 s0, s5;
	s6 =	sand.u32 $0xFFFFF80, s6  }
0x168: {  	(v2sf) =	vpush v9, $0xF;
	[tilespmem:s10], [sflag:$0x2] =	stream.linear.gather [hbm4b:s5+s3], $0x400, $0x38;
	[tilespmem:$0x10680] =	vst v63  }
0x169: {  	s6 =	sadd.s32 s1, s6;
	s10 =	simm.s32 $0xCC00  }
0x16a: {  	[tilespmem:s10], [sflag:$0x2] =	stream.linear.gather [hbm4b:s6+s3], $0x400, $0x38;
	[tilespmem:$0x10680] =	vst v63  }
0x16b: {  	s7 =	sadd.s32 $0xF4280, s5;
	s10 =	simm.s32 $0x5C00  }
0x16c: {  	[tilespmem:s10], [sflag:$0x2] =	stream.linear.gather [hbm4b:s7+s3], $0x400, $0x38;
	[tilespmem:$0x10680] =	vst v63  }
0x16d: {  	s7 =	sadd.s32 $0xF4280, s6;
	s10 =	simm.s32 $0xDC00  }
0x16e: {  	[tilespmem:s10], [sflag:$0x2] =	stream.linear.gather [hbm4b:s7+s3], $0x400, $0x38;
	[tilespmem:$0x10680] =	vst v63  }
0x16f: {  	s7 =	sadd.s32 $0x1E8500, s5;
	s10 =	simm.s32 $0x6C00  }
0x170: {  	[tilespmem:s10], [sflag:$0x2] =	stream.linear.gather [hbm4b:s7+s3], $0x400, $0x38;
	[tilespmem:$0x10680] =	vst v63  }
0x171: {  	v10 =	vmul.f32 v21, v18;
	v9 =	vmul.f32 v19, v17;
	s7 =	sadd.s32 $0x1E8500, s6;
	s10 =	simm.s32 $0xEC00  }
0x172: {  	[tilespmem:s10], [sflag:$0x2] =	stream.linear.gather [hbm4b:s7+s3], $0x400, $0x38;
	[tilespmem:$0x10680] =	vst v63  }
0x173: {  	v9 =	vadd.f32 v10, v9;
	s5 =	sadd.s32 $0x2DC780, s5;
	s10 =	simm.s32 $0x7C00  }
0x174: {  	v36 =	vmul.f32 v23, v20;
	v10 =	vmul.f32 v24, v22;
	[tilespmem:s10], [sflag:$0x2] =	stream.linear.gather [hbm4b:s5+s3], $0x400, $0x38;
	[tilespmem:$0x10680] =	vst v63  }
0x175: {  	(xrf2) =	vadd.scan.msk.f32 $0xffff, v9;
	s6 =	sadd.s32 $0x2DC780, s6;
	s5 =	spop (v2sf);
	s10 =	simm.s32 $0xFC00  }
0x176: {  	v37 =	vmul.f32 v28, v26;
	v38 =	vmul.f32 v27, v25;
	v9 =	vadd.f32 v36, v10;
	[tilespmem:s10], [sflag:$0x2] =	stream.linear.gather [hbm4b:s6+s3], $0x400, $0x38;
	[tilespmem:$0x10680] =	vst v63  }
0x177: {  	s5 =	sand.u32 $0xFFFFF80, s5;
	s6 =	spop (v2sf)  }
0x178: {  	v39 =	vmul.f32 v32, v30;
	v40 =	vmul.f32 v31, v29;
	v10 =	vadd.f32 v38, v37;
	(xrf2) =	vadd.scan.msk.f32 $0xffff, v9;
	s5 =	sadd.s32 s0, s5;
	s10 =	simm.s32 $0x5000;
	s6 =	sand.u32 $0xFFFFF80, s6  }
0x179: {  	[tilespmem:s10], [sflag:$0x2] =	stream.linear.gather [hbm4b:s5+s3], $0x400, $0x38;
	[tilespmem:$0x10680] =	vst v63  }
0x17a: {  	v9 =	vadd.f32 v40, v39;
	(xrf2) =	vadd.scan.msk.f32 $0xffff, v10;
	s6 =	sadd.s32 s1, s6;
	s10 =	simm.s32 $0xD000  }
0x17b: {  	[tilespmem:s10], [sflag:$0x2] =	stream.linear.gather [hbm4b:s6+s3], $0x400, $0x38;
	[tilespmem:$0x10680] =	vst v63  }
0x17c: {  	(xrf2) =	vadd.scan.msk.f32 $0xffff, v9;
	s7 =	sadd.s32 $0xF4280, s5;
	s10 =	simm.s32 $0x6000  }
0x17d: {  	[tilespmem:s10], [sflag:$0x2] =	stream.linear.gather [hbm4b:s7+s3], $0x400, $0x38;
	[tilespmem:$0x10680] =	vst v63  }
0x17e: {  	s7 =	sadd.s32 $0xF4280, s6;
	s10 =	simm.s32 $0xE000  }
0x17f: {  	[tilespmem:s10], [sflag:$0x2] =	stream.linear.gather [hbm4b:s7+s3], $0x400, $0x38;
	[tilespmem:$0x10680] =	vst v63  }
0x180: {  	s7 =	sadd.s32 $0x1E8500, s5;
	s10 =	simm.s32 $0x7000  }
0x181: {  	[tilespmem:s10], [sflag:$0x2] =	stream.linear.gather [hbm4b:s7+s3], $0x400, $0x38;
	[tilespmem:$0x10680] =	vst v63  }
0x182: {  	s7 =	sadd.s32 $0x1E8500, s6;
	s10 =	simm.s32 $0xF000  }
0x183: {  	[tilespmem:s10], [sflag:$0x2] =	stream.linear.gather [hbm4b:s7+s3], $0x400, $0x38;
	[tilespmem:$0x10680] =	vst v63  }
0x184: {  	v9, _, _ =	vpop (xrf2);
	s5 =	sadd.s32 $0x2DC780, s5;
	s10 =	simm.s32 $0x8000  }
0x185: {  	v18, _, _ =	vpop (xrf2);
	[tilespmem:s10], [sflag:$0x2] =	stream.linear.gather [hbm4b:s5+s3], $0x400, $0x38;
	[tilespmem:$0x10680] =	vst v63  }
0x186: {  	v10, _, _ =	vpop (xrf2);
	s5 =	sadd.s32 $0x2DC780, s6;
	s10 =	simm.s32 $0x10000  }
0x187: {  	v17, _, _ =	vpop (xrf2);
	[tilespmem:s10], [sflag:$0x2] =	stream.linear.gather [hbm4b:s5+s3], $0x400, $0x38;
	[tilespmem:$0x10680] =	vst v63  }
0x188: {  	s4 =	sand.u32 $0x7F, s4;
	_ =	swait.ge [sflag:s28], $0x4000  }
0x189: {  	v41 =	vor.u32 s4, v0;
	[sflag:s28] =	ssyncset.done $0x0  }
0x18a: {  	v42 =	vor.u32 s4, v1;
	s2 =	sand.u32 $0x7F, s2;
	[sflag:s28] =	ssyncadd.s32 $0xFFFFC000  }
0x18b: {  	v44 =	vbroadcast v11, $0x9;
	v43 =	vor.u32 s2, v0;
	_ =	swait.ge [sflag:s28], $0x4000  }
0x18c: {  	v45 =	vor.u32 s2, v1;
	[sflag:s28] =	ssyncset.done $0x0  }
0x18d: {  	v46 =	vor.u32 v2, v44;
	v47 =	vbroadcast v12, $0x9;
	[sflag:s28] =	ssyncadd.s32 $0xFFFFC000  }
0x18e: {  	v22 =	vor.u32 v3, v44;
	v19 =	vld.idx.msk [tilespmem:v41+s13+$0x0], $0xffff  }
0x18f: {  	v49 =	vbroadcast v11, $0xA;
	v48 =	vor.u32 v2, v47;
	v20 =	vld.idx.msk [tilespmem:v42+s13+$0x0], $0xffff  }
0x190: {  	v25 =	vor.u32 v3, v47;
	v21 =	vld.idx.msk [tilespmem:v43+s14+$0x0], $0xffff  }
0x191: {  	v50 =	vor.u32 v4, v49;
	v51 =	vbroadcast v12, $0xA;
	v23 =	vld.idx.msk [tilespmem:v45+s14+$0x0], $0xffff  }
0x192: {  	v27 =	vor.u32 v5, v49;
	v24 =	vld.idx.msk [tilespmem:v46+s13+$0x0], $0xffff  }
0x193: {  	v52 =	vor.u32 v4, v51;
	v53 =	vbroadcast v11, $0xB;
	v22 =	vld.idx.msk [tilespmem:v22+s13+$0x0], $0xffff  }
0x194: {  	v29 =	vor.u32 v5, v51;
	v26 =	vld.idx.msk [tilespmem:v48+s14+$0x0], $0xffff  }
0x195: {  	v33 =	vbroadcast v12, $0xB;
	v54 =	vor.u32 v6, v53;
	v25 =	vld.idx.msk [tilespmem:v25+s14+$0x0], $0xffff  }
0x196: {  	v31 =	vor.u32 v7, v53;
	v28 =	vld.idx.msk [tilespmem:v50+s13+$0x0], $0xffff  }
0x197: {  	v34 =	vor.u32 v6, v33;
	v27 =	vld.idx.msk [tilespmem:v27+s13+$0x0], $0xffff  }
0x198: {  	v33 =	vor.u32 v7, v33;
	v30 =	vld.idx.msk [tilespmem:v52+s14+$0x0], $0xffff  }
0x199: {  	v29 =	vld.idx.msk [tilespmem:v29+s14+$0x0], $0xffff  }
0x19a: {  	v32 =	vld.idx.msk [tilespmem:v54+s13+$0x0], $0xffff  }
0x19b: {  	v31 =	vld.idx.msk [tilespmem:v31+s13+$0x0], $0xffff  }
0x19c: {  	v34 =	vld.idx.msk [tilespmem:v34+s14+$0x0], $0xffff  }
0x19d: {  	v33 =	vld.idx.msk [tilespmem:v33+s14+$0x0], $0xffff;
	_ =	sdelay $0x1  }
0x19e: {  	v19 =	vmul.f32 v21, v19;
	v20 =	vmul.f32 v23, v20  }
0x19f: {  	v55 =	vmul.f32 v26, v24;
	v22 =	vmul.f32 v25, v22  }
0x1a0: {  	v56 =	vmul.f32 v30, v28;
	v57 =	vmul.f32 v29, v27;
	v19 =	vadd.f32 v20, v19  }
0x1a1: {  	v58 =	vmul.f32 v34, v32;
	v59 =	vmul.f32 v33, v31;
	v21 =	vadd.f32 v22, v55  }
0x1a2: {  	v60 =	vadd.f32 v57, v56;
	(xrf2) =	vadd.scan.msk.f32 $0xffff, v19  }
0x1a3: {  	v61 =	vadd.f32 v59, v58;
	(xrf2) =	vadd.scan.msk.f32 $0xffff, v21  }
0x1a4: {  	(xrf2) =	vadd.scan.msk.f32 $0xffff, v60  }
0x1a5: {  	(xrf2) =	vadd.scan.msk.f32 $0xffff, v61;
	_ =	sdelay $0x6  }
0x1a6: {  	v62, _, _ =	vpop (xrf2)  }
0x1a7: {  	v63, _, _ =	vpop (xrf2)  }
0x1a8: {  	v40, _, _ =	vpop (xrf2)  }
0x1a9: {  	v41, _, _ =	vpop (xrf2)  }
0x1aa: {  	s10 =	sand.u32 $0x7F, s12;
	_ =	swait.ge [sflag:s29], $0x4000  }
0x1ab: {  	v42 =	vor.u32 s10, v0;
	[sflag:s29] =	ssyncset.done $0x0  }
0x1ac: {  	s11 =	sand.u32 $0x7F, s11;
	v43 =	vor.u32 s10, v1;
	[sflag:s29] =	ssyncadd.s32 $0xFFFFC000  }
0x1ad: {  	v44 =	vor.u32 s11, v0;
	v45 =	vbroadcast v11, $0xD;
	_ =	swait.ge [sflag:s29], $0x4000  }
0x1ae: {  	v46 =	vor.u32 s11, v1;
	[sflag:s29] =	ssyncset.done $0x0  }
0x1af: {  	v48 =	vbroadcast v12, $0xD;
	v47 =	vor.u32 v2, v45;
	[sflag:s29] =	ssyncadd.s32 $0xFFFFC000  }
0x1b0: {  	v26 =	vor.u32 v3, v45;
	v23 =	vld.idx.msk [tilespmem:v42+s19+$0x0], $0xffff  }
0x1b1: {  	v50 =	vbroadcast v11, $0xE;
	v49 =	vor.u32 v2, v48;
	v24 =	vld.idx.msk [tilespmem:v43+s19+$0x0], $0xffff  }
0x1b2: {  	v29 =	vor.u32 v3, v48;
	v25 =	vld.idx.msk [tilespmem:v44+s20+$0x0], $0xffff  }
0x1b3: {  	v52 =	vbroadcast v12, $0xE;
	v51 =	vor.u32 v4, v50;
	v27 =	vld.idx.msk [tilespmem:v46+s20+$0x0], $0xffff  }
0x1b4: {  	v31 =	vor.u32 v5, v50;
	v28 =	vld.idx.msk [tilespmem:v47+s19+$0x0], $0xffff  }
0x1b5: {  	v11 =	vbroadcast v11, $0xF;
	v53 =	vor.u32 v4, v52;
	v26 =	vld.idx.msk [tilespmem:v26+s19+$0x0], $0xffff  }
0x1b6: {  	v12 =	vbroadcast v12, $0xF;
	v33 =	vor.u32 v5, v52;
	v30 =	vld.idx.msk [tilespmem:v49+s20+$0x0], $0xffff  }
0x1b7: {  	v35 =	vor.u32 v6, v11;
	v29 =	vld.idx.msk [tilespmem:v29+s20+$0x0], $0xffff  }
0x1b8: {  	v36 =	vor.u32 v6, v12;
	v32 =	vld.idx.msk [tilespmem:v51+s19+$0x0], $0xffff  }
0x1b9: {  	v11 =	vor.u32 v7, v11;
	v31 =	vld.idx.msk [tilespmem:v31+s19+$0x0], $0xffff  }
0x1ba: {  	v12 =	vor.u32 v7, v12;
	v34 =	vld.idx.msk [tilespmem:v53+s20+$0x0], $0xffff  }
0x1bb: {  	v33 =	vld.idx.msk [tilespmem:v33+s20+$0x0], $0xffff  }
0x1bc: {  	v35 =	vld.idx.msk [tilespmem:v35+s19+$0x0], $0xffff  }
0x1bd: {  	v36 =	vld.idx.msk [tilespmem:v36+s20+$0x0], $0xffff  }
0x1be: {  	v11 =	vld.idx.msk [tilespmem:v11+s19+$0x0], $0xffff;
	v23 =	vmul.f32 v25, v23;
	v24 =	vmul.f32 v27, v24  }
0x1bf: {  	v12 =	vld.idx.msk [tilespmem:v12+s20+$0x0], $0xffff;
	v54 =	vmul.f32 v30, v28;
	v26 =	vmul.f32 v29, v26  }
0x1c0: {  	v55 =	vmul.f32 v34, v32;
	v56 =	vmul.f32 v33, v31;
	v23 =	vadd.f32 v24, v23  }
0x1c1: {  	v25 =	vadd.f32 v26, v54  }
0x1c2: {  	v14 =	vbroadcast v14, $0xF;
	v16 =	vbroadcast v16, $0xF;
	v58 =	vadd.f32 v56, v55;
	(xrf2) =	vadd.scan.msk.f32 $0xffff, v23  }
0x1c3: {  	v13 =	vbroadcast v13, $0xF;
	v59 =	vbroadcast v15, $0xF;
	(xrf2) =	vadd.scan.msk.f32 $0xffff, v25  }
0x1c4: {  	v14 =	vsel vm0, v14, v16;
	v57 =	vmul.f32 v36, v35;
	v11 =	vmul.f32 v12, v11;
	(xrf2) =	vadd.scan.msk.f32 $0xffff, v58  }
0x1c5: {  	v9 =	vbroadcast v9, $0xF;
	v12 =	vsel vm1, v14, v59  }
0x1c6: {  	v60 =	vbroadcast v18, $0xF;
	v12 =	vsel vm2, v12, v13;
	v11 =	vadd.f32 v11, v57  }
0x1c7: {  	v10 =	vbroadcast v10, $0xF;
	v9 =	vsel vm3, v12, v9  }
0x1c8: {  	v9 =	vsel vm4, v9, v60;
	(xrf2) =	vadd.scan.msk.f32 $0xffff, v11;
	v11 =	vbroadcast v17, $0xF  }
0x1c9: {  	v9 =	vsel vm5, v9, v10;
	v10 =	vbroadcast v62, $0xF  }
0x1ca: {  	v9 =	vsel vm6, v9, v11;
	v11 =	vbroadcast v63, $0xF  }
0x1cb: {  	v9 =	vsel vm7, v9, v10;
	v10 =	vbroadcast v40, $0xF  }
0x1cc: {  	v9 =	vsel vm8, v9, v11;
	v11 =	vbroadcast v41, $0xF;
	v61, _, _ =	vpop (xrf2)  }
0x1cd: {  	v9 =	vsel vm9, v9, v10;
	v62, _, _ =	vpop (xrf2);
	v10 =	vbroadcast v61, $0xF  }
0x1ce: {  	v9 =	vsel vm10, v9, v11;
	v63, _, _ =	vpop (xrf2)  }
0x1cf: {  	v9 =	vsel vm11, v9, v10;
	v10 =	vbroadcast v63, $0xF  }
0x1d0: {  	v11 =	vbroadcast v62, $0xF;
	_ =	sdelay $0x1  }
0x1d1: {  	v9 =	vsel vm12, v9, v11  }
0x1d2: {  	v9 =	vsel vm13, v9, v10;
	v10, _, _ =	vpop (xrf2)  }
0x1d3: {  	v9 =	vsel vm14, v9, v10  }
0x1d4: {  	v9 =	vadd.f32 v9, v8;
	_ =	sdelay $0x1  }
0x1d5: {  	v9 =	vsub.f32 $0.0e+00, v9;
	_ =	sdelay $0x1  }
0x1d6: {  	v9 =	vmul.f32 $1.442695020e+00, v9;
	_ =	sdelay $0x1  }
0x1d7: {  	(erf) = vpow2.f32 v9;
	_ =	sdelay $0x8  }
0x1d8: {  	v9 =	vpop (erf)  }
0x1d9: {  	v9 =	vadd.f32 $1.000000000e+00, v9;
	_ =	sdelay $0x1  }
0x1da: {  	(erf) = vrcp.f32 v9;
	_ =	sdelay $0x4  }
0x1db: {  	p0 =	sne.s32 s30, $0x7C0  }
.Ltmp0:
0x1dc: {  	_ = 	snop;
	(pc) =	sbr.rel @p0 .LBB2_2-.Ltmp0, $3  }
0x1dd: {  	_ =	sdelay $0x1  }
0x1de: {  	s12 =	rddreg [dreg:$0xd];
	v9 =	vpop (erf)  }
0x1df: {  	s30 =	sadd.s32 $0x40, s30;
	s7 =	simm.s32 $0x2400;
	s6 =	simm.s32 $0x1400;
	[tilespmem:s12+$0x10400] =	vst v9  }
0x1e0: {  	s2 =	rddreg [dreg:$0xa];
	s4 =	simm.s32 $0x10400  }
0x1e1: {  	[hbm4b:s2+s3] =	stream.linear.scatter [tilespmem:s4], [sflag:$0x3], $0x200, $0x38;
	[tilespmem:$0x10680] =	vst v63  }
0x1e2: {  	s4 =	simm.s32 $0x3  }
0x1e3: {  	_ =	swait.ge [sflag:s4], $0x200  }
0x1e4: {  	s5 =	rddreg [dreg:$0xc]  }
0x1e5: {  	s30 =	rddreg [dreg:$0xb];
	s5 =	sadd.s32 $0x1, s5  }
0x1e6: {  	p0 =	sne.s32 s5, s30  }
.Ltmp1:
0x1e7: {  	_ = 	snop;
	(pc) =	sbr.rel @p0 .LBB2_1-.Ltmp1, $3  }
0x1e8: {  	_ =	sdelay $0x1  }
0x1e9: {  	[sflag:s4] =	ssyncset.done $0x0  }
0x1ea: {  	[sflag:s4] =	ssyncadd.s32 $0xFFFFFE00  }
0x1eb: {  	_ =	sfence.sel $0x180000  }
0x1ec: {  	[bflag:$0x0] =	sbarrier.arrive $0xFFFF  }
0x1ed: {  	_ =	strace $0x90000047  }
0x1ee: {  	s0 =	stileid.u32;
	[bflag:$0x2] =	sbarrier.arrive $0xFFFF  }
0x1ef: {  	p0 =	sne.s32 s0, $0x0;
	s0 =	rddreg [dreg:$0x6]  }
0x1f0: {  	s0 =	sadd.s32 @!p0 $0x100000, s0  }
0x1f1: {  	[sflag:s0] =	ssyncadd.tile.s32 @!p0 $0x1;
	_ =	shalt  }
.Lfunc_end2:
_tile_overlayer_lowered:
.L_overlay_start_2:
0x1f2: {  	(tag) =	ssettag $0x2  }
0x1f3: {  	s0 =	rddreg [dreg:$0x0];
	s2 =	stileid.u32  }
0x1f4: {  	s1 =	rddreg [dreg:$0x1];
	p0 =	sne.s32 s2, $0x0  }
0x1f5: {  	s3 =	rddreg [dreg:$0x2];
	[bflag:$0x3] =	sbarrier.arrive $0xFFFF;
	s2 =	simm.s32 @!p0 $0x1C03  }
0x1f6: {  	[timem:s3], [sflag:s2] =	dma.local @!p0 [hbm:s0], s1  }
0x1f7: {  	s0 =	simm.s32 @!p0 $0x3  }
0x1f8: {  	_ =	swait.ge @!p0 [sflag:s0], s1  }
0x1f9: {  	s1 =	ssub.s32 @!p0 $0x0, s1;
	[sflag:s0] =	ssyncset.done @!p0 $0x0  }
0x1fa: {  	[sflag:s0] =	ssyncadd.s32 @!p0 s1  }
0x1fb: {  	[bflag:$0x3] =	sbarrier.arrive $0xFFFF  }
0x1fc: {  	_ =	shalt  }

</sc_bundles>
